<compile_context>
chip_gen: v7x
topology: tpu7x:2x2x1
jax: 0.10.2.dev20260603
libtpu: 0.0.44.dev20260713+nightly
codegen_flags: <defaults>
</compile_context>

<pallas_src>
import math

import jax
import jax.numpy as jnp
from jax import lax
from jax.experimental import pallas as pl
from jax.experimental.pallas import tpu as pltpu
from jax.experimental.pallas import tpu_sc as plsc

D_MODEL = 768
D_PHI = 64
NUM_BINS = 128
GAMMA = 1.0
BETA = 0.0
SEQ = 32768
M = 4096
SET_SIZE = 256
HASH_MUL = 1315423911 % NUM_BINS
HASH_ADD = 13 % NUM_BINS

L = 16
NUM_WORKERS = 32
SETS_PER_W = M // NUM_WORKERS


def _sc_hist_body(tok_hbm, idx_hbm, out_hbm, tok_v, idx_v, cnt_v):
    wid = lax.axis_index("s") * 2 + lax.axis_index("c")
    set_base = wid * SETS_PER_W
    pltpu.sync_copy(tok_hbm, tok_v)
    pltpu.sync_copy(idx_hbm.at[pl.ds(set_base, SETS_PER_W)], idx_v)

    zeros = jnp.zeros((L,), jnp.float32)

    @plsc.parallel_loop(0, SETS_PER_W, 1, unroll=4)
    def _(r):
        for j in range(NUM_BINS // L):
            cnt_v[r, pl.ds(j * L, L)] = zeros

    ones = jnp.ones((L,), jnp.float32)
    lane0 = jnp.zeros((L,), jnp.int32)

    @plsc.parallel_loop(0, SETS_PER_W, 1, unroll=2)
    def _(s):
        row = lane0 + s
        for j in range(SET_SIZE // L):
            iv = idx_v[s, pl.ds(j * L, L)]
            t = plsc.load_gather(tok_v, [iv])
            b = ((t & (NUM_BINS - 1)) * HASH_MUL + HASH_ADD) & (NUM_BINS - 1)
            plsc.addupdate_scatter(cnt_v, [row, b], ones)

    pltpu.sync_copy(cnt_v, out_hbm.at[pl.ds(set_base, SETS_PER_W)])


def _sc_histogram(token_ids, set_indices):
    mesh = plsc.VectorSubcoreMesh(core_axis_name="c", subcore_axis_name="s")
    run = pl.kernel(
        _sc_hist_body,
        out_type=jax.ShapeDtypeStruct((M, NUM_BINS), jnp.float32),
        mesh=mesh,
        scratch_types=[
            pltpu.VMEM((SEQ,), jnp.int32),
            pltpu.VMEM((SETS_PER_W, SET_SIZE), jnp.int32),
            pltpu.VMEM((SETS_PER_W, NUM_BINS), jnp.float32),
        ],
        compiler_params=pltpu.CompilerParams(needs_layout_passes=False),
    )
    return run(token_ids, set_indices)


BM_G = 512


def _geom_body(pr_ref, pc_ref, gw_ref, gb_ref, bias_ref, proj_ref):
    pr = pr_ref[...]
    pc = pc_ref[...]
    bias = -GAMMA * jnp.abs(pr - pc) + BETA
    bias_ref[...] = bias
    scale = math.exp(BETA)
    e_tile = scale * jnp.minimum(
        jnp.exp(-GAMMA * pr) * jnp.exp(GAMMA * pc),
        jnp.exp(GAMMA * pr) * jnp.exp(-GAMMA * pc))
    proj_ref[...] = jnp.dot(e_tile, gw_ref[...],
                            preferred_element_type=jnp.float32) + gb_ref[...]


def _geom(pos_row, pos_col, geom_w, geom_b):
    return pl.pallas_call(
        _geom_body,
        grid=(M // BM_G,),
        in_specs=[
            pl.BlockSpec((BM_G, 1), lambda i: (i, 0)),
            pl.BlockSpec((1, M), lambda i: (0, 0)),
            pl.BlockSpec((M, D_PHI), lambda i: (0, 0)),
            pl.BlockSpec((1, D_PHI), lambda i: (0, 0)),
        ],
        out_specs=[
            pl.BlockSpec((BM_G, M), lambda i: (i, 0)),
            pl.BlockSpec((BM_G, D_PHI), lambda i: (i, 0)),
        ],
        out_shape=[
            jax.ShapeDtypeStruct((M, M), jnp.float32),
            jax.ShapeDtypeStruct((M, D_PHI), jnp.float32),
        ],
    )(pos_row, pos_col, geom_w, geom_b)


BM_F = 2048


def _finalize_body(cnt_ref, sz_ref, pg_ref, st_ref, cw_ref, cb_ref,
                   f1g_ref, f1c_ref, fb1_ref, f2_ref, fb2_ref,
                   rf_ref, rfb_ref, rcw_ref, rcb_ref, phi_ref, desc_ref,
                   fold_w, fold_b):
    @pl.when(pl.program_id(0) == 0)
    def _():
        rf_bot = rf_ref[D_MODEL:, :]
        fold_w[...] = jnp.dot(rcw_ref[...], rf_bot,
                              preferred_element_type=jnp.float32)
        fold_b[...] = jnp.dot(rcb_ref[...], rf_bot,
                              preferred_element_type=jnp.float32) + rfb_ref[...]

    scaled = cnt_ref[...] / jnp.maximum(sz_ref[...].astype(jnp.float32), 1.0)
    pc = jnp.dot(scaled, cw_ref[...],
                 preferred_element_type=jnp.float32) + cb_ref[...]
    x = (jnp.dot(pg_ref[...], f1g_ref[...], preferred_element_type=jnp.float32)
         + jnp.dot(pc, f1c_ref[...], preferred_element_type=jnp.float32)
         + fb1_ref[...])
    h = 0.5 * x * (1.0 + lax.erf(x * 0.7071067811865476))
    phi_ref[...] = jnp.dot(h, f2_ref[...],
                           preferred_element_type=jnp.float32) + fb2_ref[...]
    desc_ref[...] = (
        jnp.dot(st_ref[...], rf_ref[:D_MODEL, :],
                preferred_element_type=jnp.float32)
        + jnp.dot(scaled, fold_w[...], preferred_element_type=jnp.float32)
        + fold_b[...])


def _finalize(counts, sizes, proj_geom, set_states, count_w, count_b,
              f1_geom, f1_cnt, fuse_b1, fuse_w2, fuse_b2,
              rfuse_w, rfuse_b, rcount_w, rcount_b):
    full = lambda r, c: pl.BlockSpec((r, c), lambda i: (0, 0))
    return pl.pallas_call(
        _finalize_body,
        grid=(M // BM_F,),
        in_specs=[
            pl.BlockSpec((BM_F, NUM_BINS), lambda i: (i, 0)),
            pl.BlockSpec((BM_F, 1), lambda i: (i, 0)),
            pl.BlockSpec((BM_F, D_PHI), lambda i: (i, 0)),
            pl.BlockSpec((BM_F, D_MODEL), lambda i: (i, 0)),
            full(NUM_BINS, D_PHI),
            full(1, D_PHI),
            full(D_PHI, D_PHI),
            full(D_PHI, D_PHI),
            full(1, D_PHI),
            full(D_PHI, D_PHI),
            full(1, D_PHI),
            full(2 * D_MODEL, D_MODEL),
            full(1, D_MODEL),
            full(NUM_BINS, D_MODEL),
            full(1, D_MODEL),
        ],
        out_specs=[
            pl.BlockSpec((BM_F, D_PHI), lambda i: (i, 0)),
            pl.BlockSpec((BM_F, D_MODEL), lambda i: (i, 0)),
        ],
        out_shape=[
            jax.ShapeDtypeStruct((M, D_PHI), jnp.float32),
            jax.ShapeDtypeStruct((M, D_MODEL), jnp.float32),
        ],
        scratch_shapes=[
            pltpu.VMEM((NUM_BINS, D_MODEL), jnp.float32),
            pltpu.VMEM((1, D_MODEL), jnp.float32),
        ],
    )(counts, sizes, proj_geom, set_states, count_w, count_b,
      f1_geom, f1_cnt, fuse_b1, fuse_w2, fuse_b2, rfuse_w, rfuse_b,
      rcount_w, rcount_b)


def kernel(token_ids, set_indices, set_sizes, set_positions, set_states,
           geom_w, geom_b, count_w, count_b, rcount_w, rcount_b,
           rfuse_w, rfuse_b, fuse_w1, fuse_b1, fuse_w2, fuse_b2):
    token_ids = token_ids.astype(jnp.int32)
    set_indices = set_indices.astype(jnp.int32)

    counts = _sc_histogram(token_ids, set_indices)

    geom_bias, proj_geom = _geom(
        set_positions.reshape(M, 1), set_positions.reshape(1, M),
        geom_w, geom_b.reshape(1, D_PHI))

    phi_attn, desc_router = _finalize(
        counts, set_sizes.reshape(M, 1), proj_geom,
        set_states, count_w, count_b.reshape(1, D_PHI),
        fuse_w1[:D_PHI], fuse_w1[D_PHI:], fuse_b1.reshape(1, D_PHI),
        fuse_w2, fuse_b2.reshape(1, D_PHI),
        rfuse_w, rfuse_b.reshape(1, D_MODEL), rcount_w,
        rcount_b.reshape(1, D_MODEL))

    return (phi_attn, desc_router, geom_bias)

# --- scband reference (transcript-rebuilt; emitter-appended) ---
"""Pipeline reference for scband-hashed-count-feature-builder-60593398612011 (READ-ONLY COPY).

The authoritative reference and input builder live on the scoring server;
editing this copy changes nothing except your own understanding.
"""

import jax, jax.numpy as jnp
import numpy as np

D_MODEL = 768
D_PHI = 64
MAX_SETS = 4096
NUM_BINS = 128
GAMMA = 1.0
BETA = 0.0
HASH_SEED = 13
SEQ = 32768
M = 4096
SET_SIZE = 256


def _lin(k, fi, fo):
    bound = 1.0 / np.sqrt(fi)
    return jax.random.uniform(k, (fi, fo), minval=-bound, maxval=bound, dtype=jnp.float32)


def setup_inputs(seed: int = 0) -> dict:
    key = jax.random.key(seed)
    ks = jax.random.split(key, 12)
    token_ids = jax.random.randint(ks[0], (SEQ,), 0, 50000)
    set_indices = jax.random.randint(ks[1], (M, SET_SIZE), 0, SEQ)
    set_sizes = jax.random.randint(ks[2], (M,), 1, SET_SIZE + 1)
    set_positions = jax.random.uniform(ks[3], (M,), dtype=jnp.float32)
    set_states = jax.random.normal(ks[4], (M, D_MODEL), dtype=jnp.float32) * 0.02
    geom_w = _lin(ks[5], MAX_SETS, D_PHI); geom_b = jnp.zeros((D_PHI,), jnp.float32)
    count_w = _lin(ks[6], NUM_BINS, D_PHI); count_b = jnp.zeros((D_PHI,), jnp.float32)
    rcount_w = _lin(ks[7], NUM_BINS, D_MODEL); rcount_b = jnp.zeros((D_MODEL,), jnp.float32)
    rfuse_w = _lin(ks[8], 2 * D_MODEL, D_MODEL); rfuse_b = jnp.zeros((D_MODEL,), jnp.float32)
    fuse_w1 = _lin(ks[9], 2 * D_PHI, D_PHI); fuse_b1 = jnp.zeros((D_PHI,), jnp.float32)
    fuse_w2 = _lin(ks[10], D_PHI, D_PHI); fuse_b2 = jnp.zeros((D_PHI,), jnp.float32)
    return dict(token_ids=token_ids, set_indices=set_indices, set_sizes=set_sizes,
                set_positions=set_positions, set_states=set_states,
                geom_w=geom_w, geom_b=geom_b, count_w=count_w, count_b=count_b,
                rcount_w=rcount_w, rcount_b=rcount_b, rfuse_w=rfuse_w, rfuse_b=rfuse_b,
                fuse_w1=fuse_w1, fuse_b1=fuse_b1, fuse_w2=fuse_w2, fuse_b2=fuse_b2)


def _hash_ids(t):
    # (t * 1315423911 + seed) % num_bins computed with modular arithmetic to avoid
    # int overflow: mod is a ring homomorphism so this is mathematically identical
    # for non-negative token ids.
    return ((t % NUM_BINS) * (1315423911 % NUM_BINS) + (HASH_SEED % NUM_BINS)) % NUM_BINS


def reference(token_ids, set_indices, set_sizes, set_positions, set_states,
              geom_w, geom_b, count_w, count_b, rcount_w, rcount_b,
              rfuse_w, rfuse_b, fuse_w1, fuse_b1, fuse_w2, fuse_b2):
    m, ssz = set_indices.shape
    valid = set_indices >= 0
    safe = jnp.where(valid, set_indices, 0)
    tokens = jnp.take(token_ids, safe, axis=0)            # gather [m, ssz]
    bins = _hash_ids(tokens)
    rows = jnp.broadcast_to(jnp.arange(m)[:, None], (m, ssz))
    counts = jnp.zeros((m, NUM_BINS), dtype=jnp.float32).at[
        rows.ravel(), bins.ravel()].add(valid.ravel().astype(jnp.float32))  # scatter-add histogram
    counts = counts / jnp.clip(set_sizes, 1, None)[:, None].astype(jnp.float32)
    delta = set_positions[:, None] - set_positions[None, :]
    geom_bias = -GAMMA * jnp.abs(delta) + BETA
    geom_row = jnp.exp(geom_bias)
    if m < MAX_SETS:
        geom_row = jnp.concatenate([geom_row, jnp.zeros((m, MAX_SETS - m), jnp.float32)], axis=-1)
    proj_geom = geom_row @ geom_w + geom_b
    proj_counts = counts @ count_w + count_b
    fused = jnp.concatenate([proj_geom, proj_counts], axis=-1)
    h = jax.nn.gelu(fused @ fuse_w1 + fuse_b1, approximate=False)
    phi_attn = h @ fuse_w2 + fuse_b2
    router_counts = counts @ rcount_w + rcount_b
    desc_router = jnp.concatenate([set_states, router_counts], axis=-1) @ rfuse_w + rfuse_b
    return (phi_attn, desc_router, geom_bias)

if __name__ == "__main__":
    import jax
    _d = setup_inputs()
    print(jax.jit(kernel)(*tuple(_d.values())))

</pallas_src>

<mosaic_0001>
#map = affine_map<(d0, d1) -> (0)>
#map1 = affine_map<(d0, d1) -> (0, 0)>
module attributes {stable_mosaic.version = 14 : i64} {
  func.func @_sc_hist_body(%arg0: i32, %arg1: i32, %arg2: memref<32768xi32, #tpu.memory_space<hbm>>, %arg3: memref<4096x256xi32, #tpu.memory_space<hbm>>, %arg4: memref<4096x128xf32, #tpu.memory_space<hbm>>, %arg5: memref<32768xi32, #tpu.memory_space<vmem>>, %arg6: memref<128x256xi32, #tpu.memory_space<vmem>>, %arg7: memref<128x128xf32, #tpu.memory_space<vmem>>) attributes {dimension_semantics = [#tpu.dimension_semantics<core_parallel>, #tpu.dimension_semantics<subcore_parallel>], iteration_bounds = array<i64: 2, 16>, scalar_prefetch = 0 : i64, scratch_operands = 3 : i64, tpu.core_type = #tpu.core_type<sc_vector_subcore>, window_params = [{transform_indices = #map}, {transform_indices = #map1}, {transform_indices = #map1}]} {
    %mul3A = arith.constant 2 : i32
    %mul3A_0 = arith.muli %arg1, %mul3A : i32
    %add3A = arith.addi %mul3A_0, %arg0 : i32
    %mul3A_1 = arith.constant 128 : i32
    %mul3A_2 = arith.muli %add3A, %mul3A_1 : i32
    "tpu.region"() ({
      %run_scoped3A = tpu.sem_alloc : memref<!tpu.dma_semaphore, #tpu.memory_space<semaphore_mem>>
      tpu.enqueue_dma source(%arg2 : memref<32768xi32, #tpu.memory_space<hbm>>) target(%arg5 : memref<32768xi32, #tpu.memory_space<vmem>>) target_semaphore(%run_scoped3A : memref<!tpu.dma_semaphore, #tpu.memory_space<semaphore_mem>>)
      tpu.wait_dma2 semaphore(%run_scoped3A : memref<!tpu.dma_semaphore, #tpu.memory_space<semaphore_mem>>) src(%arg2 : memref<32768xi32, #tpu.memory_space<hbm>>) dst(%arg5 : memref<32768xi32, #tpu.memory_space<vmem>>)
      tpu.yield
    }) : () -> ()
    "tpu.region"() ({
      %run_scoped3A = tpu.sem_alloc : memref<!tpu.dma_semaphore, #tpu.memory_space<semaphore_mem>>
      %dma_start3A = arith.constant 0 : i32
      %dma_start3A_13 = tpu.memref_slice %arg3[%mul3A_2, %dma_start3A] : memref<4096x256xi32, #tpu.memory_space<hbm>> -> memref<128x256xi32, #tpu.memory_space<hbm>>
      %dma_start3A_14 = arith.constant 0 : i32
      %dma_start3A_15 = tpu.memref_slice %arg3[%mul3A_2, %dma_start3A_14] : memref<4096x256xi32, #tpu.memory_space<hbm>> -> memref<128x256xi32, #tpu.memory_space<hbm>>
      tpu.enqueue_dma source(%dma_start3A_15 : memref<128x256xi32, #tpu.memory_space<hbm>>) target(%arg6 : memref<128x256xi32, #tpu.memory_space<vmem>>) target_semaphore(%run_scoped3A : memref<!tpu.dma_semaphore, #tpu.memory_space<semaphore_mem>>)
      %dma_wait3A = arith.constant 0 : i32
      %dma_wait3A_16 = tpu.memref_slice %arg3[%mul3A_2, %dma_wait3A] : memref<4096x256xi32, #tpu.memory_space<hbm>> -> memref<128x256xi32, #tpu.memory_space<hbm>>
      %dma_wait3A_17 = arith.constant 0 : i32
      %dma_wait3A_18 = tpu.memref_slice %arg3[%mul3A_2, %dma_wait3A_17] : memref<4096x256xi32, #tpu.memory_space<hbm>> -> memref<128x256xi32, #tpu.memory_space<hbm>>
      tpu.wait_dma2 semaphore(%run_scoped3A : memref<!tpu.dma_semaphore, #tpu.memory_space<semaphore_mem>>) src(%dma_wait3A_18 : memref<128x256xi32, #tpu.memory_space<hbm>>) dst(%arg6 : memref<128x256xi32, #tpu.memory_space<vmem>>)
      tpu.yield
    }) : () -> ()
    %broadcast_in_dim3A = arith.constant 0.000000e+00 : f32
    %broadcast_in_dim3A_3 = vector.broadcast %broadcast_in_dim3A : f32 to vector<16xf32>
    %parallel_loop3A = arith.constant 0 : i32
    %parallel_loop3A_4 = arith.constant 128 : i32
    %parallel_loop3A_5 = arith.constant 1 : i32
    scf.for %parallel_loop3A_13 = %parallel_loop3A to %parallel_loop3A_4 step %parallel_loop3A_5  : i32 {
      %parallel_loop3A_14 = arith.index_cast %parallel_loop3A_13 : i32 to index
      %parallel_loop3A_15 = arith.constant 0 : index
      %parallel_loop3A_16 = tpu.vector_load %arg7[%parallel_loop3A_14, %parallel_loop3A_15] {strides = array<i32>} : memref<128x128xf32, #tpu.memory_space<vmem>>, vector<16xf32>,
      tpu.vector_store %arg7[%parallel_loop3A_14, %parallel_loop3A_15], %broadcast_in_dim3A_3 {strides = array<i32>} : memref<128x128xf32, #tpu.memory_space<vmem>>, vector<16xf32>,
      %parallel_loop3A_17 = arith.index_cast %parallel_loop3A_13 : i32 to index
      %parallel_loop3A_18 = arith.constant 16 : index
      %parallel_loop3A_19 = tpu.vector_load %arg7[%parallel_loop3A_17, %parallel_loop3A_18] {strides = array<i32>} : memref<128x128xf32, #tpu.memory_space<vmem>>, vector<16xf32>,
      tpu.vector_store %arg7[%parallel_loop3A_17, %parallel_loop3A_18], %broadcast_in_dim3A_3 {strides = array<i32>} : memref<128x128xf32, #tpu.memory_space<vmem>>, vector<16xf32>,
      %parallel_loop3A_20 = arith.index_cast %parallel_loop3A_13 : i32 to index
      %parallel_loop3A_21 = arith.constant 32 : index
      %parallel_loop3A_22 = tpu.vector_load %arg7[%parallel_loop3A_20, %parallel_loop3A_21] {strides = array<i32>} : memref<128x128xf32, #tpu.memory_space<vmem>>, vector<16xf32>,
      tpu.vector_store %arg7[%parallel_loop3A_20, %parallel_loop3A_21], %broadcast_in_dim3A_3 {strides = array<i32>} : memref<128x128xf32, #tpu.memory_space<vmem>>, vector<16xf32>,
      %parallel_loop3A_23 = arith.index_cast %parallel_loop3A_13 : i32 to index
      %parallel_loop3A_24 = arith.constant 48 : index
      %parallel_loop3A_25 = tpu.vector_load %arg7[%parallel_loop3A_23, %parallel_loop3A_24] {strides = array<i32>} : memref<128x128xf32, #tpu.memory_space<vmem>>, vector<16xf32>,
      tpu.vector_store %arg7[%parallel_loop3A_23, %parallel_loop3A_24], %broadcast_in_dim3A_3 {strides = array<i32>} : memref<128x128xf32, #tpu.memory_space<vmem>>, vector<16xf32>,
      %parallel_loop3A_26 = arith.index_cast %parallel_loop3A_13 : i32 to index
      %parallel_loop3A_27 = arith.constant 64 : index
      %parallel_loop3A_28 = tpu.vector_load %arg7[%parallel_loop3A_26, %parallel_loop3A_27] {strides = array<i32>} : memref<128x128xf32, #tpu.memory_space<vmem>>, vector<16xf32>,
      tpu.vector_store %arg7[%parallel_loop3A_26, %parallel_loop3A_27], %broadcast_in_dim3A_3 {strides = array<i32>} : memref<128x128xf32, #tpu.memory_space<vmem>>, vector<16xf32>,
      %parallel_loop3A_29 = arith.index_cast %parallel_loop3A_13 : i32 to index
      %parallel_loop3A_30 = arith.constant 80 : index
      %parallel_loop3A_31 = tpu.vector_load %arg7[%parallel_loop3A_29, %parallel_loop3A_30] {strides = array<i32>} : memref<128x128xf32, #tpu.memory_space<vmem>>, vector<16xf32>,
      tpu.vector_store %arg7[%parallel_loop3A_29, %parallel_loop3A_30], %broadcast_in_dim3A_3 {strides = array<i32>} : memref<128x128xf32, #tpu.memory_space<vmem>>, vector<16xf32>,
      %parallel_loop3A_32 = arith.index_cast %parallel_loop3A_13 : i32 to index
      %parallel_loop3A_33 = arith.constant 96 : index
      %parallel_loop3A_34 = tpu.vector_load %arg7[%parallel_loop3A_32, %parallel_loop3A_33] {strides = array<i32>} : memref<128x128xf32, #tpu.memory_space<vmem>>, vector<16xf32>,
      tpu.vector_store %arg7[%parallel_loop3A_32, %parallel_loop3A_33], %broadcast_in_dim3A_3 {strides = array<i32>} : memref<128x128xf32, #tpu.memory_space<vmem>>, vector<16xf32>,
      %parallel_loop3A_35 = arith.index_cast %parallel_loop3A_13 : i32 to index
      %parallel_loop3A_36 = arith.constant 112 : index
      %parallel_loop3A_37 = tpu.vector_load %arg7[%parallel_loop3A_35, %parallel_loop3A_36] {strides = array<i32>} : memref<128x128xf32, #tpu.memory_space<vmem>>, vector<16xf32>,
      tpu.vector_store %arg7[%parallel_loop3A_35, %parallel_loop3A_36], %broadcast_in_dim3A_3 {strides = array<i32>} : memref<128x128xf32, #tpu.memory_space<vmem>>, vector<16xf32>,
    } {sc.loop_unroll_factor = 4 : i64, sc.parallel_access}
    %broadcast_in_dim3A_6 = arith.constant 1.000000e+00 : f32
    %broadcast_in_dim3A_7 = vector.broadcast %broadcast_in_dim3A_6 : f32 to vector<16xf32>
    %broadcast_in_dim3A_8 = arith.constant 0 : i32
    %broadcast_in_dim3A_9 = vector.broadcast %broadcast_in_dim3A_8 : i32 to vector<16xi32>
    %parallel_loop3A_10 = arith.constant 0 : i32
    %parallel_loop3A_11 = arith.constant 128 : i32
    %parallel_loop3A_12 = arith.constant 1 : i32
    scf.for %parallel_loop3A_13 = %parallel_loop3A_10 to %parallel_loop3A_11 step %parallel_loop3A_12  : i32 {
      %parallel_loop3A_14 = vector.broadcast %parallel_loop3A_13 : i32 to vector<16xi32>
      %parallel_loop3A_15 = arith.addi %broadcast_in_dim3A_9, %parallel_loop3A_14 : vector<16xi32>
      %parallel_loop3A_16 = arith.index_cast %parallel_loop3A_13 : i32 to index
      %parallel_loop3A_17 = arith.constant 0 : index
      %parallel_loop3A_18 = tpu.vector_load %arg6[%parallel_loop3A_16, %parallel_loop3A_17] {strides = array<i32>} : memref<128x256xi32, #tpu.memory_space<vmem>>, vector<16xi32>,
      %parallel_loop3A_19 = tpu.vector_load_idx %arg5[%parallel_loop3A_18] : memref<32768xi32, #tpu.memory_space<vmem>>[vector<16xi32>], vector<16xi32>,
      %parallel_loop3A_20 = arith.constant 127 : i32
      %parallel_loop3A_21 = vector.broadcast %parallel_loop3A_20 : i32 to vector<16xi32>
      %parallel_loop3A_22 = arith.andi %parallel_loop3A_19, %parallel_loop3A_21 : vector<16xi32>
      %parallel_loop3A_23 = arith.constant 39 : i32
      %parallel_loop3A_24 = vector.broadcast %parallel_loop3A_23 : i32 to vector<16xi32>
      %parallel_loop3A_25 = arith.muli %parallel_loop3A_22, %parallel_loop3A_24 : vector<16xi32>
      %parallel_loop3A_26 = arith.constant 13 : i32
      %parallel_loop3A_27 = vector.broadcast %parallel_loop3A_26 : i32 to vector<16xi32>
      %parallel_loop3A_28 = arith.addi %parallel_loop3A_25, %parallel_loop3A_27 : vector<16xi32>
      %parallel_loop3A_29 = arith.constant 127 : i32
      %parallel_loop3A_30 = vector.broadcast %parallel_loop3A_29 : i32 to vector<16xi32>
      %parallel_loop3A_31 = arith.andi %parallel_loop3A_28, %parallel_loop3A_30 : vector<16xi32>
      tpu.vector_store_idx %arg7[%parallel_loop3A_15, %parallel_loop3A_31], %broadcast_in_dim3A_7 {add = true} : memref<128x128xf32, #tpu.memory_space<vmem>>[vector<16xi32>, vector<16xi32>], vector<16xf32>,
      %parallel_loop3A_32 = arith.index_cast %parallel_loop3A_13 : i32 to index
      %parallel_loop3A_33 = arith.constant 16 : index
      %parallel_loop3A_34 = tpu.vector_load %arg6[%parallel_loop3A_32, %parallel_loop3A_33] {strides = array<i32>} : memref<128x256xi32, #tpu.memory_space<vmem>>, vector<16xi32>,
      %parallel_loop3A_35 = tpu.vector_load_idx %arg5[%parallel_loop3A_34] : memref<32768xi32, #tpu.memory_space<vmem>>[vector<16xi32>], vector<16xi32>,
      %parallel_loop3A_36 = arith.constant 127 : i32
      %parallel_loop3A_37 = vector.broadcast %parallel_loop3A_36 : i32 to vector<16xi32>
      %parallel_loop3A_38 = arith.andi %parallel_loop3A_35, %parallel_loop3A_37 : vector<16xi32>
      %parallel_loop3A_39 = arith.constant 39 : i32
      %parallel_loop3A_40 = vector.broadcast %parallel_loop3A_39 : i32 to vector<16xi32>
      %parallel_loop3A_41 = arith.muli %parallel_loop3A_38, %parallel_loop3A_40 : vector<16xi32>
      %parallel_loop3A_42 = arith.constant 13 : i32
      %parallel_loop3A_43 = vector.broadcast %parallel_loop3A_42 : i32 to vector<16xi32>
      %parallel_loop3A_44 = arith.addi %parallel_loop3A_41, %parallel_loop3A_43 : vector<16xi32>
      %parallel_loop3A_45 = arith.constant 127 : i32
      %parallel_loop3A_46 = vector.broadcast %parallel_loop3A_45 : i32 to vector<16xi32>
      %parallel_loop3A_47 = arith.andi %parallel_loop3A_44, %parallel_loop3A_46 : vector<16xi32>
      tpu.vector_store_idx %arg7[%parallel_loop3A_15, %parallel_loop3A_47], %broadcast_in_dim3A_7 {add = true} : memref<128x128xf32, #tpu.memory_space<vmem>>[vector<16xi32>, vector<16xi32>], vector<16xf32>,
      %parallel_loop3A_48 = arith.index_cast %parallel_loop3A_13 : i32 to index
      %parallel_loop3A_49 = arith.constant 32 : index
      %parallel_loop3A_50 = tpu.vector_load %arg6[%parallel_loop3A_48, %parallel_loop3A_49] {strides = array<i32>} : memref<128x256xi32, #tpu.memory_space<vmem>>, vector<16xi32>,
      %parallel_loop3A_51 = tpu.vector_load_idx %arg5[%parallel_loop3A_50] : memref<32768xi32, #tpu.memory_space<vmem>>[vector<16xi32>], vector<16xi32>,
      %parallel_loop3A_52 = arith.constant 127 : i32
      %parallel_loop3A_53 = vector.broadcast %parallel_loop3A_52 : i32 to vector<16xi32>
      %parallel_loop3A_54 = arith.andi %parallel_loop3A_51, %parallel_loop3A_53 : vector<16xi32>
      %parallel_loop3A_55 = arith.constant 39 : i32
      %parallel_loop3A_56 = vector.broadcast %parallel_loop3A_55 : i32 to vector<16xi32>
      %parallel_loop3A_57 = arith.muli %parallel_loop3A_54, %parallel_loop3A_56 : vector<16xi32>
      %parallel_loop3A_58 = arith.constant 13 : i32
      %parallel_loop3A_59 = vector.broadcast %parallel_loop3A_58 : i32 to vector<16xi32>
      %parallel_loop3A_60 = arith.addi %parallel_loop3A_57, %parallel_loop3A_59 : vector<16xi32>
      %parallel_loop3A_61 = arith.constant 127 : i32
      %parallel_loop3A_62 = vector.broadcast %parallel_loop3A_61 : i32 to vector<16xi32>
      %parallel_loop3A_63 = arith.andi %parallel_loop3A_60, %parallel_loop3A_62 : vector<16xi32>
      tpu.vector_store_idx %arg7[%parallel_loop3A_15, %parallel_loop3A_63], %broadcast_in_dim3A_7 {add = true} : memref<128x128xf32, #tpu.memory_space<vmem>>[vector<16xi32>, vector<16xi32>], vector<16xf32>,
      %parallel_loop3A_64 = arith.index_cast %parallel_loop3A_13 : i32 to index
      %parallel_loop3A_65 = arith.constant 48 : index
      %parallel_loop3A_66 = tpu.vector_load %arg6[%parallel_loop3A_64, %parallel_loop3A_65] {strides = array<i32>} : memref<128x256xi32, #tpu.memory_space<vmem>>, vector<16xi32>,
      %parallel_loop3A_67 = tpu.vector_load_idx %arg5[%parallel_loop3A_66] : memref<32768xi32, #tpu.memory_space<vmem>>[vector<16xi32>], vector<16xi32>,
      %parallel_loop3A_68 = arith.constant 127 : i32
      %parallel_loop3A_69 = vector.broadcast %parallel_loop3A_68 : i32 to vector<16xi32>
      %parallel_loop3A_70 = arith.andi %parallel_loop3A_67, %parallel_loop3A_69 : vector<16xi32>
      %parallel_loop3A_71 = arith.constant 39 : i32
      %parallel_loop3A_72 = vector.broadcast %parallel_loop3A_71 : i32 to vector<16xi32>
      %parallel_loop3A_73 = arith.muli %parallel_loop3A_70, %parallel_loop3A_72 : vector<16xi32>
      %parallel_loop3A_74 = arith.constant 13 : i32
      %parallel_loop3A_75 = vector.broadcast %parallel_loop3A_74 : i32 to vector<16xi32>
      %parallel_loop3A_76 = arith.addi %parallel_loop3A_73, %parallel_loop3A_75 : vector<16xi32>
      %parallel_loop3A_77 = arith.constant 127 : i32
      %parallel_loop3A_78 = vector.broadcast %parallel_loop3A_77 : i32 to vector<16xi32>
      %parallel_loop3A_79 = arith.andi %parallel_loop3A_76, %parallel_loop3A_78 : vector<16xi32>
      tpu.vector_store_idx %arg7[%parallel_loop3A_15, %parallel_loop3A_79], %broadcast_in_dim3A_7 {add = true} : memref<128x128xf32, #tpu.memory_space<vmem>>[vector<16xi32>, vector<16xi32>], vector<16xf32>,
      %parallel_loop3A_80 = arith.index_cast %parallel_loop3A_13 : i32 to index
      %parallel_loop3A_81 = arith.constant 64 : index
      %parallel_loop3A_82 = tpu.vector_load %arg6[%parallel_loop3A_80, %parallel_loop3A_81] {strides = array<i32>} : memref<128x256xi32, #tpu.memory_space<vmem>>, vector<16xi32>,
      %parallel_loop3A_83 = tpu.vector_load_idx %arg5[%parallel_loop3A_82] : memref<32768xi32, #tpu.memory_space<vmem>>[vector<16xi32>], vector<16xi32>,
      %parallel_loop3A_84 = arith.constant 127 : i32
      %parallel_loop3A_85 = vector.broadcast %parallel_loop3A_84 : i32 to vector<16xi32>
      %parallel_loop3A_86 = arith.andi %parallel_loop3A_83, %parallel_loop3A_85 : vector<16xi32>
      %parallel_loop3A_87 = arith.constant 39 : i32
      %parallel_loop3A_88 = vector.broadcast %parallel_loop3A_87 : i32 to vector<16xi32>
      %parallel_loop3A_89 = arith.muli %parallel_loop3A_86, %parallel_loop3A_88 : vector<16xi32>
      %parallel_loop3A_90 = arith.constant 13 : i32
      %parallel_loop3A_91 = vector.broadcast %parallel_loop3A_90 : i32 to vector<16xi32>
      %parallel_loop3A_92 = arith.addi %parallel_loop3A_89, %parallel_loop3A_91 : vector<16xi32>
      %parallel_loop3A_93 = arith.constant 127 : i32
      %parallel_loop3A_94 = vector.broadcast %parallel_loop3A_93 : i32 to vector<16xi32>
      %parallel_loop3A_95 = arith.andi %parallel_loop3A_92, %parallel_loop3A_94 : vector<16xi32>
      tpu.vector_store_idx %arg7[%parallel_loop3A_15, %parallel_loop3A_95], %broadcast_in_dim3A_7 {add = true} : memref<128x128xf32, #tpu.memory_space<vmem>>[vector<16xi32>, vector<16xi32>], vector<16xf32>,
      %parallel_loop3A_96 = arith.index_cast %parallel_loop3A_13 : i32 to index
      %parallel_loop3A_97 = arith.constant 80 : index
      %parallel_loop3A_98 = tpu.vector_load %arg6[%parallel_loop3A_96, %parallel_loop3A_97] {strides = array<i32>} : memref<128x256xi32, #tpu.memory_space<vmem>>, vector<16xi32>,
      %parallel_loop3A_99 = tpu.vector_load_idx %arg5[%parallel_loop3A_98] : memref<32768xi32, #tpu.memory_space<vmem>>[vector<16xi32>], vector<16xi32>,
      %parallel_loop3A_100 = arith.constant 127 : i32
      %parallel_loop3A_101 = vector.broadcast %parallel_loop3A_100 : i32 to vector<16xi32>
      %parallel_loop3A_102 = arith.andi %parallel_loop3A_99, %parallel_loop3A_101 : vector<16xi32>
      %parallel_loop3A_103 = arith.constant 39 : i32
      %parallel_loop3A_104 = vector.broadcast %parallel_loop3A_103 : i32 to vector<16xi32>
      %parallel_loop3A_105 = arith.muli %parallel_loop3A_102, %parallel_loop3A_104 : vector<16xi32>
      %parallel_loop3A_106 = arith.constant 13 : i32
      %parallel_loop3A_107 = vector.broadcast %parallel_loop3A_106 : i32 to vector<16xi32>
      %parallel_loop3A_108 = arith.addi %parallel_loop3A_105, %parallel_loop3A_107 : vector<16xi32>
      %parallel_loop3A_109 = arith.constant 127 : i32
      %parallel_loop3A_110 = vector.broadcast %parallel_loop3A_109 : i32 to vector<16xi32>
      %parallel_loop3A_111 = arith.andi %parallel_loop3A_108, %parallel_loop3A_110 : vector<16xi32>
      tpu.vector_store_idx %arg7[%parallel_loop3A_15, %parallel_loop3A_111], %broadcast_in_dim3A_7 {add = true} : memref<128x128xf32, #tpu.memory_space<vmem>>[vector<16xi32>, vector<16xi32>], vector<16xf32>,
      %parallel_loop3A_112 = arith.index_cast %parallel_loop3A_13 : i32 to index
      %parallel_loop3A_113 = arith.constant 96 : index
      %parallel_loop3A_114 = tpu.vector_load %arg6[%parallel_loop3A_112, %parallel_loop3A_113] {strides = array<i32>} : memref<128x256xi32, #tpu.memory_space<vmem>>, vector<16xi32>,
      %parallel_loop3A_115 = tpu.vector_load_idx %arg5[%parallel_loop3A_114] : memref<32768xi32, #tpu.memory_space<vmem>>[vector<16xi32>], vector<16xi32>,
      %parallel_loop3A_116 = arith.constant 127 : i32
      %parallel_loop3A_117 = vector.broadcast %parallel_loop3A_116 : i32 to vector<16xi32>
      %parallel_loop3A_118 = arith.andi %parallel_loop3A_115, %parallel_loop3A_117 : vector<16xi32>
      %parallel_loop3A_119 = arith.constant 39 : i32
      %parallel_loop3A_120 = vector.broadcast %parallel_loop3A_119 : i32 to vector<16xi32>
      %parallel_loop3A_121 = arith.muli %parallel_loop3A_118, %parallel_loop3A_120 : vector<16xi32>
      %parallel_loop3A_122 = arith.constant 13 : i32
      %parallel_loop3A_123 = vector.broadcast %parallel_loop3A_122 : i32 to vector<16xi32>
      %parallel_loop3A_124 = arith.addi %parallel_loop3A_121, %parallel_loop3A_123 : vector<16xi32>
      %parallel_loop3A_125 = arith.constant 127 : i32
      %parallel_loop3A_126 = vector.broadcast %parallel_loop3A_125 : i32 to vector<16xi32>
      %parallel_loop3A_127 = arith.andi %parallel_loop3A_124, %parallel_loop3A_126 : vector<16xi32>
      tpu.vector_store_idx %arg7[%parallel_loop3A_15, %parallel_loop3A_127], %broadcast_in_dim3A_7 {add = true} : memref<128x128xf32, #tpu.memory_space<vmem>>[vector<16xi32>, vector<16xi32>], vector<16xf32>,
      %parallel_loop3A_128 = arith.index_cast %parallel_loop3A_13 : i32 to index
      %parallel_loop3A_129 = arith.constant 112 : index
      %parallel_loop3A_130 = tpu.vector_load %arg6[%parallel_loop3A_128, %parallel_loop3A_129] {strides = array<i32>} : memref<128x256xi32, #tpu.memory_space<vmem>>, vector<16xi32>,
      %parallel_loop3A_131 = tpu.vector_load_idx %arg5[%parallel_loop3A_130] : memref<32768xi32, #tpu.memory_space<vmem>>[vector<16xi32>], vector<16xi32>,
      %parallel_loop3A_132 = arith.constant 127 : i32
      %parallel_loop3A_133 = vector.broadcast %parallel_loop3A_132 : i32 to vector<16xi32>
      %parallel_loop3A_134 = arith.andi %parallel_loop3A_131, %parallel_loop3A_133 : vector<16xi32>
      %parallel_loop3A_135 = arith.constant 39 : i32
      %parallel_loop3A_136 = vector.broadcast %parallel_loop3A_135 : i32 to vector<16xi32>
      %parallel_loop3A_137 = arith.muli %parallel_loop3A_134, %parallel_loop3A_136 : vector<16xi32>
      %parallel_loop3A_138 = arith.constant 13 : i32
      %parallel_loop3A_139 = vector.broadcast %parallel_loop3A_138 : i32 to vector<16xi32>
      %parallel_loop3A_140 = arith.addi %parallel_loop3A_137, %parallel_loop3A_139 : vector<16xi32>
      %parallel_loop3A_141 = arith.constant 127 : i32
      %parallel_loop3A_142 = vector.broadcast %parallel_loop3A_141 : i32 to vector<16xi32>
      %parallel_loop3A_143 = arith.andi %parallel_loop3A_140, %parallel_loop3A_142 : vector<16xi32>
      tpu.vector_store_idx %arg7[%parallel_loop3A_15, %parallel_loop3A_143], %broadcast_in_dim3A_7 {add = true} : memref<128x128xf32, #tpu.memory_space<vmem>>[vector<16xi32>, vector<16xi32>], vector<16xf32>,
      %parallel_loop3A_144 = arith.index_cast %parallel_loop3A_13 : i32 to index
      %parallel_loop3A_145 = arith.constant 128 : index
      %parallel_loop3A_146 = tpu.vector_load %arg6[%parallel_loop3A_144, %parallel_loop3A_145] {strides = array<i32>} : memref<128x256xi32, #tpu.memory_space<vmem>>, vector<16xi32>,
      %parallel_loop3A_147 = tpu.vector_load_idx %arg5[%parallel_loop3A_146] : memref<32768xi32, #tpu.memory_space<vmem>>[vector<16xi32>], vector<16xi32>,
      %parallel_loop3A_148 = arith.constant 127 : i32
      %parallel_loop3A_149 = vector.broadcast %parallel_loop3A_148 : i32 to vector<16xi32>
      %parallel_loop3A_150 = arith.andi %parallel_loop3A_147, %parallel_loop3A_149 : vector<16xi32>
      %parallel_loop3A_151 = arith.constant 39 : i32
      %parallel_loop3A_152 = vector.broadcast %parallel_loop3A_151 : i32 to vector<16xi32>
      %parallel_loop3A_153 = arith.muli %parallel_loop3A_150, %parallel_loop3A_152 : vector<16xi32>
      %parallel_loop3A_154 = arith.constant 13 : i32
      %parallel_loop3A_155 = vector.broadcast %parallel_loop3A_154 : i32 to vector<16xi32>
      %parallel_loop3A_156 = arith.addi %parallel_loop3A_153, %parallel_loop3A_155 : vector<16xi32>
      %parallel_loop3A_157 = arith.constant 127 : i32
      %parallel_loop3A_158 = vector.broadcast %parallel_loop3A_157 : i32 to vector<16xi32>
      %parallel_loop3A_159 = arith.andi %parallel_loop3A_156, %parallel_loop3A_158 : vector<16xi32>
      tpu.vector_store_idx %arg7[%parallel_loop3A_15, %parallel_loop3A_159], %broadcast_in_dim3A_7 {add = true} : memref<128x128xf32, #tpu.memory_space<vmem>>[vector<16xi32>, vector<16xi32>], vector<16xf32>,
      %parallel_loop3A_160 = arith.index_cast %parallel_loop3A_13 : i32 to index
      %parallel_loop3A_161 = arith.constant 144 : index
      %parallel_loop3A_162 = tpu.vector_load %arg6[%parallel_loop3A_160, %parallel_loop3A_161] {strides = array<i32>} : memref<128x256xi32, #tpu.memory_space<vmem>>, vector<16xi32>,
      %parallel_loop3A_163 = tpu.vector_load_idx %arg5[%parallel_loop3A_162] : memref<32768xi32, #tpu.memory_space<vmem>>[vector<16xi32>], vector<16xi32>,
      %parallel_loop3A_164 = arith.constant 127 : i32
      %parallel_loop3A_165 = vector.broadcast %parallel_loop3A_164 : i32 to vector<16xi32>
      %parallel_loop3A_166 = arith.andi %parallel_loop3A_163, %parallel_loop3A_165 : vector<16xi32>
      %parallel_loop3A_167 = arith.constant 39 : i32
      %parallel_loop3A_168 = vector.broadcast %parallel_loop3A_167 : i32 to vector<16xi32>
      %parallel_loop3A_169 = arith.muli %parallel_loop3A_166, %parallel_loop3A_168 : vector<16xi32>
      %parallel_loop3A_170 = arith.constant 13 : i32
      %parallel_loop3A_171 = vector.broadcast %parallel_loop3A_170 : i32 to vector<16xi32>
      %parallel_loop3A_172 = arith.addi %parallel_loop3A_169, %parallel_loop3A_171 : vector<16xi32>
      %parallel_loop3A_173 = arith.constant 127 : i32
      %parallel_loop3A_174 = vector.broadcast %parallel_loop3A_173 : i32 to vector<16xi32>
      %parallel_loop3A_175 = arith.andi %parallel_loop3A_172, %parallel_loop3A_174 : vector<16xi32>
      tpu.vector_store_idx %arg7[%parallel_loop3A_15, %parallel_loop3A_175], %broadcast_in_dim3A_7 {add = true} : memref<128x128xf32, #tpu.memory_space<vmem>>[vector<16xi32>, vector<16xi32>], vector<16xf32>,
      %parallel_loop3A_176 = arith.index_cast %parallel_loop3A_13 : i32 to index
      %parallel_loop3A_177 = arith.constant 160 : index
      %parallel_loop3A_178 = tpu.vector_load %arg6[%parallel_loop3A_176, %parallel_loop3A_177] {strides = array<i32>} : memref<128x256xi32, #tpu.memory_space<vmem>>, vector<16xi32>,
      %parallel_loop3A_179 = tpu.vector_load_idx %arg5[%parallel_loop3A_178] : memref<32768xi32, #tpu.memory_space<vmem>>[vector<16xi32>], vector<16xi32>,
      %parallel_loop3A_180 = arith.constant 127 : i32
      %parallel_loop3A_181 = vector.broadcast %parallel_loop3A_180 : i32 to vector<16xi32>
      %parallel_loop3A_182 = arith.andi %parallel_loop3A_179, %parallel_loop3A_181 : vector<16xi32>
      %parallel_loop3A_183 = arith.constant 39 : i32
      %parallel_loop3A_184 = vector.broadcast %parallel_loop3A_183 : i32 to vector<16xi32>
      %parallel_loop3A_185 = arith.muli %parallel_loop3A_182, %parallel_loop3A_184 : vector<16xi32>
      %parallel_loop3A_186 = arith.constant 13 : i32
      %parallel_loop3A_187 = vector.broadcast %parallel_loop3A_186 : i32 to vector<16xi32>
      %parallel_loop3A_188 = arith.addi %parallel_loop3A_185, %parallel_loop3A_187 : vector<16xi32>
      %parallel_loop3A_189 = arith.constant 127 : i32
      %parallel_loop3A_190 = vector.broadcast %parallel_loop3A_189 : i32 to vector<16xi32>
      %parallel_loop3A_191 = arith.andi %parallel_loop3A_188, %parallel_loop3A_190 : vector<16xi32>
      tpu.vector_store_idx %arg7[%parallel_loop3A_15, %parallel_loop3A_191], %broadcast_in_dim3A_7 {add = true} : memref<128x128xf32, #tpu.memory_space<vmem>>[vector<16xi32>, vector<16xi32>], vector<16xf32>,
      %parallel_loop3A_192 = arith.index_cast %parallel_loop3A_13 : i32 to index
      %parallel_loop3A_193 = arith.constant 176 : index
      %parallel_loop3A_194 = tpu.vector_load %arg6[%parallel_loop3A_192, %parallel_loop3A_193] {strides = array<i32>} : memref<128x256xi32, #tpu.memory_space<vmem>>, vector<16xi32>,
      %parallel_loop3A_195 = tpu.vector_load_idx %arg5[%parallel_loop3A_194] : memref<32768xi32, #tpu.memory_space<vmem>>[vector<16xi32>], vector<16xi32>,
      %parallel_loop3A_196 = arith.constant 127 : i32
      %parallel_loop3A_197 = vector.broadcast %parallel_loop3A_196 : i32 to vector<16xi32>
      %parallel_loop3A_198 = arith.andi %parallel_loop3A_195, %parallel_loop3A_197 : vector<16xi32>
      %parallel_loop3A_199 = arith.constant 39 : i32
      %parallel_loop3A_200 = vector.broadcast %parallel_loop3A_199 : i32 to vector<16xi32>
      %parallel_loop3A_201 = arith.muli %parallel_loop3A_198, %parallel_loop3A_200 : vector<16xi32>
      %parallel_loop3A_202 = arith.constant 13 : i32
      %parallel_loop3A_203 = vector.broadcast %parallel_loop3A_202 : i32 to vector<16xi32>
      %parallel_loop3A_204 = arith.addi %parallel_loop3A_201, %parallel_loop3A_203 : vector<16xi32>
      %parallel_loop3A_205 = arith.constant 127 : i32
      %parallel_loop3A_206 = vector.broadcast %parallel_loop3A_205 : i32 to vector<16xi32>
      %parallel_loop3A_207 = arith.andi %parallel_loop3A_204, %parallel_loop3A_206 : vector<16xi32>
      tpu.vector_store_idx %arg7[%parallel_loop3A_15, %parallel_loop3A_207], %broadcast_in_dim3A_7 {add = true} : memref<128x128xf32, #tpu.memory_space<vmem>>[vector<16xi32>, vector<16xi32>], vector<16xf32>,
      %parallel_loop3A_208 = arith.index_cast %parallel_loop3A_13 : i32 to index
      %parallel_loop3A_209 = arith.constant 192 : index
      %parallel_loop3A_210 = tpu.vector_load %arg6[%parallel_loop3A_208, %parallel_loop3A_209] {strides = array<i32>} : memref<128x256xi32, #tpu.memory_space<vmem>>, vector<16xi32>,
      %parallel_loop3A_211 = tpu.vector_load_idx %arg5[%parallel_loop3A_210] : memref<32768xi32, #tpu.memory_space<vmem>>[vector<16xi32>], vector<16xi32>,
      %parallel_loop3A_212 = arith.constant 127 : i32
      %parallel_loop3A_213 = vector.broadcast %parallel_loop3A_212 : i32 to vector<16xi32>
      %parallel_loop3A_214 = arith.andi %parallel_loop3A_211, %parallel_loop3A_213 : vector<16xi32>
      %parallel_loop3A_215 = arith.constant 39 : i32
      %parallel_loop3A_216 = vector.broadcast %parallel_loop3A_215 : i32 to vector<16xi32>
      %parallel_loop3A_217 = arith.muli %parallel_loop3A_214, %parallel_loop3A_216 : vector<16xi32>
      %parallel_loop3A_218 = arith.constant 13 : i32
      %parallel_loop3A_219 = vector.broadcast %parallel_loop3A_218 : i32 to vector<16xi32>
      %parallel_loop3A_220 = arith.addi %parallel_loop3A_217, %parallel_loop3A_219 : vector<16xi32>
      %parallel_loop3A_221 = arith.constant 127 : i32
      %parallel_loop3A_222 = vector.broadcast %parallel_loop3A_221 : i32 to vector<16xi32>
      %parallel_loop3A_223 = arith.andi %parallel_loop3A_220, %parallel_loop3A_222 : vector<16xi32>
      tpu.vector_store_idx %arg7[%parallel_loop3A_15, %parallel_loop3A_223], %broadcast_in_dim3A_7 {add = true} : memref<128x128xf32, #tpu.memory_space<vmem>>[vector<16xi32>, vector<16xi32>], vector<16xf32>,
      %parallel_loop3A_224 = arith.index_cast %parallel_loop3A_13 : i32 to index
      %parallel_loop3A_225 = arith.constant 208 : index
      %parallel_loop3A_226 = tpu.vector_load %arg6[%parallel_loop3A_224, %parallel_loop3A_225] {strides = array<i32>} : memref<128x256xi32, #tpu.memory_space<vmem>>, vector<16xi32>,
      %parallel_loop3A_227 = tpu.vector_load_idx %arg5[%parallel_loop3A_226] : memref<32768xi32, #tpu.memory_space<vmem>>[vector<16xi32>], vector<16xi32>,
      %parallel_loop3A_228 = arith.constant 127 : i32
      %parallel_loop3A_229 = vector.broadcast %parallel_loop3A_228 : i32 to vector<16xi32>
      %parallel_loop3A_230 = arith.andi %parallel_loop3A_227, %parallel_loop3A_229 : vector<16xi32>
      %parallel_loop3A_231 = arith.constant 39 : i32
      %parallel_loop3A_232 = vector.broadcast %parallel_loop3A_231 : i32 to vector<16xi32>
      %parallel_loop3A_233 = arith.muli %parallel_loop3A_230, %parallel_loop3A_232 : vector<16xi32>
      %parallel_loop3A_234 = arith.constant 13 : i32
      %parallel_loop3A_235 = vector.broadcast %parallel_loop3A_234 : i32 to vector<16xi32>
      %parallel_loop3A_236 = arith.addi %parallel_loop3A_233, %parallel_loop3A_235 : vector<16xi32>
      %parallel_loop3A_237 = arith.constant 127 : i32
      %parallel_loop3A_238 = vector.broadcast %parallel_loop3A_237 : i32 to vector<16xi32>
      %parallel_loop3A_239 = arith.andi %parallel_loop3A_236, %parallel_loop3A_238 : vector<16xi32>
      tpu.vector_store_idx %arg7[%parallel_loop3A_15, %parallel_loop3A_239], %broadcast_in_dim3A_7 {add = true} : memref<128x128xf32, #tpu.memory_space<vmem>>[vector<16xi32>, vector<16xi32>], vector<16xf32>,
      %parallel_loop3A_240 = arith.index_cast %parallel_loop3A_13 : i32 to index
      %parallel_loop3A_241 = arith.constant 224 : index
      %parallel_loop3A_242 = tpu.vector_load %arg6[%parallel_loop3A_240, %parallel_loop3A_241] {strides = array<i32>} : memref<128x256xi32, #tpu.memory_space<vmem>>, vector<16xi32>,
      %parallel_loop3A_243 = tpu.vector_load_idx %arg5[%parallel_loop3A_242] : memref<32768xi32, #tpu.memory_space<vmem>>[vector<16xi32>], vector<16xi32>,
      %parallel_loop3A_244 = arith.constant 127 : i32
      %parallel_loop3A_245 = vector.broadcast %parallel_loop3A_244 : i32 to vector<16xi32>
      %parallel_loop3A_246 = arith.andi %parallel_loop3A_243, %parallel_loop3A_245 : vector<16xi32>
      %parallel_loop3A_247 = arith.constant 39 : i32
      %parallel_loop3A_248 = vector.broadcast %parallel_loop3A_247 : i32 to vector<16xi32>
      %parallel_loop3A_249 = arith.muli %parallel_loop3A_246, %parallel_loop3A_248 : vector<16xi32>
      %parallel_loop3A_250 = arith.constant 13 : i32
      %parallel_loop3A_251 = vector.broadcast %parallel_loop3A_250 : i32 to vector<16xi32>
      %parallel_loop3A_252 = arith.addi %parallel_loop3A_249, %parallel_loop3A_251 : vector<16xi32>
      %parallel_loop3A_253 = arith.constant 127 : i32
      %parallel_loop3A_254 = vector.broadcast %parallel_loop3A_253 : i32 to vector<16xi32>
      %parallel_loop3A_255 = arith.andi %parallel_loop3A_252, %parallel_loop3A_254 : vector<16xi32>
      tpu.vector_store_idx %arg7[%parallel_loop3A_15, %parallel_loop3A_255], %broadcast_in_dim3A_7 {add = true} : memref<128x128xf32, #tpu.memory_space<vmem>>[vector<16xi32>, vector<16xi32>], vector<16xf32>,
      %parallel_loop3A_256 = arith.index_cast %parallel_loop3A_13 : i32 to index
      %parallel_loop3A_257 = arith.constant 240 : index
      %parallel_loop3A_258 = tpu.vector_load %arg6[%parallel_loop3A_256, %parallel_loop3A_257] {strides = array<i32>} : memref<128x256xi32, #tpu.memory_space<vmem>>, vector<16xi32>,
      %parallel_loop3A_259 = tpu.vector_load_idx %arg5[%parallel_loop3A_258] : memref<32768xi32, #tpu.memory_space<vmem>>[vector<16xi32>], vector<16xi32>,
      %parallel_loop3A_260 = arith.constant 127 : i32
      %parallel_loop3A_261 = vector.broadcast %parallel_loop3A_260 : i32 to vector<16xi32>
      %parallel_loop3A_262 = arith.andi %parallel_loop3A_259, %parallel_loop3A_261 : vector<16xi32>
      %parallel_loop3A_263 = arith.constant 39 : i32
      %parallel_loop3A_264 = vector.broadcast %parallel_loop3A_263 : i32 to vector<16xi32>
      %parallel_loop3A_265 = arith.muli %parallel_loop3A_262, %parallel_loop3A_264 : vector<16xi32>
      %parallel_loop3A_266 = arith.constant 13 : i32
      %parallel_loop3A_267 = vector.broadcast %parallel_loop3A_266 : i32 to vector<16xi32>
      %parallel_loop3A_268 = arith.addi %parallel_loop3A_265, %parallel_loop3A_267 : vector<16xi32>
      %parallel_loop3A_269 = arith.constant 127 : i32
      %parallel_loop3A_270 = vector.broadcast %parallel_loop3A_269 : i32 to vector<16xi32>
      %parallel_loop3A_271 = arith.andi %parallel_loop3A_268, %parallel_loop3A_270 : vector<16xi32>
      tpu.vector_store_idx %arg7[%parallel_loop3A_15, %parallel_loop3A_271], %broadcast_in_dim3A_7 {add = true} : memref<128x128xf32, #tpu.memory_space<vmem>>[vector<16xi32>, vector<16xi32>], vector<16xf32>,
    } {sc.loop_unroll_factor = 2 : i64, sc.parallel_access}
    "tpu.region"() ({
      %run_scoped3A = tpu.sem_alloc : memref<!tpu.dma_semaphore, #tpu.memory_space<semaphore_mem>>
      %dma_start3A = arith.constant 0 : i32
      %dma_start3A_13 = tpu.memref_slice %arg4[%mul3A_2, %dma_start3A] : memref<4096x128xf32, #tpu.memory_space<hbm>> -> memref<128x128xf32, #tpu.memory_space<hbm>>
      %dma_start3A_14 = arith.constant 0 : i32
      %dma_start3A_15 = tpu.memref_slice %arg4[%mul3A_2, %dma_start3A_14] : memref<4096x128xf32, #tpu.memory_space<hbm>> -> memref<128x128xf32, #tpu.memory_space<hbm>>
      tpu.enqueue_dma source(%arg7 : memref<128x128xf32, #tpu.memory_space<vmem>>) target(%dma_start3A_15 : memref<128x128xf32, #tpu.memory_space<hbm>>) target_semaphore(%run_scoped3A : memref<!tpu.dma_semaphore, #tpu.memory_space<semaphore_mem>>)
      %dma_wait3A = arith.constant 0 : i32
      %dma_wait3A_16 = tpu.memref_slice %arg4[%mul3A_2, %dma_wait3A] : memref<4096x128xf32, #tpu.memory_space<hbm>> -> memref<128x128xf32, #tpu.memory_space<hbm>>
      %dma_wait3A_17 = arith.constant 0 : i32
      %dma_wait3A_18 = tpu.memref_slice %arg4[%mul3A_2, %dma_wait3A_17] : memref<4096x128xf32, #tpu.memory_space<hbm>> -> memref<128x128xf32, #tpu.memory_space<hbm>>
      tpu.wait_dma2 semaphore(%run_scoped3A : memref<!tpu.dma_semaphore, #tpu.memory_space<semaphore_mem>>) src(%arg7 : memref<128x128xf32, #tpu.memory_space<vmem>>) dst(%dma_wait3A_18 : memref<128x128xf32, #tpu.memory_space<hbm>>)
      tpu.yield
    }) : () -> ()
    return
  }
}

module attributes {stable_mosaic.version = 14 : i64} {
  func.func @_geom_body(%arg0: i32, %arg1: memref<512x1xf32, #tpu.memory_space<vmem>>, %arg2: memref<1x4096xf32, #tpu.memory_space<vmem>>, %arg3: memref<4096x64xf32, #tpu.memory_space<vmem>>, %arg4: memref<1x64xf32, #tpu.memory_space<vmem>>, %arg5: memref<512x4096xf32, #tpu.memory_space<vmem>>, %arg6: memref<512x64xf32, #tpu.memory_space<vmem>>) attributes {dimension_semantics = [#tpu.dimension_semantics<arbitrary>], iteration_bounds = array<i64: 8>, scalar_prefetch = 0 : i64, scratch_operands = 0 : i64, tpu.core_type = #tpu.core_type<tc>, window_params = [{transform_indices = @transform_0, window_bounds = array<i64: 512, 1>}, {pipeline_mode = #tpu.pipeline_mode<synchronous>, transform_indices = @transform_1, window_bounds = array<i64: 1, 4096>}, {pipeline_mode = #tpu.pipeline_mode<synchronous>, transform_indices = @transform_2, window_bounds = array<i64: 4096, 64>}, {pipeline_mode = #tpu.pipeline_mode<synchronous>, transform_indices = @transform_3, window_bounds = array<i64: 1, 64>}, {transform_indices = @transform_4, window_bounds = array<i64: 512, 4096>}, {transform_indices = @transform_5, window_bounds = array<i64: 512, 64>}]} {
    %get3A = arith.constant 0 : index
    %get3A_0 = arith.constant 0 : index
    %get3A_1 = vector.load %arg1[%get3A, %get3A_0] : memref<512x1xf32, #tpu.memory_space<vmem>>, vector<512x1xf32>
    %get3A_2 = arith.constant 0 : index
    %get3A_3 = arith.constant 0 : index
    %get3A_4 = vector.load %arg2[%get3A_2, %get3A_3] : memref<1x4096xf32, #tpu.memory_space<vmem>>, vector<1x4096xf32>
    %sub3A = vector.broadcast %get3A_1 : vector<512x1xf32> to vector<512x4096xf32>
    %sub3A_5 = vector.broadcast %get3A_4 : vector<1x4096xf32> to vector<512x4096xf32>
    %sub3A_6 = arith.subf %sub3A, %sub3A_5 : vector<512x4096xf32>
    %abs3A = math.absf %sub3A_6 : vector<512x4096xf32>
    %mul3A = arith.constant -1.000000e+00 : f32
    %mul3A_7 = vector.broadcast %mul3A : f32 to vector<512x4096xf32>
    %mul3A_8 = arith.mulf %mul3A_7, %abs3A : vector<512x4096xf32>
    %add3A = arith.constant 0.000000e+00 : f32
    %add3A_9 = vector.broadcast %add3A : f32 to vector<512x4096xf32>
    %add3A_10 = arith.addf %mul3A_8, %add3A_9 : vector<512x4096xf32>
    %swap3A = arith.constant 0 : index
    %swap3A_11 = arith.constant 0 : index
    %swap3A_12 = vector.load %arg5[%swap3A, %swap3A_11] : memref<512x4096xf32, #tpu.memory_space<vmem>>, vector<512x4096xf32>
    tpu.vector_store %arg5[%swap3A, %swap3A_11], %add3A_10 {strides = array<i32>} : memref<512x4096xf32, #tpu.memory_space<vmem>>, vector<512x4096xf32>,
    %mul3A_13 = arith.constant -1.000000e+00 : f32
    %mul3A_14 = vector.broadcast %mul3A_13 : f32 to vector<512x1xf32>
    %mul3A_15 = arith.mulf %mul3A_14, %get3A_1 : vector<512x1xf32>
    %exp3A = math.exp %mul3A_15 : vector<512x1xf32>
    %mul3A_16 = arith.constant 1.000000e+00 : f32
    %mul3A_17 = vector.broadcast %mul3A_16 : f32 to vector<1x4096xf32>
    %mul3A_18 = arith.mulf %mul3A_17, %get3A_4 : vector<1x4096xf32>
    %exp3A_19 = math.exp %mul3A_18 : vector<1x4096xf32>
    %mul3A_20 = vector.broadcast %exp3A : vector<512x1xf32> to vector<512x4096xf32>
    %mul3A_21 = vector.broadcast %exp3A_19 : vector<1x4096xf32> to vector<512x4096xf32>
    %mul3A_22 = arith.mulf %mul3A_20, %mul3A_21 : vector<512x4096xf32>
    %mul3A_23 = arith.constant 1.000000e+00 : f32
    %mul3A_24 = vector.broadcast %mul3A_23 : f32 to vector<512x1xf32>
    %mul3A_25 = arith.mulf %mul3A_24, %get3A_1 : vector<512x1xf32>
    %exp3A_26 = math.exp %mul3A_25 : vector<512x1xf32>
    %mul3A_27 = arith.constant -1.000000e+00 : f32
    %mul3A_28 = vector.broadcast %mul3A_27 : f32 to vector<1x4096xf32>
    %mul3A_29 = arith.mulf %mul3A_28, %get3A_4 : vector<1x4096xf32>
    %exp3A_30 = math.exp %mul3A_29 : vector<1x4096xf32>
    %mul3A_31 = vector.broadcast %exp3A_26 : vector<512x1xf32> to vector<512x4096xf32>
    %mul3A_32 = vector.broadcast %exp3A_30 : vector<1x4096xf32> to vector<512x4096xf32>
    %mul3A_33 = arith.mulf %mul3A_31, %mul3A_32 : vector<512x4096xf32>
    %min3A = arith.minimumf %mul3A_22, %mul3A_33 : vector<512x4096xf32>
    %mul3A_34 = arith.constant 1.000000e+00 : f32
    %mul3A_35 = vector.broadcast %mul3A_34 : f32 to vector<512x4096xf32>
    %mul3A_36 = arith.mulf %mul3A_35, %min3A : vector<512x4096xf32>
    %get3A_37 = arith.constant 0 : index
    %get3A_38 = arith.constant 0 : index
    %get3A_39 = vector.load %arg3[%get3A_37, %get3A_38] : memref<4096x64xf32, #tpu.memory_space<vmem>>, vector<4096x64xf32>
    %dot_general3A = arith.constant dense<0.000000e+00> : vector<512x64xf32>
    %dot_general3A_40 = tpu.matmul %mul3A_36, %get3A_39, %dot_general3A {dimension_numbers = #tpu.dot_dimension_numbers<[1], [0], [0], [1], [0, 0, 1, 1], [], []>, transpose_lhs_hint = false} : vector<512x4096xf32>, vector<4096x64xf32>, vector<512x64xf32> -> vector<512x64xf32>
    %get3A_41 = arith.constant 0 : index
    %get3A_42 = arith.constant 0 : index
    %get3A_43 = vector.load %arg4[%get3A_41, %get3A_42] : memref<1x64xf32, #tpu.memory_space<vmem>>, vector<1x64xf32>
    %add3A_44 = vector.broadcast %get3A_43 : vector<1x64xf32> to vector<512x64xf32>
    %add3A_45 = arith.addf %dot_general3A_40, %add3A_44 : vector<512x64xf32>
    %swap3A_46 = arith.constant 0 : index
    %swap3A_47 = arith.constant 0 : index
    %swap3A_48 = vector.load %arg6[%swap3A_46, %swap3A_47] : memref<512x64xf32, #tpu.memory_space<vmem>>, vector<512x64xf32>
    tpu.vector_store %arg6[%swap3A_46, %swap3A_47], %add3A_45 {strides = array<i32>} : memref<512x64xf32, #tpu.memory_space<vmem>>, vector<512x64xf32>,
    return
  }
  func.func @transform_0(%arg0: i32) -> (i32, i32) {
    %c0_i32 = arith.constant 0 : i32
    %c0_i32_0 = arith.constant 0 : i32
    return %arg0, %c0_i32 : i32, i32
  }
  func.func @transform_1(%arg0: i32) -> (i32, i32) {
    %c0_i32 = arith.constant 0 : i32
    %c0_i32_0 = arith.constant 0 : i32
    %c0_i32_1 = arith.constant 0 : i32
    return %c0_i32, %c0_i32_0 : i32, i32
  }
  func.func @transform_2(%arg0: i32) -> (i32, i32) {
    %c0_i32 = arith.constant 0 : i32
    %c0_i32_0 = arith.constant 0 : i32
    %c0_i32_1 = arith.constant 0 : i32
    return %c0_i32, %c0_i32_0 : i32, i32
  }
  func.func @transform_3(%arg0: i32) -> (i32, i32) {
    %c0_i32 = arith.constant 0 : i32
    %c0_i32_0 = arith.constant 0 : i32
    %c0_i32_1 = arith.constant 0 : i32
    return %c0_i32, %c0_i32_0 : i32, i32
  }
  func.func @transform_4(%arg0: i32) -> (i32, i32) {
    %c0_i32 = arith.constant 0 : i32
    %c0_i32_0 = arith.constant 0 : i32
    return %arg0, %c0_i32 : i32, i32
  }
  func.func @transform_5(%arg0: i32) -> (i32, i32) {
    %c0_i32 = arith.constant 0 : i32
    %c0_i32_0 = arith.constant 0 : i32
    return %arg0, %c0_i32 : i32, i32
  }
}

module attributes {stable_mosaic.version = 14 : i64} {
  func.func @_finalize_body(%arg0: i32, %arg1: memref<2048x128xf32, #tpu.memory_space<vmem>>, %arg2: memref<2048x1xi32, #tpu.memory_space<vmem>>, %arg3: memref<2048x64xf32, #tpu.memory_space<vmem>>, %arg4: memref<2048x768xf32, #tpu.memory_space<vmem>>, %arg5: memref<128x64xf32, #tpu.memory_space<vmem>>, %arg6: memref<1x64xf32, #tpu.memory_space<vmem>>, %arg7: memref<64x64xf32, #tpu.memory_space<vmem>>, %arg8: memref<64x64xf32, #tpu.memory_space<vmem>>, %arg9: memref<1x64xf32, #tpu.memory_space<vmem>>, %arg10: memref<64x64xf32, #tpu.memory_space<vmem>>, %arg11: memref<1x64xf32, #tpu.memory_space<vmem>>, %arg12: memref<1536x768xf32, #tpu.memory_space<vmem>>, %arg13: memref<1x768xf32, #tpu.memory_space<vmem>>, %arg14: memref<128x768xf32, #tpu.memory_space<vmem>>, %arg15: memref<1x768xf32, #tpu.memory_space<vmem>>, %arg16: memref<2048x64xf32, #tpu.memory_space<vmem>>, %arg17: memref<2048x768xf32, #tpu.memory_space<vmem>>, %arg18: memref<128x768xf32, #tpu.memory_space<vmem>>, %arg19: memref<1x768xf32, #tpu.memory_space<vmem>>) attributes {dimension_semantics = [#tpu.dimension_semantics<arbitrary>], iteration_bounds = array<i64: 2>, scalar_prefetch = 0 : i64, scratch_operands = 2 : i64, tpu.core_type = #tpu.core_type<tc>, window_params = [{transform_indices = @transform_0, window_bounds = array<i64: 2048, 128>}, {transform_indices = @transform_1, window_bounds = array<i64: 2048, 1>}, {transform_indices = @transform_2, window_bounds = array<i64: 2048, 64>}, {transform_indices = @transform_3, window_bounds = array<i64: 2048, 768>}, {pipeline_mode = #tpu.pipeline_mode<synchronous>, transform_indices = @transform_4, window_bounds = array<i64: 128, 64>}, {pipeline_mode = #tpu.pipeline_mode<synchronous>, transform_indices = @transform_5, window_bounds = array<i64: 1, 64>}, {pipeline_mode = #tpu.pipeline_mode<synchronous>, transform_indices = @transform_6, window_bounds = array<i64: 64, 64>}, {pipeline_mode = #tpu.pipeline_mode<synchronous>, transform_indices = @transform_7, window_bounds = array<i64: 64, 64>}, {pipeline_mode = #tpu.pipeline_mode<synchronous>, transform_indices = @transform_8, window_bounds = array<i64: 1, 64>}, {pipeline_mode = #tpu.pipeline_mode<synchronous>, transform_indices = @transform_9, window_bounds = array<i64: 64, 64>}, {pipeline_mode = #tpu.pipeline_mode<synchronous>, transform_indices = @transform_10, window_bounds = array<i64: 1, 64>}, {pipeline_mode = #tpu.pipeline_mode<synchronous>, transform_indices = @transform_11, window_bounds = array<i64: 1536, 768>}, {pipeline_mode = #tpu.pipeline_mode<synchronous>, transform_indices = @transform_12, window_bounds = array<i64: 1, 768>}, {pipeline_mode = #tpu.pipeline_mode<synchronous>, transform_indices = @transform_13, window_bounds = array<i64: 128, 768>}, {pipeline_mode = #tpu.pipeline_mode<synchronous>, transform_indices = @transform_14, window_bounds = array<i64: 1, 768>}, {transform_indices = @transform_15, window_bounds = array<i64: 2048, 64>}, {transform_indices = @transform_16, window_bounds = array<i64: 2048, 768>}]} {
    %eq3A = arith.constant 0 : i32
    %eq3A_0 = arith.cmpi eq, %arg0, %eq3A : i32
    %convert_element_type3A = arith.extui %eq3A_0 : i1 to i32
    %cond3A = arith.constant 0 : i32
    %cond3A_1 = arith.cmpi ne, %convert_element_type3A, %cond3A : i32
    scf.if %cond3A_1 {
      %get3A_81 = arith.constant 768 : index
      %get3A_82 = arith.constant 0 : index
      %get3A_83 = vector.load %arg12[%get3A_81, %get3A_82] : memref<1536x768xf32, #tpu.memory_space<vmem>>, vector<768x768xf32>
      %get3A_84 = arith.constant 0 : index
      %get3A_85 = arith.constant 0 : index
      %get3A_86 = vector.load %arg14[%get3A_84, %get3A_85] : memref<128x768xf32, #tpu.memory_space<vmem>>, vector<128x768xf32>
      %dot_general3A_87 = arith.constant dense<0.000000e+00> : vector<128x768xf32>
      %dot_general3A_88 = tpu.matmul %get3A_86, %get3A_83, %dot_general3A_87 {dimension_numbers = #tpu.dot_dimension_numbers<[1], [0], [0], [1], [0, 0, 1, 1], [], []>, transpose_lhs_hint = false} : vector<128x768xf32>, vector<768x768xf32>, vector<128x768xf32> -> vector<128x768xf32>
      %swap3A_89 = arith.constant 0 : index
      %swap3A_90 = arith.constant 0 : index
      %swap3A_91 = vector.load %arg18[%swap3A_89, %swap3A_90] : memref<128x768xf32, #tpu.memory_space<vmem>>, vector<128x768xf32>
      tpu.vector_store %arg18[%swap3A_89, %swap3A_90], %dot_general3A_88 {strides = array<i32>} : memref<128x768xf32, #tpu.memory_space<vmem>>, vector<128x768xf32>,
      %get3A_92 = arith.constant 0 : index
      %get3A_93 = arith.constant 0 : index
      %get3A_94 = vector.load %arg15[%get3A_92, %get3A_93] : memref<1x768xf32, #tpu.memory_space<vmem>>, vector<1x768xf32>
      %dot_general3A_95 = arith.constant dense<0.000000e+00> : vector<1x768xf32>
      %dot_general3A_96 = tpu.matmul %get3A_94, %get3A_83, %dot_general3A_95 {dimension_numbers = #tpu.dot_dimension_numbers<[1], [0], [0], [1], [0, 0, 1, 1], [], []>, transpose_lhs_hint = false} : vector<1x768xf32>, vector<768x768xf32>, vector<1x768xf32> -> vector<1x768xf32>
      %get3A_97 = arith.constant 0 : index
      %get3A_98 = arith.constant 0 : index
      %get3A_99 = vector.load %arg13[%get3A_97, %get3A_98] : memref<1x768xf32, #tpu.memory_space<vmem>>, vector<1x768xf32>
      %add3A_100 = arith.addf %dot_general3A_96, %get3A_99 : vector<1x768xf32>
      %swap3A_101 = arith.constant 0 : index
      %swap3A_102 = arith.constant 0 : index
      %swap3A_103 = vector.load %arg19[%swap3A_101, %swap3A_102] : memref<1x768xf32, #tpu.memory_space<vmem>>, vector<1x768xf32>
      tpu.vector_store %arg19[%swap3A_101, %swap3A_102], %add3A_100 {strides = array<i32>} : memref<1x768xf32, #tpu.memory_space<vmem>>, vector<1x768xf32>,
    } else {
    }
    %get3A = arith.constant 0 : index
    %get3A_2 = arith.constant 0 : index
    %get3A_3 = vector.load %arg1[%get3A, %get3A_2] : memref<2048x128xf32, #tpu.memory_space<vmem>>, vector<2048x128xf32>
    %get3A_4 = arith.constant 0 : index
    %get3A_5 = arith.constant 0 : index
    %get3A_6 = vector.load %arg2[%get3A_4, %get3A_5] : memref<2048x1xi32, #tpu.memory_space<vmem>>, vector<2048x1xi32>
    %convert_element_type3A_7 = arith.sitofp %get3A_6 : vector<2048x1xi32> to vector<2048x1xf32>
    %max3A = arith.constant 1.000000e+00 : f32
    %max3A_8 = vector.broadcast %max3A : f32 to vector<2048x1xf32>
    %max3A_9 = arith.maximumf %convert_element_type3A_7, %max3A_8 : vector<2048x1xf32>
    %div3A = vector.broadcast %max3A_9 : vector<2048x1xf32> to vector<2048x128xf32>
    %div3A_10 = arith.divf %get3A_3, %div3A : vector<2048x128xf32>
    %get3A_11 = arith.constant 0 : index
    %get3A_12 = arith.constant 0 : index
    %get3A_13 = vector.load %arg5[%get3A_11, %get3A_12] : memref<128x64xf32, #tpu.memory_space<vmem>>, vector<128x64xf32>
    %dot_general3A = arith.constant dense<0.000000e+00> : vector<2048x64xf32>
    %dot_general3A_14 = tpu.matmul %div3A_10, %get3A_13, %dot_general3A {dimension_numbers = #tpu.dot_dimension_numbers<[1], [0], [0], [1], [0, 0, 1, 1], [], []>, transpose_lhs_hint = false} : vector<2048x128xf32>, vector<128x64xf32>, vector<2048x64xf32> -> vector<2048x64xf32>
    %get3A_15 = arith.constant 0 : index
    %get3A_16 = arith.constant 0 : index
    %get3A_17 = vector.load %arg6[%get3A_15, %get3A_16] : memref<1x64xf32, #tpu.memory_space<vmem>>, vector<1x64xf32>
    %add3A = vector.broadcast %get3A_17 : vector<1x64xf32> to vector<2048x64xf32>
    %add3A_18 = arith.addf %dot_general3A_14, %add3A : vector<2048x64xf32>
    %get3A_19 = arith.constant 0 : index
    %get3A_20 = arith.constant 0 : index
    %get3A_21 = vector.load %arg3[%get3A_19, %get3A_20] : memref<2048x64xf32, #tpu.memory_space<vmem>>, vector<2048x64xf32>
    %get3A_22 = arith.constant 0 : index
    %get3A_23 = arith.constant 0 : index
    %get3A_24 = vector.load %arg7[%get3A_22, %get3A_23] : memref<64x64xf32, #tpu.memory_space<vmem>>, vector<64x64xf32>
    %dot_general3A_25 = arith.constant dense<0.000000e+00> : vector<2048x64xf32>
    %dot_general3A_26 = tpu.matmul %get3A_21, %get3A_24, %dot_general3A_25 {dimension_numbers = #tpu.dot_dimension_numbers<[1], [0], [0], [1], [0, 0, 1, 1], [], []>, transpose_lhs_hint = false} : vector<2048x64xf32>, vector<64x64xf32>, vector<2048x64xf32> -> vector<2048x64xf32>
    %get3A_27 = arith.constant 0 : index
    %get3A_28 = arith.constant 0 : index
    %get3A_29 = vector.load %arg8[%get3A_27, %get3A_28] : memref<64x64xf32, #tpu.memory_space<vmem>>, vector<64x64xf32>
    %dot_general3A_30 = arith.constant dense<0.000000e+00> : vector<2048x64xf32>
    %dot_general3A_31 = tpu.matmul %add3A_18, %get3A_29, %dot_general3A_30 {dimension_numbers = #tpu.dot_dimension_numbers<[1], [0], [0], [1], [0, 0, 1, 1], [], []>, transpose_lhs_hint = false} : vector<2048x64xf32>, vector<64x64xf32>, vector<2048x64xf32> -> vector<2048x64xf32>
    %add3A_32 = arith.addf %dot_general3A_26, %dot_general3A_31 : vector<2048x64xf32>
    %get3A_33 = arith.constant 0 : index
    %get3A_34 = arith.constant 0 : index
    %get3A_35 = vector.load %arg9[%get3A_33, %get3A_34] : memref<1x64xf32, #tpu.memory_space<vmem>>, vector<1x64xf32>
    %add3A_36 = vector.broadcast %get3A_35 : vector<1x64xf32> to vector<2048x64xf32>
    %add3A_37 = arith.addf %add3A_32, %add3A_36 : vector<2048x64xf32>
    %mul3A = arith.constant 5.000000e-01 : f32
    %mul3A_38 = vector.broadcast %mul3A : f32 to vector<2048x64xf32>
    %mul3A_39 = arith.mulf %mul3A_38, %add3A_37 : vector<2048x64xf32>
    %mul3A_40 = arith.constant 0.707106769 : f32
    %mul3A_41 = vector.broadcast %mul3A_40 : f32 to vector<2048x64xf32>
    %mul3A_42 = arith.mulf %add3A_37, %mul3A_41 : vector<2048x64xf32>
    %erf3A = math.erf %mul3A_42 : vector<2048x64xf32>
    %add3A_43 = arith.constant 1.000000e+00 : f32
    %add3A_44 = vector.broadcast %add3A_43 : f32 to vector<2048x64xf32>
    %add3A_45 = arith.addf %add3A_44, %erf3A : vector<2048x64xf32>
    %mul3A_46 = arith.mulf %mul3A_39, %add3A_45 : vector<2048x64xf32>
    %get3A_47 = arith.constant 0 : index
    %get3A_48 = arith.constant 0 : index
    %get3A_49 = vector.load %arg10[%get3A_47, %get3A_48] : memref<64x64xf32, #tpu.memory_space<vmem>>, vector<64x64xf32>
    %dot_general3A_50 = arith.constant dense<0.000000e+00> : vector<2048x64xf32>
    %dot_general3A_51 = tpu.matmul %mul3A_46, %get3A_49, %dot_general3A_50 {dimension_numbers = #tpu.dot_dimension_numbers<[1], [0], [0], [1], [0, 0, 1, 1], [], []>, transpose_lhs_hint = false} : vector<2048x64xf32>, vector<64x64xf32>, vector<2048x64xf32> -> vector<2048x64xf32>
    %get3A_52 = arith.constant 0 : index
    %get3A_53 = arith.constant 0 : index
    %get3A_54 = vector.load %arg11[%get3A_52, %get3A_53] : memref<1x64xf32, #tpu.memory_space<vmem>>, vector<1x64xf32>
    %add3A_55 = vector.broadcast %get3A_54 : vector<1x64xf32> to vector<2048x64xf32>
    %add3A_56 = arith.addf %dot_general3A_51, %add3A_55 : vector<2048x64xf32>
    %swap3A = arith.constant 0 : index
    %swap3A_57 = arith.constant 0 : index
    %swap3A_58 = vector.load %arg16[%swap3A, %swap3A_57] : memref<2048x64xf32, #tpu.memory_space<vmem>>, vector<2048x64xf32>
    tpu.vector_store %arg16[%swap3A, %swap3A_57], %add3A_56 {strides = array<i32>} : memref<2048x64xf32, #tpu.memory_space<vmem>>, vector<2048x64xf32>,
    %get3A_59 = arith.constant 0 : index
    %get3A_60 = arith.constant 0 : index
    %get3A_61 = vector.load %arg4[%get3A_59, %get3A_60] : memref<2048x768xf32, #tpu.memory_space<vmem>>, vector<2048x768xf32>
    %get3A_62 = arith.constant 0 : index
    %get3A_63 = arith.constant 0 : index
    %get3A_64 = vector.load %arg12[%get3A_62, %get3A_63] : memref<1536x768xf32, #tpu.memory_space<vmem>>, vector<768x768xf32>
    %dot_general3A_65 = arith.constant dense<0.000000e+00> : vector<2048x768xf32>
    %dot_general3A_66 = tpu.matmul %get3A_61, %get3A_64, %dot_general3A_65 {dimension_numbers = #tpu.dot_dimension_numbers<[1], [0], [0], [1], [0, 0, 1, 1], [], []>, transpose_lhs_hint = false} : vector<2048x768xf32>, vector<768x768xf32>, vector<2048x768xf32> -> vector<2048x768xf32>
    %get3A_67 = arith.constant 0 : index
    %get3A_68 = arith.constant 0 : index
    %get3A_69 = vector.load %arg18[%get3A_67, %get3A_68] : memref<128x768xf32, #tpu.memory_space<vmem>>, vector<128x768xf32>
    %dot_general3A_70 = arith.constant dense<0.000000e+00> : vector<2048x768xf32>
    %dot_general3A_71 = tpu.matmul %div3A_10, %get3A_69, %dot_general3A_70 {dimension_numbers = #tpu.dot_dimension_numbers<[1], [0], [0], [1], [0, 0, 1, 1], [], []>, transpose_lhs_hint = false} : vector<2048x128xf32>, vector<128x768xf32>, vector<2048x768xf32> -> vector<2048x768xf32>
    %add3A_72 = arith.addf %dot_general3A_66, %dot_general3A_71 : vector<2048x768xf32>
    %get3A_73 = arith.constant 0 : index
    %get3A_74 = arith.constant 0 : index
    %get3A_75 = vector.load %arg19[%get3A_73, %get3A_74] : memref<1x768xf32, #tpu.memory_space<vmem>>, vector<1x768xf32>
    %add3A_76 = vector.broadcast %get3A_75 : vector<1x768xf32> to vector<2048x768xf32>
    %add3A_77 = arith.addf %add3A_72, %add3A_76 : vector<2048x768xf32>
    %swap3A_78 = arith.constant 0 : index
    %swap3A_79 = arith.constant 0 : index
    %swap3A_80 = vector.load %arg17[%swap3A_78, %swap3A_79] : memref<2048x768xf32, #tpu.memory_space<vmem>>, vector<2048x768xf32>
    tpu.vector_store %arg17[%swap3A_78, %swap3A_79], %add3A_77 {strides = array<i32>} : memref<2048x768xf32, #tpu.memory_space<vmem>>, vector<2048x768xf32>,
    return
  }
  func.func @transform_0(%arg0: i32) -> (i32, i32) {
    %c0_i32 = arith.constant 0 : i32
    %c0_i32_0 = arith.constant 0 : i32
    return %arg0, %c0_i32 : i32, i32
  }
  func.func @transform_1(%arg0: i32) -> (i32, i32) {
    %c0_i32 = arith.constant 0 : i32
    %c0_i32_0 = arith.constant 0 : i32
    return %arg0, %c0_i32 : i32, i32
  }
  func.func @transform_2(%arg0: i32) -> (i32, i32) {
    %c0_i32 = arith.constant 0 : i32
    %c0_i32_0 = arith.constant 0 : i32
    return %arg0, %c0_i32 : i32, i32
  }
  func.func @transform_3(%arg0: i32) -> (i32, i32) {
    %c0_i32 = arith.constant 0 : i32
    %c0_i32_0 = arith.constant 0 : i32
    return %arg0, %c0_i32 : i32, i32
  }
  func.func @transform_4(%arg0: i32) -> (i32, i32) {
    %c0_i32 = arith.constant 0 : i32
    %c0_i32_0 = arith.constant 0 : i32
    %c0_i32_1 = arith.constant 0 : i32
    return %c0_i32, %c0_i32_0 : i32, i32
  }
  func.func @transform_5(%arg0: i32) -> (i32, i32) {
    %c0_i32 = arith.constant 0 : i32
    %c0_i32_0 = arith.constant 0 : i32
    %c0_i32_1 = arith.constant 0 : i32
    return %c0_i32, %c0_i32_0 : i32, i32
  }
  func.func @transform_6(%arg0: i32) -> (i32, i32) {
    %c0_i32 = arith.constant 0 : i32
    %c0_i32_0 = arith.constant 0 : i32
    %c0_i32_1 = arith.constant 0 : i32
    return %c0_i32, %c0_i32_0 : i32, i32
  }
  func.func @transform_7(%arg0: i32) -> (i32, i32) {
    %c0_i32 = arith.constant 0 : i32
    %c0_i32_0 = arith.constant 0 : i32
    %c0_i32_1 = arith.constant 0 : i32
    return %c0_i32, %c0_i32_0 : i32, i32
  }
  func.func @transform_8(%arg0: i32) -> (i32, i32) {
    %c0_i32 = arith.constant 0 : i32
    %c0_i32_0 = arith.constant 0 : i32
    %c0_i32_1 = arith.constant 0 : i32
    return %c0_i32, %c0_i32_0 : i32, i32
  }
  func.func @transform_9(%arg0: i32) -> (i32, i32) {
    %c0_i32 = arith.constant 0 : i32
    %c0_i32_0 = arith.constant 0 : i32
    %c0_i32_1 = arith.constant 0 : i32
    return %c0_i32, %c0_i32_0 : i32, i32
  }
  func.func @transform_10(%arg0: i32) -> (i32, i32) {
    %c0_i32 = arith.constant 0 : i32
    %c0_i32_0 = arith.constant 0 : i32
    %c0_i32_1 = arith.constant 0 : i32
    return %c0_i32, %c0_i32_0 : i32, i32
  }
  func.func @transform_11(%arg0: i32) -> (i32, i32) {
    %c0_i32 = arith.constant 0 : i32
    %c0_i32_0 = arith.constant 0 : i32
    %c0_i32_1 = arith.constant 0 : i32
    return %c0_i32, %c0_i32_0 : i32, i32
  }
  func.func @transform_12(%arg0: i32) -> (i32, i32) {
    %c0_i32 = arith.constant 0 : i32
    %c0_i32_0 = arith.constant 0 : i32
    %c0_i32_1 = arith.constant 0 : i32
    return %c0_i32, %c0_i32_0 : i32, i32
  }
  func.func @transform_13(%arg0: i32) -> (i32, i32) {
    %c0_i32 = arith.constant 0 : i32
    %c0_i32_0 = arith.constant 0 : i32
    %c0_i32_1 = arith.constant 0 : i32
    return %c0_i32, %c0_i32_0 : i32, i32
  }
  func.func @transform_14(%arg0: i32) -> (i32, i32) {
    %c0_i32 = arith.constant 0 : i32
    %c0_i32_0 = arith.constant 0 : i32
    %c0_i32_1 = arith.constant 0 : i32
    return %c0_i32, %c0_i32_0 : i32, i32
  }
  func.func @transform_15(%arg0: i32) -> (i32, i32) {
    %c0_i32 = arith.constant 0 : i32
    %c0_i32_0 = arith.constant 0 : i32
    return %arg0, %c0_i32 : i32, i32
  }
  func.func @transform_16(%arg0: i32) -> (i32, i32) {
    %c0_i32 = arith.constant 0 : i32
    %c0_i32_0 = arith.constant 0 : i32
    return %arg0, %c0_i32 : i32, i32
  }
}

</mosaic_0001>

<sc_bundles>
// kernel: kernel.5.cloned.1.call-start
scs
__scs_entry_jumppad:
0x0: {  	(pc) =	sbr.rel $0x88, $3  }
0x1: {  	(tag) =	ssettag $0x0;
	lr =	simm.s32 $0x1  }
0x2: {  	[smem:$0x3F90] =	sst lr;
	_ =	strace $0xD0000000  }
0x3: {  	_ = 	snop  }
0x4: {  	_ = 	snop  }
0x5: {  	_ = 	snop  }
0x6: {  	_ = 	snop  }
0x7: {  	_ = 	snop  }
__scs_overlays_trampoline_lowered:
0x8: {  	[smem:$0x3F9F] =	sst s0  }
0x9: {  	[smem:$0x3FA0] =	sst s1  }
0xa: {  	[smem:$0x3FA1] =	sst s2  }
0xb: {  	[smem:$0x3FA2] =	sst s3  }
0xc: {  	[smem:$0x3FA3] =	sst s4  }
0xd: {  	[smem:$0x3FA4] =	sst s5  }
0xe: {  	[smem:$0x3FA5] =	sst s6  }
0xf: {  	[smem:$0x3FA6] =	sst s7  }
0x10: {  	[smem:$0x3FA7] =	sst s8  }
0x11: {  	[smem:$0x3FA8] =	sst s9;
	s0 =	simm.s32 @!p0 $0x0  }
0x12: {  	s1 =	sld [smem:$0x3F8E];
	s0 =	simm.s32 @p0 $0x1  }
0x13: {  	[smem:$0x3FA9] =	sst s0;
	s0 =	simm.s32 @!p1 $0x0  }
0x14: {  	s2 =	sld [smem:$0x3F8D];
	s0 =	simm.s32 @p1 $0x1  }
0x15: {  	[smem:$0x3FAA] =	sst s0;
	s0 =	simm.s32 @!p2 $0x0  }
0x16: {  	s3 =	sld [smem:$0x3FDB];
	s0 =	simm.s32 @p2 $0x1  }
0x17: {  	s4 =	simm.s32 $0x1BF5;
	[smem:$0x3FAC] =	sst s0  }
0x18: {  	s0 =	sld [smem:$0x3F8F];
	_ =	swait.ge [sflag:s4], $0x0  }
0x19: {  	s7 =	sld [smem:$0x3F90]  }
0x1a: {  	s8 =	sadd.s32 $0xFFFFE003, lr  }
0x1b: {  	s9 =	sadd.s32 $0xFFFFFEF7, lr;
	s5 =	simm.s32 $0xFFFFFFFF;
	p2 =	slt.u32 s8, $0xFFFFF086  }
0x1c: {  	p1 =	slt.u32 s9, $0xF7A;
	s5 =	simm.s32 @!p2 $0x0  }
0x1d: {  	s5 =	simm.s32 @p1 $0x1;
	p0 =	seq.s32 s7, s2  }
0x1e: {  	s7 =	smul.u32 @!p0 $0xF7A, s2;
	p2 =	seq.s32 @!p0 s5, $0x0  }
0x1f: {  	s9 =	smul.u32 $0xF7A, s1;
	s8 =	simm.s32 @!p0 $0x1BF5;
	p2 =	por !p2, p0  }
0x20: {  	[sflag:s8] =	ssyncset.s32 @!p0 $0xFFFFF086;
	s6 =	sadd.s32 @!p0 s3, s7;
	s7 =	simm.s32 @!p0 $0x108  }
0x21: {  	s3 =	sadd.s32 s3, s9;
	s6 =	sadd.s32 @!p0 $0x88, s6;
	s7 =	simm.s32 @p2 $0x1082  }
0x22: {  	[simem:s7], [sflag:s8] =	dma.local @!p0 [hbm:s6], $0xF7A  }
0x23: {  	s9 =	sor.u32 $0xD0000000, s2;
	s6 =	simm.s32 $0x108;
	_ =	swait.ge @!p0 [sflag:s8], $0x0  }
0x24: {  	s3 =	sadd.s32 $0x88, s3;
	s6 =	simm.s32 @!p1 $0x1082;
	[sflag:s4] =	ssyncset.s32 $0xFFFFF086  }
0x25: {  	[simem:s6], [sflag:s4] =	dma.local [hbm:s3], $0xF7A  }
0x26: {  	[smem:$0x3F90] =	sst s1;
	(tag) =	ssettag s2;
	_ =	strace s9  }
0x27: {  	s1 =	sld [smem:$0x3FA0]  }
0x28: {  	s2 =	sld [smem:$0x3FA1]  }
0x29: {  	s4 =	sld [smem:$0x3FA3]  }
0x2a: {  	p0 =	seq.s32 s5, $0x0;
	s5 =	sld [smem:$0x3FA4]  }
0x2b: {  	s6 =	sld [smem:$0x3FA5]  }
0x2c: {  	s7 =	sld [smem:$0x3FA6]  }
0x2d: {  	s3 =	simm.s32 $0x108;
	s8 =	sld [smem:$0x3FA7]  }
0x2e: {  	s3 =	simm.s32 @!p0 $0x1082;
	s9 =	sld [smem:$0x3FA8]  }
0x2f: {  	lr =	sadd.s32 s0, s3;
	s0 =	sld [smem:$0x3F9F]  }
0x30: {  	s3 =	sld [smem:$0x3FA2]  }
0x31: {  	[smem:$0x3FAB] =	sst s10  }
0x32: {  	s10 =	sld [smem:$0x3FA9];
	_ =	sdelay $0x3  }
0x33: {  	p0 =	seq.s32 s10, $0x1;
	s10 =	sld [smem:$0x3FAB];
	_ =	sdelay $0x3  }
0x34: {  	[smem:$0x3FAB] =	sst s10  }
0x35: {  	s10 =	sld [smem:$0x3FAA];
	_ =	sdelay $0x3  }
0x36: {  	p1 =	seq.s32 s10, $0x1;
	s10 =	sld [smem:$0x3FAB];
	_ =	sdelay $0x3  }
0x37: {  	[smem:$0x3FAB] =	sst s10  }
0x38: {  	s10 =	sld [smem:$0x3FAC]  }
0x39: {  	_ = 	snop;
	(pc) =	sbr.ind lr, $3  }
0x3a: {  	_ = 	snop  }
0x3b: {  	_ = 	snop  }
0x3c: {  	p2 =	seq.s32 s10, $0x1;
	s10 =	sld [smem:$0x3FAB]  }
0x3d: {  	_ =	shalt  }
0x3e: {  	_ =	shalt  }
0x3f: {  	_ =	shalt  }
0x40: {  	_ =	shalt  }
0x41: {  	_ =	shalt  }
0x42: {  	_ =	shalt  }
0x43: {  	_ =	shalt  }
0x44: {  	_ =	shalt  }
0x45: {  	_ =	shalt  }
0x46: {  	_ =	shalt  }
0x47: {  	_ =	shalt  }
0x48: {  	_ =	shalt  }
0x49: {  	_ =	shalt  }
0x4a: {  	_ =	shalt  }
0x4b: {  	_ =	shalt  }
0x4c: {  	_ =	shalt  }
0x4d: {  	_ =	shalt  }
0x4e: {  	_ =	shalt  }
0x4f: {  	_ =	shalt  }
0x50: {  	_ =	shalt  }
0x51: {  	_ =	shalt  }
0x52: {  	_ =	shalt  }
0x53: {  	_ =	shalt  }
0x54: {  	_ =	shalt  }
0x55: {  	_ =	shalt  }
0x56: {  	_ =	shalt  }
0x57: {  	_ =	shalt  }
0x58: {  	_ =	shalt  }
0x59: {  	_ =	shalt  }
0x5a: {  	_ =	shalt  }
0x5b: {  	_ =	shalt  }
0x5c: {  	_ =	shalt  }
0x5d: {  	_ =	shalt  }
0x5e: {  	_ =	shalt  }
0x5f: {  	_ =	shalt  }
0x60: {  	_ =	shalt  }
0x61: {  	_ =	shalt  }
0x62: {  	_ =	shalt  }
0x63: {  	_ =	shalt  }
0x64: {  	_ =	shalt  }
0x65: {  	_ =	shalt  }
0x66: {  	_ =	shalt  }
0x67: {  	_ =	shalt  }
0x68: {  	_ =	shalt  }
0x69: {  	_ =	shalt  }
0x6a: {  	_ =	shalt  }
0x6b: {  	_ =	shalt  }
0x6c: {  	_ =	shalt  }
0x6d: {  	_ =	shalt  }
0x6e: {  	_ =	shalt  }
0x6f: {  	_ =	shalt  }
0x70: {  	_ =	shalt  }
0x71: {  	_ =	shalt  }
0x72: {  	_ =	shalt  }
0x73: {  	_ =	shalt  }
0x74: {  	_ =	shalt  }
0x75: {  	_ =	shalt  }
0x76: {  	_ =	shalt  }
0x77: {  	_ =	shalt  }
0x78: {  	_ =	shalt  }
0x79: {  	_ =	shalt  }
0x7a: {  	_ =	shalt  }
0x7b: {  	_ =	shalt  }
0x7c: {  	_ =	shalt  }
0x7d: {  	_ =	shalt  }
0x7e: {  	_ =	shalt  }
0x7f: {  	_ =	shalt  }
0x80: {  	_ =	shalt  }
0x81: {  	_ =	shalt  }
0x82: {  	_ =	shalt  }
0x83: {  	_ =	shalt  }
0x84: {  	_ =	shalt  }
0x85: {  	_ =	shalt  }
0x86: {  	_ =	shalt  }
0x87: {  	_ =	shalt  }
.Lfunc_end0:
.L_simem_size_0:
called_computation_lowered:
.L_overlay_start_0:
0x88: {  	s2 =	sld [smem:$0x3FD9]  }
0x89: {  	s3 =	sld [smem:$0x3FFE];
	_ =	sdelay $0x1  }
0x8a: {  	s1 =	srdreg.scid  }
0x8b: {  	s0 =	sand.u32 $0x1, s1  }
0x8c: {  	s15 =	sshll.u32 s0, $0xA;
	s2 =	sadd.s32 s3, s2  }
0x8d: {  	s2 =	sadd.s32 s2, s15  }
0x8e: {  	[smem:$0x3FB7] =	sst s2  }
0x8f: {  	_ = 	snop  }
0x90: {  	s2 =	sld [smem:$0x3FD0];
	_ =	sdelay $0x1  }
0x91: {  	s16 =	sld [smem:$0x3FC9]  }
0x92: {  	s5 =	simm.s32 $0xA;
	s6 =	simm.s32 $0x10;
	s4 =	sld [smem:$0x3FC8]  }
0x93: {  	[smem:s6], [sflag:s5] =	dma.local [hbm:s2], $0x1  }
0x94: {  	_ =	swait.eq [sflag:s5], $0x1  }
0x95: {  	[sflag:s5] =	ssyncset.done $0x0  }
0x96: {  	[sflag:s5] =	ssyncadd.s32 $0xFFFFFFFF  }
0x97: {  	s17 =	sld [smem:$0x11];
	(tm) =	ssettm $0x1  }
0x98: {  	s18 =	sld [smem:$0x3FFB];
	_ =	sdelay $0x3  }
0x99: {  	_ =	strace s18  }
0x9a: {  	s5 =	sld [smem:$0x3FFC];
	_ =	sdelay $0x3  }
0x9b: {  	_ =	strace s5  }
0x9c: {  	s5 =	sld [smem:$0x3FFD];
	_ =	sdelay $0x3  }
0x9d: {  	_ =	strace s5  }
0x9e: {  	_ =	strace $0x8FFFFFFF  }
0x9f: {  	s19 =	sld [smem:$0x3FDB];
	_ =	sdelay $0x1  }
0xa0: {  	s20 =	simm.s32 $_scs_section_size  }
0xa1: {  	s7 =	simm.s32 $_size__tile_overlayer_lowered;
	s8 =	simm.s32 $_tile_overlayer_lowered  }
0xa2: {  	s23 =	simm.s32 $0x1BFF;
	s22 =	sshll.u32 s8, $0x1;
	s5 =	sadd.s32 s20, s19  }
0xa3: {  	s9 =	simm.s32 $0x0;
	s21 =	sshll.u32 s7, $0x1;
	s7 =	sadd.s32 s22, s5  }
0xa4: {  	[timem:s9], [sflag:s23] =	dma.local [hbm:s7], s21  }
0xa5: {  	_ =	swait.ge [sflag:s23], s21  }
0xa6: {  	s6 =	ssub.s32 $0x0, s21;
	[sflag:s23] =	ssyncset.done $0x0  }
0xa7: {  	[sflag:s23] =	ssyncadd.s32 s6;
	_ =	sdelay $0x1  }
0xa8: {  	s24 =	simm.s32 $0x1B8B  }
0xa9: {  	_ =	swait.ge [sflag:s24], $0x1  }
0xaa: {  	[sflag:s24] =	ssyncset.done $0x0  }
0xab: {  	s25 =	simm.s32 $0x1B8E;
	[sflag:s24] =	ssyncadd.s32 $0xFFFFFFFF  }
0xac: {  	s26 =	simm.s32 $execute0_lowered;
	[smem:$0x3FD2] =	sst s25  }
0xad: {  	s6 =	sshll.u32 s26, $0x1;
	_ =	strace $0x80000046;
	[dreg:$0x1] =	wrdreg $0xFFFFFFFF  }
0xae: {  	s28 =	simm.s32 $_size_execute0_lowered;
	s5 =	sadd.s32 s5, s6;
	[dreg:$0x0] =	wrdreg $0x0  }
0xaf: {  	s6 =	sshll.u32 s28, $0x1;
	[dreg:$0x2] =	wrdreg s5  }
0xb0: {  	[dreg:$0x3] =	wrdreg s6  }
0xb1: {  	[dreg:$0x4] =	wrdreg $0xC0  }
0xb2: {  	_ =	task [dreg:s9], $0x5FFFF  }
0xb3: {  	[dreg:$0x1] =	wrdreg $0xFFFFFFFF  }
0xb4: {  	[dreg:$0x0] =	wrdreg $0x60  }
0xb5: {  	[dreg:$0x2] =	wrdreg s16  }
0xb6: {  	[dreg:$0x3] =	wrdreg s4  }
0xb7: {  	[dreg:$0x4] =	wrdreg s17  }
0xb8: {  	[dreg:$0x5] =	wrdreg $0x9  }
0xb9: {  	_ =	task.clear_ibuf [dreg:s9], $0x6FFFF;
	_ =	strace $0x90000046  }
0xba: {  	s29 =	simm.s32 $0x9;
	_ =	strace $0x80000048  }
0xbb: {  	_ =	swait.ge [sflag:s29], $0x1  }
0xbc: {  	[sflag:s29] =	ssyncadd.s32 $0xFFFFFFFF  }
0xbd: {  	_ =	strace $0x90000048  }
0xbe: {  	_ =	sfence  }
0xbf: {  	s30 =	sld [smem:$0x0];
	_ =	sdelay $0x2  }
0xc0: {  	s31 =	sshll.u32 s1, $0xD;
	s1 =	sshrl.u32 s1, $0x2  }
0xc1: {  	s3 =	sand.u32 $0x4000, s31;
	s1 =	sadd.s32 s1, s30  }
0xc2: {  	s0 =	sor.u32 s3, s0;
	s1 =	sshll.u32 s1, $0x11  }
0xc3: {  	s0 =	sor.u32 s1, s0  }
0xc4: {  	s0 =	sadd.s32 $0x8F2B, s0  }
0xc5: {  	[sflag:s0] =	ssyncadd.remote.s32 $0x1  }
0xc6: {  	_ =	sfence.sel $0xFFFF  }
0xc7: {  	[dreg:$0x0] =	wrdreg $0xFFFFFFFF;
	(pc) =	sbr.abs _section_cstart, $3  }
0xc8: {  	[dreg:$0x1] =	wrdreg $0xFFFFFFFF  }
0xc9: {  	_ =	task.clear_ibuf [dreg:s9], $0x2FFFF;
	_ =	strace $0x9FFFFFFF  }
0xca: {  	(tm) =	ssettm $0x7FFFFFFF  }
0xcb: {  	_ =	shalt  }
tec
execute0_lowered:
.L_overlay_start_1:
0x0: {  	(tag) =	ssettag $0x1  }
0x1: {  	s2 =	srdreg.scid  }
0x2: {  	s0 =	rddreg [dreg:$0x1];
	s4 =	stileid.u32;
	s2 =	sand.u32 $0x1, s2  }
0x3: {  	s1 =	rddreg [dreg:$0x2];
	s4 =	sshll.u32 s4, $0x8;
	s5 =	sshll.u32 s2, $0x7  }
0x4: {  	s3 =	simm.s32 $0x0;
	s2 =	ssub.s32 $0x2, s2;
	s4 =	sor.u32 s5, s4  }
0x5: {  	[smem:$0x7FF] =	sst s3;
	s29 =	sshrl.u32 s2, $0x1;
	s6 =	sshll.u32 s4, $0x5  }
0x6: {  	_ =	strace $0x80000047;
	s2 =	ssub.s32 s2, s29;
	s0 =	sadd.s32 s0, s6  }
0x7: {  	s30 =	sshll.u32 s4, $0x4;
	s31 =	smax.u32 s2, $0x1;
	[dreg:$0x4] =	wrdreg s0  }
0x8: {  	s9 =	simm.s32 $0x10000;
	s0 =	sadd.s32 s1, s30;
	[dreg:$0x6] =	wrdreg s31  }
0x9: {  	v0 =	vimm.f32 $0.0e+00;
	v1 =	vimm.f32 $1.000000000e+00;
	s10 =	simm.s32 $0x0;
	s1 =	simm.s32 $0x1;
	[dreg:$0x5] =	wrdreg s0  }
.LBB2_1:
0xa: {  	s0 =	rddreg [dreg:$0x0]  }
0xb: {  	[tilespmem:s3], [sflag:$0x1] =	stream.linear.gather [hbm4b:s0+s3], $0x8000, $0x38;
	[tilespmem:$0x14000] =	vst v63  }
0xc: {  	_ =	swait.ge [sflag:s1], $0x8000  }
0xd: {  	[sflag:s1] =	ssyncset.done $0x0  }
0xe: {  	s2 =	simm.s32 $0x8000;
	s31 =	rddreg [dreg:$0x4];
	[sflag:s1] =	ssyncadd.s32 $0xFFFF8000  }
0xf: {  	[tilespmem:s2], [sflag:$0x1] =	stream.linear.gather [hbm4b:s31+s3], $0x8000, $0x38;
	[tilespmem:$0x14000] =	vst v63  }
0x10: {  	_ =	swait.ge [sflag:s1], $0x8000  }
0x11: {  	[sflag:s1] =	ssyncset.done $0x0  }
0x12: {  	s0 =	simm.s32 $0x10100;
	[sflag:s1] =	ssyncadd.s32 $0xFFFF8000  }
0x13: {  	[tilespmem:s0+$0xFFFFFF00] =	vst v0  }
0x14: {  	[tilespmem:s0+$0xF0] =	vst v0  }
0x15: {  	[tilespmem:s0+$0xE0] =	vst v0  }
0x16: {  	[tilespmem:s0+$0xD0] =	vst v0  }
0x17: {  	[tilespmem:s0+$0xC0] =	vst v0  }
0x18: {  	[tilespmem:s0+$0xB0] =	vst v0  }
0x19: {  	[tilespmem:s0+$0xA0] =	vst v0  }
0x1a: {  	[tilespmem:s0+$0x90] =	vst v0  }
0x1b: {  	[tilespmem:s0+$0x80] =	vst v0  }
0x1c: {  	[tilespmem:s0+$0x70] =	vst v0  }
0x1d: {  	[tilespmem:s0+$0x60] =	vst v0  }
0x1e: {  	[tilespmem:s0+$0x50] =	vst v0  }
0x1f: {  	[tilespmem:s0+$0x40] =	vst v0  }
0x20: {  	[tilespmem:s0+$0x30] =	vst v0  }
0x21: {  	[tilespmem:s0+$0x20] =	vst v0  }
0x22: {  	[tilespmem:s0+$0x10] =	vst v0  }
0x23: {  	[tilespmem:s0+$0x0] =	vst v0  }
0x24: {  	[tilespmem:s0+$0xFFFFFFF0] =	vst v0  }
0x25: {  	[tilespmem:s0+$0xFFFFFFE0] =	vst v0  }
0x26: {  	[tilespmem:s0+$0xFFFFFFD0] =	vst v0  }
0x27: {  	[tilespmem:s0+$0xFFFFFFC0] =	vst v0  }
0x28: {  	[tilespmem:s0+$0xFFFFFFB0] =	vst v0  }
0x29: {  	[tilespmem:s0+$0xFFFFFFA0] =	vst v0  }
0x2a: {  	[tilespmem:s0+$0xFFFFFF90] =	vst v0  }
0x2b: {  	[tilespmem:s0+$0xFFFFFF80] =	vst v0  }
0x2c: {  	[tilespmem:s0+$0xFFFFFF70] =	vst v0  }
0x2d: {  	[tilespmem:s0+$0xFFFFFF60] =	vst v0  }
0x2e: {  	[tilespmem:s0+$0xFFFFFF50] =	vst v0  }
0x2f: {  	[tilespmem:s0+$0xFFFFFF40] =	vst v0  }
0x30: {  	[tilespmem:s0+$0xFFFFFF30] =	vst v0  }
0x31: {  	s1 =	simm.s32 $0x0;
	[tilespmem:s0+$0xFFFFFF20] =	vst v0  }
.LBB2_2:
0x32: {  	s1 =	sadd.s32 $0x4, s1;
	[tilespmem:s0+$0xFFFFFF10] =	vst v0;
	s0 =	sadd.s32 $0x200, s0;
	s2 =	simm.s32 $0x80  }
0x33: {  	[tilespmem:s0+$0xFFFFFF00] =	vst v0;
	p0 =	slt.u32 s1, $0x7C  }
0x34: {  	[tilespmem:s0+$0xF0] =	vst v0  }
0x35: {  	[tilespmem:s0+$0xE0] =	vst v0  }
0x36: {  	[tilespmem:s0+$0xD0] =	vst v0  }
0x37: {  	[tilespmem:s0+$0xC0] =	vst v0  }
0x38: {  	[tilespmem:s0+$0xB0] =	vst v0  }
0x39: {  	[tilespmem:s0+$0xA0] =	vst v0  }
0x3a: {  	[tilespmem:s0+$0x90] =	vst v0  }
0x3b: {  	[tilespmem:s0+$0x80] =	vst v0  }
0x3c: {  	[tilespmem:s0+$0x70] =	vst v0  }
0x3d: {  	[tilespmem:s0+$0x60] =	vst v0  }
0x3e: {  	[tilespmem:s0+$0x50] =	vst v0  }
0x3f: {  	[tilespmem:s0+$0x40] =	vst v0  }
0x40: {  	[tilespmem:s0+$0x30] =	vst v0  }
0x41: {  	[tilespmem:s0+$0x20] =	vst v0  }
0x42: {  	[tilespmem:s0+$0x10] =	vst v0  }
0x43: {  	[tilespmem:s0+$0x0] =	vst v0  }
0x44: {  	[tilespmem:s0+$0xFFFFFFF0] =	vst v0  }
0x45: {  	[tilespmem:s0+$0xFFFFFFE0] =	vst v0  }
0x46: {  	[tilespmem:s0+$0xFFFFFFD0] =	vst v0  }
0x47: {  	[tilespmem:s0+$0xFFFFFFC0] =	vst v0  }
0x48: {  	[tilespmem:s0+$0xFFFFFFB0] =	vst v0  }
0x49: {  	[tilespmem:s0+$0xFFFFFFA0] =	vst v0  }
0x4a: {  	[tilespmem:s0+$0xFFFFFF90] =	vst v0  }
0x4b: {  	[tilespmem:s0+$0xFFFFFF80] =	vst v0  }
0x4c: {  	[tilespmem:s0+$0xFFFFFF70] =	vst v0  }
.Ltmp0:
0x4d: {  	[tilespmem:s0+$0xFFFFFF60] =	vst v0;
	(pc) =	sbr.rel @p0 .LBB2_2-.Ltmp0, $4  }
0x4e: {  	[tilespmem:s0+$0xFFFFFF50] =	vst v0  }
0x4f: {  	[tilespmem:s0+$0xFFFFFF40] =	vst v0  }
0x50: {  	[tilespmem:s0+$0xFFFFFF30] =	vst v0  }
0x51: {  	s4 =	simm.s32 $0x0;
	[tilespmem:s0+$0xFFFFFF20] =	vst v0  }
0x52: {  	s1 =	sand.u32 $0x7800, s4  }
0x53: {  	s2 =	sand.u32 $0x380, s2;
	s1 =	sor.u32 $0x8000, s1  }
0x54: {  	[tilespmem:s0+$0xFFFFFF10] =	vst v0;
	s23 =	sor.u32 s2, s1  }
0x55: {  	v2 =	vld [tilespmem:s23+$0x0];
	_ =	sdelay $0x7  }
0x56: {  	v2 =	vld.idx.msk [tilespmem:v2+s3+$0x0], $0xffff;
	_ =	sdelay $0x4  }
0x57: {  	v2 =	vmul.u32 $0x27, v2;
	_ =	sdelay $0x1  }
0x58: {  	v2 =	vadd.s32 $0xD, v2  }
0x59: {  	s18 =	simm.s32 $0x80;
	v2 =	vand.u32 $0x7F, v2  }
0x5a: {  	v2 =	vor.u32 s18, v2;
	_ =	sdelay $0x4  }
0x5b: {  	[tilespmem:v2+s9+$0x0] =	vst.idx.add.f32.msk $0xffff, v1  }
0x5c: {  	v2 =	vld [tilespmem:s23+$0x10];
	_ =	sdelay $0x2  }
0x5d: {  	s19 =	simm.s32 $0x0  }
0x5e: {  	s0 =	sand.u32 $0x300, s19  }
0x5f: {  	s0 =	sor.u32 s0, s1  }
0x60: {  	v3 =	vld [tilespmem:s0+$0x0];
	_ =	sdelay $0x1  }
0x61: {  	v2 =	vld.idx.msk [tilespmem:v2+s3+$0x0], $0xffff;
	_ =	sdelay $0x4  }
0x62: {  	v2 =	vmul.u32 $0x27, v2  }
0x63: {  	v3 =	vld.idx.msk [tilespmem:v3+s3+$0x0], $0xffff  }
0x64: {  	v2 =	vadd.s32 $0xD, v2  }
0x65: {  	v2 =	vand.u32 $0x7F, v2  }
0x66: {  	v2 =	vor.u32 s18, v2;
	_ =	sdelay $0x1  }
0x67: {  	v3 =	vmul.u32 $0x27, v3;
	_ =	sdelay $0x1  }
0x68: {  	v3 =	vadd.s32 $0xD, v3  }
0x69: {  	s25 =	simm.s32 $0x0;
	v3 =	vand.u32 $0x7F, v3;
	[tilespmem:v2+s9+$0x0] =	vst.idx.add.f32.msk $0xffff, v1  }
0x6a: {  	v2 =	vor.u32 s25, v3;
	v3 =	vld [tilespmem:s23+$0x20];
	_ =	sdelay $0x4  }
0x6b: {  	[tilespmem:v2+s9+$0x0] =	vst.idx.add.f32.msk $0xffff, v1  }
0x6c: {  	v2 =	vld [tilespmem:s0+$0x10];
	_ =	sdelay $0x1  }
0x6d: {  	v3 =	vld.idx.msk [tilespmem:v3+s3+$0x0], $0xffff;
	_ =	sdelay $0x4  }
0x6e: {  	v3 =	vmul.u32 $0x27, v3  }
0x6f: {  	v2 =	vld.idx.msk [tilespmem:v2+s3+$0x0], $0xffff  }
0x70: {  	v3 =	vadd.s32 $0xD, v3  }
0x71: {  	v3 =	vand.u32 $0x7F, v3  }
0x72: {  	v3 =	vor.u32 s18, v3;
	_ =	sdelay $0x1  }
0x73: {  	v2 =	vmul.u32 $0x27, v2;
	_ =	sdelay $0x1  }
0x74: {  	v2 =	vadd.s32 $0xD, v2  }
0x75: {  	v2 =	vand.u32 $0x7F, v2;
	[tilespmem:v3+s9+$0x0] =	vst.idx.add.f32.msk $0xffff, v1  }
0x76: {  	v2 =	vor.u32 s25, v2;
	v3 =	vld [tilespmem:s23+$0x30];
	_ =	sdelay $0x4  }
0x77: {  	[tilespmem:v2+s9+$0x0] =	vst.idx.add.f32.msk $0xffff, v1  }
0x78: {  	v2 =	vld [tilespmem:s0+$0x20];
	_ =	sdelay $0x1  }
0x79: {  	v3 =	vld.idx.msk [tilespmem:v3+s3+$0x0], $0xffff;
	_ =	sdelay $0x3  }
0x7a: {  	s20 =	simm.s32 $0x200  }
0x7b: {  	s21 =	simm.s32 $0x180;
	s1 =	sand.u32 $0x7800, s20;
	v3 =	vmul.u32 $0x27, v3  }
0x7c: {  	s2 =	sand.u32 $0x380, s21;
	s1 =	sor.u32 $0x8000, s1;
	v2 =	vld.idx.msk [tilespmem:v2+s3+$0x0], $0xffff  }
0x7d: {  	s20 =	sor.u32 s2, s1;
	v3 =	vadd.s32 $0xD, v3  }
0x7e: {  	v4 =	vld [tilespmem:s20+$0x0];
	v3 =	vand.u32 $0x7F, v3  }
0x7f: {  	v3 =	vor.u32 s18, v3;
	_ =	sdelay $0x1  }
0x80: {  	v2 =	vmul.u32 $0x27, v2;
	_ =	sdelay $0x1  }
0x81: {  	v2 =	vadd.s32 $0xD, v2  }
0x82: {  	v2 =	vand.u32 $0x7F, v2;
	[tilespmem:v3+s9+$0x0] =	vst.idx.add.f32.msk $0xffff, v1  }
0x83: {  	v2 =	vor.u32 s25, v2;
	v3 =	vld [tilespmem:s23+$0x40]  }
0x84: {  	v4 =	vld.idx.msk [tilespmem:v4+s3+$0x0], $0xffff;
	_ =	sdelay $0x3  }
0x85: {  	[tilespmem:v2+s9+$0x0] =	vst.idx.add.f32.msk $0xffff, v1  }
0x86: {  	v4 =	vmul.u32 $0x27, v4;
	v2 =	vld [tilespmem:s0+$0x30]  }
0x87: {  	s22 =	simm.s32 $0x100  }
0x88: {  	s2 =	sand.u32 $0x300, s22;
	v4 =	vadd.s32 $0xD, v4;
	v3 =	vld.idx.msk [tilespmem:v3+s3+$0x0], $0xffff  }
0x89: {  	s19 =	simm.s32 $0x180;
	s28 =	sor.u32 s2, s1;
	v4 =	vand.u32 $0x7F, v4  }
0x8a: {  	v5 =	vld [tilespmem:s28+$0x0];
	v4 =	vor.u32 s19, v4;
	_ =	sdelay $0x2  }
0x8b: {  	v3 =	vmul.u32 $0x27, v3  }
0x8c: {  	v2 =	vld.idx.msk [tilespmem:v2+s3+$0x0], $0xffff  }
0x8d: {  	[tilespmem:v4+s9+$0x0] =	vst.idx.add.f32.msk $0xffff, v1;
	v3 =	vadd.s32 $0xD, v3  }
0x8e: {  	v4 =	vld [tilespmem:s20+$0x10];
	v3 =	vand.u32 $0x7F, v3  }
0x8f: {  	v3 =	vor.u32 s18, v3  }
0x90: {  	v5 =	vld.idx.msk [tilespmem:v5+s3+$0x0], $0xffff  }
0x91: {  	v2 =	vmul.u32 $0x27, v2;
	_ =	sdelay $0x1  }
0x92: {  	v2 =	vadd.s32 $0xD, v2  }
0x93: {  	v2 =	vand.u32 $0x7F, v2;
	[tilespmem:v3+s9+$0x0] =	vst.idx.add.f32.msk $0xffff, v1  }
0x94: {  	v2 =	vor.u32 s25, v2;
	v3 =	vmul.u32 $0x27, v5;
	v5 =	vld [tilespmem:s23+$0x50]  }
0x95: {  	v4 =	vld.idx.msk [tilespmem:v4+s3+$0x0], $0xffff  }
0x96: {  	v3 =	vadd.s32 $0xD, v3  }
0x97: {  	s11 =	simm.s32 $0x100;
	v3 =	vand.u32 $0x7F, v3  }
0x98: {  	v3 =	vor.u32 s11, v3  }
0x99: {  	[tilespmem:v2+s9+$0x0] =	vst.idx.add.f32.msk $0xffff, v1  }
0x9a: {  	v4 =	vmul.u32 $0x27, v4;
	v2 =	vld [tilespmem:s0+$0x40];
	_ =	sdelay $0x1  }
0x9b: {  	v4 =	vadd.s32 $0xD, v4;
	v5 =	vld.idx.msk [tilespmem:v5+s3+$0x0], $0xffff  }
0x9c: {  	[tilespmem:v3+s9+$0x0] =	vst.idx.add.f32.msk $0xffff, v1;
	v3 =	vand.u32 $0x7F, v4  }
0x9d: {  	v4 =	vld [tilespmem:s28+$0x10];
	v3 =	vor.u32 s19, v3;
	_ =	sdelay $0x2  }
0x9e: {  	v5 =	vmul.u32 $0x27, v5  }
0x9f: {  	v2 =	vld.idx.msk [tilespmem:v2+s3+$0x0], $0xffff  }
0xa0: {  	[tilespmem:v3+s9+$0x0] =	vst.idx.add.f32.msk $0xffff, v1;
	v5 =	vadd.s32 $0xD, v5  }
0xa1: {  	v3 =	vand.u32 $0x7F, v5;
	v5 =	vld [tilespmem:s20+$0x20]  }
0xa2: {  	v3 =	vor.u32 s18, v3  }
0xa3: {  	v4 =	vld.idx.msk [tilespmem:v4+s3+$0x0], $0xffff  }
0xa4: {  	v2 =	vmul.u32 $0x27, v2;
	_ =	sdelay $0x1  }
0xa5: {  	v2 =	vadd.s32 $0xD, v2  }
0xa6: {  	v2 =	vand.u32 $0x7F, v2;
	[tilespmem:v3+s9+$0x0] =	vst.idx.add.f32.msk $0xffff, v1  }
0xa7: {  	v2 =	vor.u32 s25, v2;
	v3 =	vmul.u32 $0x27, v4;
	v4 =	vld [tilespmem:s23+$0x60]  }
0xa8: {  	v5 =	vld.idx.msk [tilespmem:v5+s3+$0x0], $0xffff  }
0xa9: {  	v3 =	vadd.s32 $0xD, v3  }
0xaa: {  	v3 =	vand.u32 $0x7F, v3  }
0xab: {  	v3 =	vor.u32 s11, v3  }
0xac: {  	[tilespmem:v2+s9+$0x0] =	vst.idx.add.f32.msk $0xffff, v1  }
0xad: {  	v2 =	vld [tilespmem:s0+$0x50];
	v5 =	vmul.u32 $0x27, v5;
	_ =	sdelay $0x1  }
0xae: {  	v4 =	vld.idx.msk [tilespmem:v4+s3+$0x0], $0xffff;
	v5 =	vadd.s32 $0xD, v5  }
0xaf: {  	[tilespmem:v3+s9+$0x0] =	vst.idx.add.f32.msk $0xffff, v1;
	v3 =	vand.u32 $0x7F, v5  }
0xb0: {  	v5 =	vld [tilespmem:s28+$0x20];
	v3 =	vor.u32 s19, v3;
	_ =	sdelay $0x2  }
0xb1: {  	v4 =	vmul.u32 $0x27, v4  }
0xb2: {  	v2 =	vld.idx.msk [tilespmem:v2+s3+$0x0], $0xffff  }
0xb3: {  	v4 =	vadd.s32 $0xD, v4;
	[tilespmem:v3+s9+$0x0] =	vst.idx.add.f32.msk $0xffff, v1  }
0xb4: {  	v3 =	vand.u32 $0x7F, v4;
	v4 =	vld [tilespmem:s20+$0x30]  }
0xb5: {  	v3 =	vor.u32 s18, v3  }
0xb6: {  	v5 =	vld.idx.msk [tilespmem:v5+s3+$0x0], $0xffff  }
0xb7: {  	v2 =	vmul.u32 $0x27, v2;
	_ =	sdelay $0x1  }
0xb8: {  	v2 =	vadd.s32 $0xD, v2  }
0xb9: {  	v2 =	vand.u32 $0x7F, v2;
	[tilespmem:v3+s9+$0x0] =	vst.idx.add.f32.msk $0xffff, v1  }
0xba: {  	v2 =	vor.u32 s25, v2;
	v3 =	vmul.u32 $0x27, v5;
	v5 =	vld [tilespmem:s23+$0x70]  }
0xbb: {  	v4 =	vld.idx.msk [tilespmem:v4+s3+$0x0], $0xffff  }
0xbc: {  	v3 =	vadd.s32 $0xD, v3  }
0xbd: {  	v3 =	vand.u32 $0x7F, v3  }
0xbe: {  	v3 =	vor.u32 s11, v3  }
0xbf: {  	[tilespmem:v2+s9+$0x0] =	vst.idx.add.f32.msk $0xffff, v1  }
0xc0: {  	v2 =	vld [tilespmem:s0+$0x60];
	v4 =	vmul.u32 $0x27, v4;
	_ =	sdelay $0x1  }
0xc1: {  	s24 =	simm.s32 $0x400;
	v5 =	vld.idx.msk [tilespmem:v5+s3+$0x0], $0xffff;
	v4 =	vadd.s32 $0xD, v4  }
0xc2: {  	s26 =	simm.s32 $0x280;
	s1 =	sand.u32 $0x7800, s24;
	[tilespmem:v3+s9+$0x0] =	vst.idx.add.f32.msk $0xffff, v1;
	v3 =	vand.u32 $0x7F, v4  }
0xc3: {  	s2 =	sand.u32 $0x380, s26;
	s1 =	sor.u32 $0x8000, s1;
	v4 =	vld [tilespmem:s28+$0x30];
	v3 =	vor.u32 s19, v3  }
0xc4: {  	s22 =	sor.u32 s2, s1  }
0xc5: {  	v6 =	vld [tilespmem:s22+$0x0]  }
0xc6: {  	v5 =	vmul.u32 $0x27, v5  }
0xc7: {  	v2 =	vld.idx.msk [tilespmem:v2+s3+$0x0], $0xffff  }
0xc8: {  	v5 =	vadd.s32 $0xD, v5;
	[tilespmem:v3+s9+$0x0] =	vst.idx.add.f32.msk $0xffff, v1  }
0xc9: {  	v3 =	vand.u32 $0x7F, v5;
	v5 =	vld [tilespmem:s20+$0x40]  }
0xca: {  	v3 =	vor.u32 s18, v3  }
0xcb: {  	v4 =	vld.idx.msk [tilespmem:v4+s3+$0x0], $0xffff;
	_ =	sdelay $0x1  }
0xcc: {  	v6 =	vld.idx.msk [tilespmem:v6+s3+$0x0], $0xffff  }
0xcd: {  	v2 =	vmul.u32 $0x27, v2  }
0xce: {  	[tilespmem:v3+s9+$0x0] =	vst.idx.add.f32.msk $0xffff, v1  }
0xcf: {  	v2 =	vadd.s32 $0xD, v2;
	v3 =	vmul.u32 $0x27, v4;
	v4 =	vld [tilespmem:s23+$0x400]  }
0xd0: {  	v2 =	vand.u32 $0x7F, v2;
	v5 =	vld.idx.msk [tilespmem:v5+s3+$0x0], $0xffff  }
0xd1: {  	v6 =	vmul.u32 $0x27, v6;
	v2 =	vor.u32 s25, v2;
	v3 =	vadd.s32 $0xD, v3  }
0xd2: {  	s4 =	simm.s32 $0x200;
	v3 =	vand.u32 $0x7F, v3  }
0xd3: {  	s2 =	sand.u32 $0x300, s4;
	v6 =	vadd.s32 $0xD, v6;
	v3 =	vor.u32 s11, v3  }
0xd4: {  	s21 =	simm.s32 $0x280;
	s13 =	sor.u32 s2, s1;
	v6 =	vand.u32 $0x7F, v6  }
0xd5: {  	v7 =	vld [tilespmem:s13+$0x0];
	v6 =	vor.u32 s21, v6;
	v5 =	vmul.u32 $0x27, v5  }
0xd6: {  	[tilespmem:v2+s9+$0x0] =	vst.idx.add.f32.msk $0xffff, v1  }
0xd7: {  	v2 =	vld.idx.msk [tilespmem:v4+s3+$0x0], $0xffff;
	v4 =	vadd.s32 $0xD, v5  }
0xd8: {  	[tilespmem:v3+s9+$0x0] =	vst.idx.add.f32.msk $0xffff, v1;
	v3 =	vand.u32 $0x7F, v4  }
0xd9: {  	v4 =	vld [tilespmem:s28+$0x40];
	v3 =	vor.u32 s19, v3  }
0xda: {  	[tilespmem:v6+s9+$0x0] =	vst.idx.add.f32.msk $0xffff, v1  }
0xdb: {  	v5 =	vld [tilespmem:s22+$0x10]  }
0xdc: {  	v2 =	vmul.u32 $0x27, v2  }
0xdd: {  	v6 =	vld.idx.msk [tilespmem:v7+s3+$0x0], $0xffff  }
0xde: {  	v2 =	vadd.s32 $0xD, v2;
	[tilespmem:v3+s9+$0x0] =	vst.idx.add.f32.msk $0xffff, v1  }
0xdf: {  	v2 =	vand.u32 $0x7F, v2;
	v3 =	vld [tilespmem:s20+$0x50]  }
0xe0: {  	v2 =	vor.u32 s18, v2;
	_ =	sdelay $0x1  }
0xe1: {  	v6 =	vmul.u32 $0x27, v6  }
0xe2: {  	v5 =	vld.idx.msk [tilespmem:v5+s3+$0x0], $0xffff  }
0xe3: {  	v6 =	vadd.s32 $0xD, v6  }
0xe4: {  	s12 =	simm.s32 $0x200;
	v6 =	vand.u32 $0x7F, v6;
	[tilespmem:v2+s9+$0x0] =	vst.idx.add.f32.msk $0xffff, v1  }
0xe5: {  	v2 =	vor.u32 s12, v6;
	v6 =	vld [tilespmem:s23+$0x410]  }
0xe6: {  	v3 =	vld.idx.msk [tilespmem:v3+s3+$0x0], $0xffff  }
0xe7: {  	v5 =	vmul.u32 $0x27, v5;
	_ =	sdelay $0x1  }
0xe8: {  	v5 =	vadd.s32 $0xD, v5  }
0xe9: {  	[tilespmem:v2+s9+$0x0] =	vst.idx.add.f32.msk $0xffff, v1;
	v2 =	vand.u32 $0x7F, v5  }
0xea: {  	v5 =	vld [tilespmem:s13+$0x10];
	v2 =	vor.u32 s21, v2;
	v3 =	vmul.u32 $0x27, v3;
	_ =	sdelay $0x1  }
0xeb: {  	v3 =	vadd.s32 $0xD, v3  }
0xec: {  	v6 =	vld.idx.msk [tilespmem:v6+s3+$0x0], $0xffff;
	v3 =	vand.u32 $0x7F, v3  }
0xed: {  	v3 =	vor.u32 s19, v3  }
0xee: {  	[tilespmem:v2+s9+$0x0] =	vst.idx.add.f32.msk $0xffff, v1  }
0xef: {  	v2 =	vld [tilespmem:s22+$0x20];
	_ =	sdelay $0x1  }
0xf0: {  	v5 =	vld.idx.msk [tilespmem:v5+s3+$0x0], $0xffff;
	v6 =	vmul.u32 $0x27, v6  }
0xf1: {  	[tilespmem:v3+s9+$0x0] =	vst.idx.add.f32.msk $0xffff, v1  }
0xf2: {  	v3 =	vadd.s32 $0xD, v6;
	v6 =	vld [tilespmem:s20+$0x60]  }
0xf3: {  	v3 =	vand.u32 $0x7F, v3  }
0xf4: {  	v3 =	vor.u32 s18, v3  }
0xf5: {  	v5 =	vmul.u32 $0x27, v5  }
0xf6: {  	v2 =	vld.idx.msk [tilespmem:v2+s3+$0x0], $0xffff  }
0xf7: {  	v5 =	vadd.s32 $0xD, v5  }
0xf8: {  	v5 =	vand.u32 $0x7F, v5  }
0xf9: {  	v5 =	vor.u32 s12, v5;
	[tilespmem:v3+s9+$0x0] =	vst.idx.add.f32.msk $0xffff, v1  }
0xfa: {  	v3 =	vld.idx.msk [tilespmem:v6+s3+$0x0], $0xffff  }
0xfb: {  	v6 =	vld [tilespmem:s23+$0x420];
	v2 =	vmul.u32 $0x27, v2;
	_ =	sdelay $0x1  }
0xfc: {  	v2 =	vadd.s32 $0xD, v2  }
0xfd: {  	[tilespmem:v5+s9+$0x0] =	vst.idx.add.f32.msk $0xffff, v1;
	v2 =	vand.u32 $0x7F, v2  }
0xfe: {  	v5 =	vld [tilespmem:s13+$0x20];
	v2 =	vor.u32 s21, v2;
	v3 =	vmul.u32 $0x27, v3  }
0xff: {  	v4 =	vld.idx.msk [tilespmem:v4+s3+$0x0], $0xffff  }
0x100: {  	v3 =	vadd.s32 $0xD, v3  }
0x101: {  	v7 =	vld [tilespmem:s0+$0x70];
	v3 =	vand.u32 $0x7F, v3  }
0x102: {  	v6 =	vld.idx.msk [tilespmem:v6+s3+$0x0], $0xffff;
	v3 =	vor.u32 s19, v3  }
0x103: {  	[tilespmem:v2+s9+$0x0] =	vst.idx.add.f32.msk $0xffff, v1  }
0x104: {  	v2 =	vmul.u32 $0x27, v4;
	v4 =	vld [tilespmem:s22+$0x30];
	_ =	sdelay $0x1  }
0x105: {  	v2 =	vadd.s32 $0xD, v2;
	v5 =	vld.idx.msk [tilespmem:v5+s3+$0x0], $0xffff  }
0x106: {  	v2 =	vand.u32 $0x7F, v2;
	[tilespmem:v3+s9+$0x0] =	vst.idx.add.f32.msk $0xffff, v1  }
0x107: {  	v2 =	vor.u32 s11, v2;
	v3 =	vld [tilespmem:s20+$0x70]  }
0x108: {  	v6 =	vmul.u32 $0x27, v6  }
0x109: {  	v7 =	vld.idx.msk [tilespmem:v7+s3+$0x0], $0xffff  }
0x10a: {  	v6 =	vadd.s32 $0xD, v6;
	v5 =	vmul.u32 $0x27, v5  }
0x10b: {  	v6 =	vand.u32 $0x7F, v6;
	v4 =	vld.idx.msk [tilespmem:v4+s3+$0x0], $0xffff  }
0x10c: {  	[tilespmem:v2+s9+$0x0] =	vst.idx.add.f32.msk $0xffff, v1;
	v2 =	vor.u32 s18, v6;
	v5 =	vadd.s32 $0xD, v5  }
0x10d: {  	v6 =	vld [tilespmem:s28+$0x50];
	v5 =	vand.u32 $0x7F, v5  }
0x10e: {  	v7 =	vmul.u32 $0x27, v7;
	v5 =	vor.u32 s12, v5  }
0x10f: {  	v3 =	vld.idx.msk [tilespmem:v3+s3+$0x0], $0xffff  }
0x110: {  	v7 =	vadd.s32 $0xD, v7;
	v4 =	vmul.u32 $0x27, v4  }
0x111: {  	v7 =	vand.u32 $0x7F, v7;
	[tilespmem:v2+s9+$0x0] =	vst.idx.add.f32.msk $0xffff, v1  }
0x112: {  	v2 =	vor.u32 s25, v7;
	v7 =	vld [tilespmem:s23+$0x430];
	v4 =	vadd.s32 $0xD, v4  }
0x113: {  	[tilespmem:v5+s9+$0x0] =	vst.idx.add.f32.msk $0xffff, v1;
	v4 =	vand.u32 $0x7F, v4  }
0x114: {  	s5 =	simm.s32 $0x600;
	v5 =	vld [tilespmem:s13+$0x30];
	v4 =	vor.u32 s21, v4;
	v3 =	vmul.u32 $0x27, v3  }
0x115: {  	s6 =	simm.s32 $0x380;
	s1 =	sand.u32 $0x7800, s5;
	v6 =	vld.idx.msk [tilespmem:v6+s3+$0x0], $0xffff  }
0x116: {  	s2 =	sand.u32 $0x380, s6;
	s1 =	sor.u32 $0x8000, s1;
	v3 =	vadd.s32 $0xD, v3  }
0x117: {  	s30 =	sor.u32 s2, s1;
	[tilespmem:v2+s9+$0x0] =	vst.idx.add.f32.msk $0xffff, v1;
	v2 =	vand.u32 $0x7F, v3  }
0x118: {  	v3 =	vld [tilespmem:s30+$0x0];
	v2 =	vor.u32 s19, v2  }
0x119: {  	[tilespmem:v4+s9+$0x0] =	vst.idx.add.f32.msk $0xffff, v1  }
0x11a: {  	v4 =	vmul.u32 $0x27, v6;
	v6 =	vld [tilespmem:s22+$0x40]  }
0x11b: {  	v7 =	vld.idx.msk [tilespmem:v7+s3+$0x0], $0xffff  }
0x11c: {  	s7 =	simm.s32 $0x300;
	v4 =	vadd.s32 $0xD, v4;
	v5 =	vld.idx.msk [tilespmem:v5+s3+$0x0], $0xffff  }
0x11d: {  	s2 =	sand.u32 $0x300, s7;
	v4 =	vand.u32 $0x7F, v4;
	[tilespmem:v2+s9+$0x0] =	vst.idx.add.f32.msk $0xffff, v1  }
0x11e: {  	s15 =	sor.u32 s2, s1;
	v2 =	vor.u32 s11, v4;
	v4 =	vld [tilespmem:s20+$0x400]  }
0x11f: {  	v8 =	vld [tilespmem:s15+$0x0]  }
0x120: {  	v7 =	vmul.u32 $0x27, v7;
	v3 =	vld.idx.msk [tilespmem:v3+s3+$0x0], $0xffff  }
0x121: {  	v9 =	vld [tilespmem:s0+$0x400]  }
0x122: {  	v7 =	vadd.s32 $0xD, v7;
	v6 =	vld.idx.msk [tilespmem:v6+s3+$0x0], $0xffff  }
0x123: {  	v5 =	vmul.u32 $0x27, v5;
	[tilespmem:v2+s9+$0x0] =	vst.idx.add.f32.msk $0xffff, v1;
	v2 =	vand.u32 $0x7F, v7  }
0x124: {  	v2 =	vor.u32 s18, v2  }
0x125: {  	v5 =	vadd.s32 $0xD, v5;
	v7 =	vld [tilespmem:s28+$0x60];
	v3 =	vmul.u32 $0x27, v3  }
0x126: {  	v5 =	vand.u32 $0x7F, v5;
	v4 =	vld.idx.msk [tilespmem:v4+s3+$0x0], $0xffff  }
0x127: {  	v5 =	vor.u32 s12, v5;
	v3 =	vadd.s32 $0xD, v3;
	v6 =	vmul.u32 $0x27, v6  }
0x128: {  	s29 =	simm.s32 $0x380;
	v8 =	vld.idx.msk [tilespmem:v8+s3+$0x0], $0xffff;
	v3 =	vand.u32 $0x7F, v3  }
0x129: {  	[tilespmem:v2+s9+$0x0] =	vst.idx.add.f32.msk $0xffff, v1;
	v2 =	vor.u32 s29, v3;
	v3 =	vadd.s32 $0xD, v6  }
0x12a: {  	v6 =	vld [tilespmem:s23+$0x440];
	v3 =	vand.u32 $0x7F, v3  }
0x12b: {  	v9 =	vld.idx.msk [tilespmem:v9+s3+$0x0], $0xffff;
	v3 =	vor.u32 s21, v3;
	v4 =	vmul.u32 $0x27, v4  }
0x12c: {  	[tilespmem:v5+s9+$0x0] =	vst.idx.add.f32.msk $0xffff, v1  }
0x12d: {  	v5 =	vmul.u32 $0x27, v8;
	v7 =	vld.idx.msk [tilespmem:v7+s3+$0x0], $0xffff;
	v4 =	vadd.s32 $0xD, v4  }
0x12e: {  	[tilespmem:v2+s9+$0x0] =	vst.idx.add.f32.msk $0xffff, v1;
	v4 =	vand.u32 $0x7F, v4  }
0x12f: {  	v2 =	vor.u32 s19, v4;
	v4 =	vadd.s32 $0xD, v5;
	v5 =	vld [tilespmem:s30+$0x10]  }
0x130: {  	s14 =	simm.s32 $0x300;
	[tilespmem:v3+s9+$0x0] =	vst.idx.add.f32.msk $0xffff, v1;
	v4 =	vand.u32 $0x7F, v4  }
0x131: {  	v3 =	vor.u32 s14, v4;
	v4 =	vld [tilespmem:s22+$0x50]  }
0x132: {  	v6 =	vld.idx.msk [tilespmem:v6+s3+$0x0], $0xffff  }
0x133: {  	v8 =	vld [tilespmem:s13+$0x40]  }
0x134: {  	[tilespmem:v2+s9+$0x0] =	vst.idx.add.f32.msk $0xffff, v1  }
0x135: {  	v2 =	vld [tilespmem:s20+$0x410]  }
0x136: {  	v7 =	vmul.u32 $0x27, v7;
	[tilespmem:v3+s9+$0x0] =	vst.idx.add.f32.msk $0xffff, v1  }
0x137: {  	v3 =	vmul.u32 $0x27, v6;
	v5 =	vld.idx.msk [tilespmem:v5+s3+$0x0], $0xffff  }
0x138: {  	v6 =	vadd.s32 $0xD, v7;
	v7 =	vld [tilespmem:s15+$0x10]  }
0x139: {  	v6 =	vand.u32 $0x7F, v6;
	v3 =	vadd.s32 $0xD, v3;
	v4 =	vld.idx.msk [tilespmem:v4+s3+$0x0], $0xffff  }
0x13a: {  	v6 =	vor.u32 s11, v6;
	v3 =	vand.u32 $0x7F, v3  }
0x13b: {  	v9 =	vmul.u32 $0x27, v9;
	v8 =	vld.idx.msk [tilespmem:v8+s3+$0x0], $0xffff;
	v3 =	vor.u32 s18, v3  }
0x13c: {  	v5 =	vmul.u32 $0x27, v5  }
0x13d: {  	v9 =	vadd.s32 $0xD, v9;
	v2 =	vld.idx.msk [tilespmem:v2+s3+$0x0], $0xffff  }
0x13e: {  	v9 =	vand.u32 $0x7F, v9;
	v5 =	vadd.s32 $0xD, v5;
	v4 =	vmul.u32 $0x27, v4  }
0x13f: {  	v9 =	vor.u32 s25, v9;
	[tilespmem:v6+s9+$0x0] =	vst.idx.add.f32.msk $0xffff, v1;
	v5 =	vand.u32 $0x7F, v5  }
0x140: {  	v6 =	vmul.u32 $0x27, v8;
	[tilespmem:v3+s9+$0x0] =	vst.idx.add.f32.msk $0xffff, v1;
	v3 =	vor.u32 s29, v5;
	v4 =	vadd.s32 $0xD, v4  }
0x141: {  	v5 =	vld.idx.msk [tilespmem:v7+s3+$0x0], $0xffff;
	v4 =	vand.u32 $0x7F, v4  }
0x142: {  	v6 =	vadd.s32 $0xD, v6;
	v7 =	vld [tilespmem:s23+$0x450];
	v2 =	vmul.u32 $0x27, v2;
	v4 =	vor.u32 s21, v4  }
0x143: {  	v6 =	vand.u32 $0x7F, v6  }
0x144: {  	[tilespmem:v9+s9+$0x0] =	vst.idx.add.f32.msk $0xffff, v1;
	v6 =	vor.u32 s12, v6;
	v2 =	vadd.s32 $0xD, v2  }
0x145: {  	v2 =	vand.u32 $0x7F, v2;
	[tilespmem:v3+s9+$0x0] =	vst.idx.add.f32.msk $0xffff, v1  }
0x146: {  	v3 =	vmul.u32 $0x27, v5;
	v2 =	vor.u32 s19, v2;
	v5 =	vld [tilespmem:s30+$0x20]  }
0x147: {  	[tilespmem:v4+s9+$0x0] =	vst.idx.add.f32.msk $0xffff, v1  }
0x148: {  	v3 =	vadd.s32 $0xD, v3;
	v4 =	vld [tilespmem:s22+$0x60]  }
0x149: {  	[tilespmem:v6+s9+$0x0] =	vst.idx.add.f32.msk $0xffff, v1;
	v3 =	vand.u32 $0x7F, v3  }
0x14a: {  	v6 =	vld.idx.msk [tilespmem:v7+s3+$0x0], $0xffff;
	v3 =	vor.u32 s14, v3  }
0x14b: {  	[tilespmem:v2+s9+$0x0] =	vst.idx.add.f32.msk $0xffff, v1  }
0x14c: {  	v2 =	vld [tilespmem:s20+$0x420]  }
0x14d: {  	v7 =	vld [tilespmem:s13+$0x50]  }
0x14e: {  	v5 =	vld.idx.msk [tilespmem:v5+s3+$0x0], $0xffff  }
0x14f: {  	[tilespmem:v3+s9+$0x0] =	vst.idx.add.f32.msk $0xffff, v1  }
0x150: {  	v3 =	vld.idx.msk [tilespmem:v4+s3+$0x0], $0xffff  }
0x151: {  	v4 =	vld [tilespmem:s15+$0x20]  }
0x152: {  	v9 =	vld [tilespmem:s0+$0x410]  }
0x153: {  	v8 =	vld [tilespmem:s28+$0x70]  }
0x154: {  	v5 =	vmul.u32 $0x27, v5;
	v2 =	vld.idx.msk [tilespmem:v2+s3+$0x0], $0xffff;
	_ =	sdelay $0x1  }
0x155: {  	v5 =	vadd.s32 $0xD, v5;
	v3 =	vmul.u32 $0x27, v3  }
0x156: {  	v7 =	vld.idx.msk [tilespmem:v7+s3+$0x0], $0xffff;
	v5 =	vand.u32 $0x7F, v5  }
0x157: {  	v6 =	vmul.u32 $0x27, v6;
	v5 =	vor.u32 s29, v5;
	v3 =	vadd.s32 $0xD, v3  }
0x158: {  	v4 =	vld.idx.msk [tilespmem:v4+s3+$0x0], $0xffff;
	v3 =	vand.u32 $0x7F, v3;
	v2 =	vmul.u32 $0x27, v2  }
0x159: {  	v6 =	vadd.s32 $0xD, v6;
	v3 =	vor.u32 s21, v3  }
0x15a: {  	v8 =	vld.idx.msk [tilespmem:v8+s3+$0x0], $0xffff;
	v6 =	vand.u32 $0x7F, v6;
	v2 =	vadd.s32 $0xD, v2  }
0x15b: {  	v9 =	vld.idx.msk [tilespmem:v9+s3+$0x0], $0xffff;
	v6 =	vor.u32 s18, v6;
	v7 =	vmul.u32 $0x27, v7;
	v2 =	vand.u32 $0x7F, v2  }
0x15c: {  	[tilespmem:v5+s9+$0x0] =	vst.idx.add.f32.msk $0xffff, v1;
	v2 =	vor.u32 s19, v2  }
0x15d: {  	v5 =	vadd.s32 $0xD, v7;
	v7 =	vld [tilespmem:s30+$0x30];
	v4 =	vmul.u32 $0x27, v4  }
0x15e: {  	v5 =	vand.u32 $0x7F, v5;
	[tilespmem:v3+s9+$0x0] =	vst.idx.add.f32.msk $0xffff, v1  }
0x15f: {  	v8 =	vmul.u32 $0x27, v8;
	v3 =	vor.u32 s12, v5;
	v5 =	vld [tilespmem:s22+$0x70];
	v4 =	vadd.s32 $0xD, v4  }
0x160: {  	[tilespmem:v6+s9+$0x0] =	vst.idx.add.f32.msk $0xffff, v1;
	v4 =	vand.u32 $0x7F, v4  }
0x161: {  	v8 =	vadd.s32 $0xD, v8;
	[tilespmem:v2+s9+$0x0] =	vst.idx.add.f32.msk $0xffff, v1;
	v2 =	vor.u32 s14, v4  }
0x162: {  	v8 =	vand.u32 $0x7F, v8;
	v4 =	vld [tilespmem:s20+$0x430]  }
0x163: {  	v6 =	vor.u32 s11, v8;
	v8 =	vld [tilespmem:s23+$0x460]  }
0x164: {  	[tilespmem:v3+s9+$0x0] =	vst.idx.add.f32.msk $0xffff, v1;
	v3 =	vmul.u32 $0x27, v9  }
0x165: {  	v7 =	vld.idx.msk [tilespmem:v7+s3+$0x0], $0xffff  }
0x166: {  	[tilespmem:v2+s9+$0x0] =	vst.idx.add.f32.msk $0xffff, v1;
	v2 =	vadd.s32 $0xD, v3  }
0x167: {  	s8 =	simm.s32 $0x800;
	v3 =	vld.idx.msk [tilespmem:v5+s3+$0x0], $0xffff;
	v2 =	vand.u32 $0x7F, v2  }
0x168: {  	s16 =	simm.s32 $0x480;
	s1 =	sand.u32 $0x7800, s8;
	v9 =	vld [tilespmem:s13+$0x60];
	v2 =	vor.u32 s25, v2  }
0x169: {  	s2 =	sand.u32 $0x380, s16;
	s1 =	sor.u32 $0x8000, s1;
	v5 =	vld [tilespmem:s15+$0x30]  }
0x16a: {  	s2 =	sor.u32 s2, s1;
	v7 =	vmul.u32 $0x27, v7;
	v4 =	vld.idx.msk [tilespmem:v4+s3+$0x0], $0xffff  }
0x16b: {  	v10 =	vld [tilespmem:s2+$0x0]  }
0x16c: {  	v8 =	vld.idx.msk [tilespmem:v8+s3+$0x0], $0xffff;
	v7 =	vadd.s32 $0xD, v7;
	v3 =	vmul.u32 $0x27, v3  }
0x16d: {  	s17 =	simm.s32 $0x400;
	[tilespmem:v2+s9+$0x0] =	vst.idx.add.f32.msk $0xffff, v1;
	v2 =	vand.u32 $0x7F, v7  }
0x16e: {  	s4 =	sand.u32 $0x300, s17;
	[tilespmem:v6+s9+$0x0] =	vst.idx.add.f32.msk $0xffff, v1;
	v3 =	vadd.s32 $0xD, v3;
	v2 =	vor.u32 s29, v2  }
0x16f: {  	s17 =	sor.u32 s4, s1;
	v6 =	vld [tilespmem:s28+$0x400];
	v3 =	vand.u32 $0x7F, v3;
	v4 =	vmul.u32 $0x27, v4  }
0x170: {  	v11 =	vld [tilespmem:s17+$0x0];
	v3 =	vor.u32 s21, v3  }
0x171: {  	v5 =	vld.idx.msk [tilespmem:v5+s3+$0x0], $0xffff;
	v4 =	vadd.s32 $0xD, v4  }
0x172: {  	v8 =	vmul.u32 $0x27, v8;
	v9 =	vld.idx.msk [tilespmem:v9+s3+$0x0], $0xffff;
	v4 =	vand.u32 $0x7F, v4  }
0x173: {  	v4 =	vor.u32 s19, v4;
	[tilespmem:v2+s9+$0x0] =	vst.idx.add.f32.msk $0xffff, v1  }
0x174: {  	v2 =	vadd.s32 $0xD, v8;
	v8 =	vld [tilespmem:s30+$0x40]  }
0x175: {  	[tilespmem:v3+s9+$0x0] =	vst.idx.add.f32.msk $0xffff, v1  }
0x176: {  	v5 =	vmul.u32 $0x27, v5;
	v2 =	vand.u32 $0x7F, v2;
	v3 =	vld [tilespmem:s22+$0x400]  }
0x177: {  	v6 =	vld.idx.msk [tilespmem:v6+s3+$0x0], $0xffff;
	v2 =	vor.u32 s18, v2  }
0x178: {  	v5 =	vadd.s32 $0xD, v5;
	[tilespmem:v4+s9+$0x0] =	vst.idx.add.f32.msk $0xffff, v1  }
0x179: {  	v4 =	vand.u32 $0x7F, v5;
	v5 =	vld [tilespmem:s20+$0x440]  }
0x17a: {  	v7 =	vld [tilespmem:s0+$0x420];
	v4 =	vor.u32 s14, v4  }
0x17b: {  	v10 =	vld.idx.msk [tilespmem:v10+s3+$0x0], $0xffff;
	v9 =	vmul.u32 $0x27, v9  }
0x17c: {  	[tilespmem:v2+s9+$0x0] =	vst.idx.add.f32.msk $0xffff, v1;
	v2 =	vmul.u32 $0x27, v6  }
0x17d: {  	v6 =	vadd.s32 $0xD, v9;
	v8 =	vld.idx.msk [tilespmem:v8+s3+$0x0], $0xffff  }
0x17e: {  	v6 =	vand.u32 $0x7F, v6;
	v2 =	vadd.s32 $0xD, v2;
	v3 =	vld.idx.msk [tilespmem:v3+s3+$0x0], $0xffff  }
0x17f: {  	v2 =	vand.u32 $0x7F, v2;
	[tilespmem:v4+s9+$0x0] =	vst.idx.add.f32.msk $0xffff, v1;
	v4 =	vor.u32 s12, v6  }
0x180: {  	v9 =	vmul.u32 $0x27, v10;
	v2 =	vor.u32 s11, v2;
	v6 =	vld [tilespmem:s15+$0x40]  }
0x181: {  	v5 =	vld.idx.msk [tilespmem:v5+s3+$0x0], $0xffff  }
0x182: {  	v7 =	vld.idx.msk [tilespmem:v7+s3+$0x0], $0xffff;
	v9 =	vadd.s32 $0xD, v9;
	v8 =	vmul.u32 $0x27, v8  }
0x183: {  	s1 =	simm.s32 $0x480;
	v10 =	vld.idx.msk [tilespmem:v11+s3+$0x0], $0xffff;
	v9 =	vand.u32 $0x7F, v9  }
0x184: {  	v3 =	vmul.u32 $0x27, v3;
	[tilespmem:v4+s9+$0x0] =	vst.idx.add.f32.msk $0xffff, v1;
	v4 =	vor.u32 s1, v9;
	v8 =	vadd.s32 $0xD, v8  }
0x185: {  	[tilespmem:v2+s9+$0x0] =	vst.idx.add.f32.msk $0xffff, v1;
	v8 =	vand.u32 $0x7F, v8  }
0x186: {  	v9 =	vld [tilespmem:s13+$0x70];
	v3 =	vadd.s32 $0xD, v3;
	v2 =	vor.u32 s29, v8;
	v5 =	vmul.u32 $0x27, v5  }
0x187: {  	v8 =	vld [tilespmem:s28+$0x410];
	v3 =	vand.u32 $0x7F, v3  }
0x188: {  	v10 =	vmul.u32 $0x27, v10;
	v3 =	vor.u32 s21, v3;
	v6 =	vld.idx.msk [tilespmem:v6+s3+$0x0], $0xffff;
	v5 =	vadd.s32 $0xD, v5  }
0x189: {  	[tilespmem:v4+s9+$0x0] =	vst.idx.add.f32.msk $0xffff, v1;
	v4 =	vand.u32 $0x7F, v5  }
0x18a: {  	v5 =	vadd.s32 $0xD, v10;
	v10 =	vld [tilespmem:s2+$0x10];
	v4 =	vor.u32 s19, v4  }
0x18b: {  	s16 =	simm.s32 $0x400;
	v5 =	vand.u32 $0x7F, v5;
	[tilespmem:v2+s9+$0x0] =	vst.idx.add.f32.msk $0xffff, v1  }
0x18c: {  	v2 =	vmul.u32 $0x27, v7;
	v5 =	vor.u32 s16, v5;
	v7 =	vld [tilespmem:s30+$0x50]  }
0x18d: {  	[tilespmem:v3+s9+$0x0] =	vst.idx.add.f32.msk $0xffff, v1  }
0x18e: {  	v2 =	vadd.s32 $0xD, v2;
	v3 =	vld [tilespmem:s22+$0x410]  }
0x18f: {  	v2 =	vand.u32 $0x7F, v2;
	[tilespmem:v4+s9+$0x0] =	vst.idx.add.f32.msk $0xffff, v1  }
0x190: {  	v2 =	vor.u32 s25, v2;
	v4 =	vld [tilespmem:s20+$0x450]  }
0x191: {  	[tilespmem:v5+s9+$0x0] =	vst.idx.add.f32.msk $0xffff, v1  }
0x192: {  	v5 =	vmul.u32 $0x27, v6;
	v6 =	vld.idx.msk [tilespmem:v10+s3+$0x0], $0xffff  }
0x193: {  	v10 =	vld [tilespmem:s17+$0x10]  }
0x194: {  	v5 =	vadd.s32 $0xD, v5;
	v7 =	vld.idx.msk [tilespmem:v7+s3+$0x0], $0xffff  }
0x195: {  	[tilespmem:v2+s9+$0x0] =	vst.idx.add.f32.msk $0xffff, v1;
	v2 =	vand.u32 $0x7F, v5  }
0x196: {  	v2 =	vor.u32 s14, v2;
	v3 =	vld.idx.msk [tilespmem:v3+s3+$0x0], $0xffff  }
0x197: {  	v5 =	vld [tilespmem:s0+$0x430];
	v6 =	vmul.u32 $0x27, v6  }
0x198: {  	v11 =	vld [tilespmem:s23+$0x470]  }
0x199: {  	v4 =	vld.idx.msk [tilespmem:v4+s3+$0x0], $0xffff;
	v6 =	vadd.s32 $0xD, v6;
	v7 =	vmul.u32 $0x27, v7  }
0x19a: {  	v9 =	vld.idx.msk [tilespmem:v9+s3+$0x0], $0xffff;
	v6 =	vand.u32 $0x7F, v6  }
0x19b: {  	[tilespmem:v2+s9+$0x0] =	vst.idx.add.f32.msk $0xffff, v1;
	v3 =	vmul.u32 $0x27, v3;
	v2 =	vor.u32 s1, v6;
	v6 =	vadd.s32 $0xD, v7  }
0x19c: {  	v7 =	vld.idx.msk [tilespmem:v10+s3+$0x0], $0xffff;
	v6 =	vand.u32 $0x7F, v6  }
0x19d: {  	v10 =	vld [tilespmem:s15+$0x50];
	v3 =	vadd.s32 $0xD, v3;
	v6 =	vor.u32 s29, v6  }
0x19e: {  	v8 =	vld.idx.msk [tilespmem:v8+s3+$0x0], $0xffff;
	v3 =	vand.u32 $0x7F, v3;
	v4 =	vmul.u32 $0x27, v4  }
0x19f: {  	v5 =	vld.idx.msk [tilespmem:v5+s3+$0x0], $0xffff;
	v3 =	vor.u32 s21, v3  }
0x1a0: {  	v4 =	vadd.s32 $0xD, v4;
	[tilespmem:v2+s9+$0x0] =	vst.idx.add.f32.msk $0xffff, v1  }
0x1a1: {  	v2 =	vand.u32 $0x7F, v4;
	v4 =	vmul.u32 $0x27, v7;
	v7 =	vld [tilespmem:s2+$0x20]  }
0x1a2: {  	v2 =	vor.u32 s19, v2;
	[tilespmem:v6+s9+$0x0] =	vst.idx.add.f32.msk $0xffff, v1  }
0x1a3: {  	v4 =	vadd.s32 $0xD, v4;
	v6 =	vld [tilespmem:s30+$0x60]  }
0x1a4: {  	[tilespmem:v3+s9+$0x0] =	vst.idx.add.f32.msk $0xffff, v1;
	v4 =	vand.u32 $0x7F, v4  }
0x1a5: {  	v10 =	vld.idx.msk [tilespmem:v10+s3+$0x0], $0xffff;
	v3 =	vor.u32 s16, v4  }
0x1a6: {  	v4 =	vld [tilespmem:s22+$0x420]  }
0x1a7: {  	[tilespmem:v2+s9+$0x0] =	vst.idx.add.f32.msk $0xffff, v1  }
0x1a8: {  	v9 =	vmul.u32 $0x27, v9;
	v2 =	vld [tilespmem:s20+$0x460]  }
0x1a9: {  	v8 =	vmul.u32 $0x27, v8;
	v7 =	vld.idx.msk [tilespmem:v7+s3+$0x0], $0xffff  }
0x1aa: {  	v9 =	vadd.s32 $0xD, v9;
	v5 =	vmul.u32 $0x27, v5;
	[tilespmem:v3+s9+$0x0] =	vst.idx.add.f32.msk $0xffff, v1  }
0x1ab: {  	v8 =	vadd.s32 $0xD, v8;
	v3 =	vand.u32 $0x7F, v9;
	v6 =	vld.idx.msk [tilespmem:v6+s3+$0x0], $0xffff  }
0x1ac: {  	v8 =	vand.u32 $0x7F, v8;
	v5 =	vadd.s32 $0xD, v5;
	v3 =	vor.u32 s12, v3;
	v9 =	vld [tilespmem:s17+$0x20]  }
0x1ad: {  	v8 =	vor.u32 s11, v8;
	v5 =	vand.u32 $0x7F, v5  }
0x1ae: {  	v5 =	vor.u32 s25, v5;
	v10 =	vmul.u32 $0x27, v10;
	v4 =	vld.idx.msk [tilespmem:v4+s3+$0x0], $0xffff  }
0x1af: {  	v11 =	vld.idx.msk [tilespmem:v11+s3+$0x0], $0xffff;
	v7 =	vmul.u32 $0x27, v7  }
0x1b0: {  	v10 =	vadd.s32 $0xD, v10;
	v2 =	vld.idx.msk [tilespmem:v2+s3+$0x0], $0xffff  }
0x1b1: {  	[tilespmem:v3+s9+$0x0] =	vst.idx.add.f32.msk $0xffff, v1;
	v3 =	vadd.s32 $0xD, v7;
	v7 =	vand.u32 $0x7F, v10;
	v6 =	vmul.u32 $0x27, v6  }
0x1b2: {  	[tilespmem:v8+s9+$0x0] =	vst.idx.add.f32.msk $0xffff, v1;
	v3 =	vand.u32 $0x7F, v3;
	v7 =	vor.u32 s14, v7  }
0x1b3: {  	[tilespmem:v5+s9+$0x0] =	vst.idx.add.f32.msk $0xffff, v1;
	v3 =	vor.u32 s1, v3;
	v6 =	vadd.s32 $0xD, v6;
	v4 =	vmul.u32 $0x27, v4  }
0x1b4: {  	v8 =	vld.idx.msk [tilespmem:v9+s3+$0x0], $0xffff;
	v6 =	vand.u32 $0x7F, v6  }
0x1b5: {  	v10 =	vld [tilespmem:s13+$0x400];
	v6 =	vor.u32 s29, v6;
	v4 =	vadd.s32 $0xD, v4  }
0x1b6: {  	v9 =	vld [tilespmem:s28+$0x420];
	v2 =	vmul.u32 $0x27, v2;
	v4 =	vand.u32 $0x7F, v4  }
0x1b7: {  	[tilespmem:v7+s9+$0x0] =	vst.idx.add.f32.msk $0xffff, v1;
	v4 =	vor.u32 s21, v4  }
0x1b8: {  	v2 =	vadd.s32 $0xD, v2;
	[tilespmem:v3+s9+$0x0] =	vst.idx.add.f32.msk $0xffff, v1  }
0x1b9: {  	v2 =	vand.u32 $0x7F, v2;
	v3 =	vld [tilespmem:s2+$0x30];
	v5 =	vmul.u32 $0x27, v8  }
0x1ba: {  	v2 =	vor.u32 s19, v2;
	[tilespmem:v6+s9+$0x0] =	vst.idx.add.f32.msk $0xffff, v1  }
0x1bb: {  	v6 =	vld [tilespmem:s30+$0x70];
	v5 =	vadd.s32 $0xD, v5  }
0x1bc: {  	[tilespmem:v4+s9+$0x0] =	vst.idx.add.f32.msk $0xffff, v1;
	v4 =	vand.u32 $0x7F, v5  }
0x1bd: {  	v8 =	vld [tilespmem:s15+$0x60];
	v4 =	vor.u32 s16, v4  }
0x1be: {  	v5 =	vld [tilespmem:s22+$0x430]  }
0x1bf: {  	[tilespmem:v2+s9+$0x0] =	vst.idx.add.f32.msk $0xffff, v1  }
0x1c0: {  	v2 =	vmul.u32 $0x27, v11;
	v7 =	vld [tilespmem:s20+$0x470]  }
0x1c1: {  	v3 =	vld.idx.msk [tilespmem:v3+s3+$0x0], $0xffff  }
0x1c2: {  	v2 =	vadd.s32 $0xD, v2;
	[tilespmem:v4+s9+$0x0] =	vst.idx.add.f32.msk $0xffff, v1  }
0x1c3: {  	v2 =	vand.u32 $0x7F, v2;
	v4 =	vld.idx.msk [tilespmem:v6+s3+$0x0], $0xffff  }
0x1c4: {  	v2 =	vor.u32 s18, v2;
	v6 =	vld [tilespmem:s17+$0x30]  }
0x1c5: {  	v11 =	vld [tilespmem:s0+$0x440]  }
0x1c6: {  	v5 =	vld.idx.msk [tilespmem:v5+s3+$0x0], $0xffff  }
0x1c7: {  	v9 =	vld.idx.msk [tilespmem:v9+s3+$0x0], $0xffff;
	v3 =	vmul.u32 $0x27, v3  }
0x1c8: {  	v8 =	vld.idx.msk [tilespmem:v8+s3+$0x0], $0xffff  }
0x1c9: {  	[tilespmem:v2+s9+$0x0] =	vst.idx.add.f32.msk $0xffff, v1;
	v3 =	vadd.s32 $0xD, v3;
	v4 =	vmul.u32 $0x27, v4  }
0x1ca: {  	s18 =	simm.s32 $0xA00;
	v7 =	vld.idx.msk [tilespmem:v7+s3+$0x0], $0xffff;
	v3 =	vand.u32 $0x7F, v3  }
0x1cb: {  	s5 =	simm.s32 $0x580;
	s4 =	sand.u32 $0x7800, s18;
	v2 =	vld.idx.msk [tilespmem:v10+s3+$0x0], $0xffff;
	v3 =	vor.u32 s1, v3;
	v4 =	vadd.s32 $0xD, v4;
	v5 =	vmul.u32 $0x27, v5  }
0x1cc: {  	s5 =	sand.u32 $0x380, s5;
	s20 =	simm.s32 $0x500;
	s4 =	sor.u32 $0x8000, s4;
	v6 =	vld.idx.msk [tilespmem:v6+s3+$0x0], $0xffff;
	v4 =	vand.u32 $0x7F, v4  }
0x1cd: {  	s26 =	sor.u32 s5, s4;
	s5 =	sand.u32 $0x300, s20;
	v10 =	vld.idx.msk [tilespmem:v11+s3+$0x0], $0xffff;
	v4 =	vor.u32 s29, v4;
	v5 =	vadd.s32 $0xD, v5  }
0x1ce: {  	s20 =	sor.u32 s5, s4;
	v11 =	vld [tilespmem:s26+$0x0];
	v5 =	vand.u32 $0x7F, v5  }
0x1cf: {  	s23 =	simm.s32 $0xC00;
	v12 =	vld [tilespmem:s20+$0x0];
	v7 =	vmul.u32 $0x27, v7;
	v5 =	vor.u32 s21, v5  }
0x1d0: {  	s24 =	simm.s32 $0x680;
	s4 =	sand.u32 $0x7800, s23;
	[tilespmem:v3+s9+$0x0] =	vst.idx.add.f32.msk $0xffff, v1  }
0x1d1: {  	s6 =	simm.s32 $0x600;
	s5 =	sand.u32 $0x380, s24;
	s4 =	sor.u32 $0x8000, s4;
	v3 =	vadd.s32 $0xD, v7;
	v7 =	vld [tilespmem:s2+$0x40];
	v6 =	vmul.u32 $0x27, v6  }
0x1d2: {  	s7 =	simm.s32 $0xE00;
	s24 =	sor.u32 s5, s4;
	s5 =	sand.u32 $0x300, s6;
	v3 =	vand.u32 $0x7F, v3;
	[tilespmem:v4+s9+$0x0] =	vst.idx.add.f32.msk $0xffff, v1  }
0x1d3: {  	s8 =	simm.s32 $0x780;
	s23 =	sor.u32 s5, s4;
	s4 =	sand.u32 $0x7800, s7;
	v3 =	vor.u32 s19, v3;
	v4 =	vld [tilespmem:s30+$0x400];
	v6 =	vadd.s32 $0xD, v6  }
0x1d4: {  	s5 =	sand.u32 $0x380, s8;
	s4 =	sor.u32 $0x8000, s4;
	[tilespmem:v5+s9+$0x0] =	vst.idx.add.f32.msk $0xffff, v1;
	v5 =	vand.u32 $0x7F, v6  }
0x1d5: {  	s31 =	sor.u32 s5, s4;
	v6 =	vmul.u32 $0x27, v8;
	v5 =	vor.u32 s16, v5;
	v8 =	vld [tilespmem:s22+$0x440]  }
0x1d6: {  	v13 =	vld [tilespmem:s31+$0x0]  }
0x1d7: {  	v2 =	vmul.u32 $0x27, v2;
	v11 =	vld.idx.msk [tilespmem:v11+s3+$0x0], $0xffff;
	v6 =	vadd.s32 $0xD, v6  }
0x1d8: {  	v6 =	vand.u32 $0x7F, v6;
	[tilespmem:v3+s9+$0x0] =	vst.idx.add.f32.msk $0xffff, v1  }
0x1d9: {  	v2 =	vadd.s32 $0xD, v2;
	v3 =	vor.u32 s14, v6;
	v6 =	vld.idx.msk [tilespmem:v7+s3+$0x0], $0xffff  }
0x1da: {  	v2 =	vand.u32 $0x7F, v2;
	v7 =	vmul.u32 $0x27, v9;
	[tilespmem:v5+s9+$0x0] =	vst.idx.add.f32.msk $0xffff, v1  }
0x1db: {  	v2 =	vor.u32 s12, v2;
	v4 =	vld.idx.msk [tilespmem:v4+s3+$0x0], $0xffff  }
0x1dc: {  	v9 =	vmul.u32 $0x27, v11;
	v5 =	vadd.s32 $0xD, v7;
	v7 =	vld [tilespmem:s17+$0x40]  }
0x1dd: {  	v5 =	vand.u32 $0x7F, v5;
	v8 =	vld.idx.msk [tilespmem:v8+s3+$0x0], $0xffff  }
0x1de: {  	v5 =	vor.u32 s11, v5;
	[tilespmem:v3+s9+$0x0] =	vst.idx.add.f32.msk $0xffff, v1;
	v3 =	vadd.s32 $0xD, v9;
	v6 =	vmul.u32 $0x27, v6  }
0x1df: {  	s19 =	simm.s32 $0x580;
	v9 =	vld.idx.msk [tilespmem:v12+s3+$0x0], $0xffff;
	v3 =	vand.u32 $0x7F, v3  }
0x1e0: {  	[tilespmem:v2+s9+$0x0] =	vst.idx.add.f32.msk $0xffff, v1;
	v3 =	vor.u32 s19, v3;
	v6 =	vadd.s32 $0xD, v6;
	v4 =	vmul.u32 $0x27, v4  }
0x1e1: {  	v12 =	vld [tilespmem:s24+$0x0];
	v2 =	vand.u32 $0x7F, v6  }
0x1e2: {  	v6 =	vld [tilespmem:s13+$0x410];
	v2 =	vor.u32 s1, v2;
	v4 =	vadd.s32 $0xD, v4  }
0x1e3: {  	v8 =	vmul.u32 $0x27, v8;
	[tilespmem:v5+s9+$0x0] =	vst.idx.add.f32.msk $0xffff, v1;
	v4 =	vand.u32 $0x7F, v4  }
0x1e4: {  	v5 =	vmul.u32 $0x27, v9;
	v7 =	vld.idx.msk [tilespmem:v7+s3+$0x0], $0xffff;
	v4 =	vor.u32 s29, v4  }
0x1e5: {  	v8 =	vadd.s32 $0xD, v8;
	[tilespmem:v3+s9+$0x0] =	vst.idx.add.f32.msk $0xffff, v1  }
0x1e6: {  	v5 =	vadd.s32 $0xD, v5;
	v3 =	vand.u32 $0x7F, v8;
	v8 =	vld [tilespmem:s26+$0x10]  }
0x1e7: {  	s18 =	simm.s32 $0x500;
	v5 =	vand.u32 $0x7F, v5;
	v3 =	vor.u32 s21, v3;
	[tilespmem:v2+s9+$0x0] =	vst.idx.add.f32.msk $0xffff, v1  }
0x1e8: {  	v2 =	vor.u32 s18, v5;
	v5 =	vld [tilespmem:s2+$0x50]  }
0x1e9: {  	[tilespmem:v4+s9+$0x0] =	vst.idx.add.f32.msk $0xffff, v1  }
0x1ea: {  	v4 =	vmul.u32 $0x27, v10;
	v10 =	vld [tilespmem:s28+$0x430]  }
0x1eb: {  	v9 =	vld [tilespmem:s30+$0x410]  }
0x1ec: {  	[tilespmem:v3+s9+$0x0] =	vst.idx.add.f32.msk $0xffff, v1  }
0x1ed: {  	v3 =	vadd.s32 $0xD, v4;
	v4 =	vld [tilespmem:s22+$0x450]  }
0x1ee: {  	v7 =	vmul.u32 $0x27, v7;
	v3 =	vand.u32 $0x7F, v3;
	[tilespmem:v2+s9+$0x0] =	vst.idx.add.f32.msk $0xffff, v1  }
0x1ef: {  	v2 =	vor.u32 s25, v3;
	v3 =	vld.idx.msk [tilespmem:v8+s3+$0x0], $0xffff  }
0x1f0: {  	v7 =	vadd.s32 $0xD, v7;
	v8 =	vld [tilespmem:s20+$0x10]  }
0x1f1: {  	v7 =	vand.u32 $0x7F, v7;
	v5 =	vld.idx.msk [tilespmem:v5+s3+$0x0], $0xffff  }
0x1f2: {  	v11 =	vld [tilespmem:s15+$0x70];
	v7 =	vor.u32 s16, v7  }
0x1f3: {  	v9 =	vld.idx.msk [tilespmem:v9+s3+$0x0], $0xffff  }
0x1f4: {  	[tilespmem:v2+s9+$0x0] =	vst.idx.add.f32.msk $0xffff, v1;
	v2 =	vmul.u32 $0x27, v3  }
0x1f5: {  	v3 =	vld.idx.msk [tilespmem:v4+s3+$0x0], $0xffff  }
0x1f6: {  	v6 =	vld.idx.msk [tilespmem:v6+s3+$0x0], $0xffff;
	v2 =	vadd.s32 $0xD, v2;
	v5 =	vmul.u32 $0x27, v5  }
0x1f7: {  	[tilespmem:v7+s9+$0x0] =	vst.idx.add.f32.msk $0xffff, v1;
	v2 =	vand.u32 $0x7F, v2  }
0x1f8: {  	v10 =	vld.idx.msk [tilespmem:v10+s3+$0x0], $0xffff;
	v2 =	vor.u32 s19, v2;
	v5 =	vadd.s32 $0xD, v5;
	v9 =	vmul.u32 $0x27, v9  }
0x1f9: {  	v8 =	vld.idx.msk [tilespmem:v8+s3+$0x0], $0xffff;
	v5 =	vand.u32 $0x7F, v5  }
0x1fa: {  	v7 =	vld [tilespmem:s17+$0x50];
	v5 =	vor.u32 s1, v5;
	v9 =	vadd.s32 $0xD, v9;
	v3 =	vmul.u32 $0x27, v3  }
0x1fb: {  	v4 =	vld.idx.msk [tilespmem:v11+s3+$0x0], $0xffff;
	v9 =	vand.u32 $0x7F, v9  }
0x1fc: {  	v11 =	vld [tilespmem:s0+$0x450];
	v9 =	vor.u32 s29, v9;
	v3 =	vadd.s32 $0xD, v3  }
0x1fd: {  	[tilespmem:v2+s9+$0x0] =	vst.idx.add.f32.msk $0xffff, v1;
	v2 =	vand.u32 $0x7F, v3  }
0x1fe: {  	v3 =	vmul.u32 $0x27, v8;
	v8 =	vld [tilespmem:s26+$0x20];
	v2 =	vor.u32 s21, v2  }
0x1ff: {  	[tilespmem:v5+s9+$0x0] =	vst.idx.add.f32.msk $0xffff, v1  }
0x200: {  	v3 =	vadd.s32 $0xD, v3;
	v5 =	vld [tilespmem:s2+$0x60]  }
0x201: {  	v3 =	vand.u32 $0x7F, v3;
	[tilespmem:v9+s9+$0x0] =	vst.idx.add.f32.msk $0xffff, v1  }
0x202: {  	v4 =	vmul.u32 $0x27, v4;
	v3 =	vor.u32 s18, v3;
	v9 =	vld [tilespmem:s30+$0x420]  }
0x203: {  	[tilespmem:v2+s9+$0x0] =	vst.idx.add.f32.msk $0xffff, v1  }
0x204: {  	v6 =	vmul.u32 $0x27, v6;
	v2 =	vadd.s32 $0xD, v4;
	v4 =	vld [tilespmem:s22+$0x460]  }
0x205: {  	v7 =	vld.idx.msk [tilespmem:v7+s3+$0x0], $0xffff;
	v2 =	vand.u32 $0x7F, v2  }
0x206: {  	v6 =	vadd.s32 $0xD, v6;
	v10 =	vmul.u32 $0x27, v10;
	v2 =	vor.u32 s14, v2;
	v8 =	vld.idx.msk [tilespmem:v8+s3+$0x0], $0xffff  }
0x207: {  	[tilespmem:v3+s9+$0x0] =	vst.idx.add.f32.msk $0xffff, v1;
	v3 =	vand.u32 $0x7F, v6  }
0x208: {  	v6 =	vadd.s32 $0xD, v10;
	v3 =	vor.u32 s12, v3;
	v10 =	vld [tilespmem:s20+$0x20]  }
0x209: {  	v5 =	vld.idx.msk [tilespmem:v5+s3+$0x0], $0xffff  }
0x20a: {  	v9 =	vld.idx.msk [tilespmem:v9+s3+$0x0], $0xffff  }
0x20b: {  	v6 =	vand.u32 $0x7F, v6;
	[tilespmem:v2+s9+$0x0] =	vst.idx.add.f32.msk $0xffff, v1;
	v2 =	vmul.u32 $0x27, v8  }
0x20c: {  	v6 =	vor.u32 s11, v6;
	v4 =	vld.idx.msk [tilespmem:v4+s3+$0x0], $0xffff  }
0x20d: {  	v2 =	vadd.s32 $0xD, v2;
	[tilespmem:v3+s9+$0x0] =	vst.idx.add.f32.msk $0xffff, v1  }
0x20e: {  	v5 =	vmul.u32 $0x27, v5;
	v2 =	vand.u32 $0x7F, v2;
	v3 =	vld [tilespmem:s13+$0x420]  }
0x20f: {  	v11 =	vld.idx.msk [tilespmem:v11+s3+$0x0], $0xffff;
	v2 =	vor.u32 s19, v2  }
0x210: {  	v8 =	vld [tilespmem:s15+$0x400];
	v5 =	vadd.s32 $0xD, v5;
	v9 =	vmul.u32 $0x27, v9  }
0x211: {  	[tilespmem:v6+s9+$0x0] =	vst.idx.add.f32.msk $0xffff, v1;
	v5 =	vand.u32 $0x7F, v5  }
0x212: {  	v6 =	vld.idx.msk [tilespmem:v10+s3+$0x0], $0xffff;
	v5 =	vor.u32 s1, v5;
	v9 =	vadd.s32 $0xD, v9;
	v4 =	vmul.u32 $0x27, v4  }
0x213: {  	v7 =	vmul.u32 $0x27, v7;
	v10 =	vld [tilespmem:s28+$0x440];
	v9 =	vand.u32 $0x7F, v9  }
0x214: {  	v9 =	vor.u32 s29, v9;
	v4 =	vadd.s32 $0xD, v4;
	[tilespmem:v2+s9+$0x0] =	vst.idx.add.f32.msk $0xffff, v1  }
0x215: {  	v2 =	vand.u32 $0x7F, v4;
	v4 =	vadd.s32 $0xD, v7;
	v7 =	vld [tilespmem:s26+$0x30]  }
0x216: {  	v2 =	vor.u32 s21, v2;
	v3 =	vld.idx.msk [tilespmem:v3+s3+$0x0], $0xffff  }
0x217: {  	v6 =	vmul.u32 $0x27, v6;
	v4 =	vand.u32 $0x7F, v4;
	[tilespmem:v5+s9+$0x0] =	vst.idx.add.f32.msk $0xffff, v1  }
0x218: {  	v4 =	vor.u32 s16, v4;
	v5 =	vld [tilespmem:s2+$0x70]  }
0x219: {  	v6 =	vadd.s32 $0xD, v6;
	[tilespmem:v9+s9+$0x0] =	vst.idx.add.f32.msk $0xffff, v1  }
0x21a: {  	v6 =	vand.u32 $0x7F, v6;
	v9 =	vld [tilespmem:s30+$0x430]  }
0x21b: {  	v6 =	vor.u32 s18, v6;
	[tilespmem:v2+s9+$0x0] =	vst.idx.add.f32.msk $0xffff, v1  }
0x21c: {  	v2 =	vld [tilespmem:s22+$0x470]  }
0x21d: {  	[tilespmem:v4+s9+$0x0] =	vst.idx.add.f32.msk $0xffff, v1  }
0x21e: {  	v4 =	vld [tilespmem:s17+$0x60]  }
0x21f: {  	v7 =	vld.idx.msk [tilespmem:v7+s3+$0x0], $0xffff  }
0x220: {  	v11 =	vmul.u32 $0x27, v11;
	[tilespmem:v6+s9+$0x0] =	vst.idx.add.f32.msk $0xffff, v1  }
0x221: {  	v5 =	vld.idx.msk [tilespmem:v5+s3+$0x0], $0xffff  }
0x222: {  	v6 =	vadd.s32 $0xD, v11;
	v11 =	vld [tilespmem:s20+$0x30]  }
0x223: {  	v3 =	vmul.u32 $0x27, v3;
	v6 =	vand.u32 $0x7F, v6;
	v9 =	vld.idx.msk [tilespmem:v9+s3+$0x0], $0xffff  }
0x224: {  	v6 =	vor.u32 s25, v6;
	v7 =	vmul.u32 $0x27, v7;
	v2 =	vld.idx.msk [tilespmem:v2+s3+$0x0], $0xffff  }
0x225: {  	v13 =	vld.idx.msk [tilespmem:v13+s3+$0x0], $0xffff;
	v3 =	vadd.s32 $0xD, v3  }
0x226: {  	v12 =	vld.idx.msk [tilespmem:v12+s3+$0x0], $0xffff;
	v3 =	vand.u32 $0x7F, v3;
	v7 =	vadd.s32 $0xD, v7;
	v5 =	vmul.u32 $0x27, v5  }
0x227: {  	v8 =	vld.idx.msk [tilespmem:v8+s3+$0x0], $0xffff;
	v3 =	vor.u32 s12, v3;
	v7 =	vand.u32 $0x7F, v7  }
0x228: {  	v4 =	vld.idx.msk [tilespmem:v4+s3+$0x0], $0xffff;
	v7 =	vor.u32 s19, v7;
	v5 =	vadd.s32 $0xD, v5;
	v9 =	vmul.u32 $0x27, v9  }
0x229: {  	[tilespmem:v6+s9+$0x0] =	vst.idx.add.f32.msk $0xffff, v1;
	v5 =	vand.u32 $0x7F, v5;
	v2 =	vmul.u32 $0x27, v2  }
0x22a: {  	v6 =	vld.idx.msk [tilespmem:v11+s3+$0x0], $0xffff;
	v5 =	vor.u32 s1, v5;
	v9 =	vadd.s32 $0xD, v9  }
0x22b: {  	v10 =	vld.idx.msk [tilespmem:v10+s3+$0x0], $0xffff;
	v9 =	vand.u32 $0x7F, v9;
	v2 =	vadd.s32 $0xD, v2  }
0x22c: {  	[tilespmem:v3+s9+$0x0] =	vst.idx.add.f32.msk $0xffff, v1;
	v9 =	vor.u32 s29, v9;
	v2 =	vand.u32 $0x7F, v2  }
0x22d: {  	v4 =	vmul.u32 $0x27, v4;
	[tilespmem:v7+s9+$0x0] =	vst.idx.add.f32.msk $0xffff, v1;
	v2 =	vor.u32 s21, v2  }
0x22e: {  	v7 =	vld [tilespmem:s26+$0x40]  }
0x22f: {  	v4 =	vadd.s32 $0xD, v4;
	v6 =	vmul.u32 $0x27, v6;
	[tilespmem:v5+s9+$0x0] =	vst.idx.add.f32.msk $0xffff, v1  }
0x230: {  	v4 =	vand.u32 $0x7F, v4;
	v5 =	vld [tilespmem:s2+$0x400]  }
0x231: {  	v4 =	vor.u32 s16, v4;
	v6 =	vadd.s32 $0xD, v6;
	[tilespmem:v9+s9+$0x0] =	vst.idx.add.f32.msk $0xffff, v1  }
0x232: {  	v6 =	vand.u32 $0x7F, v6;
	[tilespmem:v2+s9+$0x0] =	vst.idx.add.f32.msk $0xffff, v1  }
0x233: {  	v2 =	vor.u32 s18, v6;
	v6 =	vld [tilespmem:s30+$0x440]  }
0x234: {  	v11 =	vld [tilespmem:s0+$0x460]  }
0x235: {  	v8 =	vmul.u32 $0x27, v8;
	v9 =	vld [tilespmem:s23+$0x0]  }
0x236: {  	[tilespmem:v4+s9+$0x0] =	vst.idx.add.f32.msk $0xffff, v1  }
0x237: {  	v4 =	vadd.s32 $0xD, v8;
	v7 =	vld.idx.msk [tilespmem:v7+s3+$0x0], $0xffff  }
0x238: {  	v4 =	vand.u32 $0x7F, v4;
	[tilespmem:v2+s9+$0x0] =	vst.idx.add.f32.msk $0xffff, v1  }
0x239: {  	v2 =	vor.u32 s14, v4;
	v4 =	vld.idx.msk [tilespmem:v5+s3+$0x0], $0xffff  }
0x23a: {  	v8 =	vmul.u32 $0x27, v12;
	v5 =	vld [tilespmem:s20+$0x40]  }
0x23b: {  	v6 =	vld.idx.msk [tilespmem:v6+s3+$0x0], $0xffff  }
0x23c: {  	v11 =	vld.idx.msk [tilespmem:v11+s3+$0x0], $0xffff;
	v8 =	vadd.s32 $0xD, v8;
	v7 =	vmul.u32 $0x27, v7  }
0x23d: {  	s22 =	simm.s32 $0x680;
	v8 =	vand.u32 $0x7F, v8;
	v9 =	vld.idx.msk [tilespmem:v9+s3+$0x0], $0xffff  }
0x23e: {  	v7 =	vadd.s32 $0xD, v7;
	[tilespmem:v2+s9+$0x0] =	vst.idx.add.f32.msk $0xffff, v1;
	v2 =	vor.u32 s22, v8;
	v4 =	vmul.u32 $0x27, v4  }
0x23f: {  	v12 =	vld [tilespmem:s17+$0x70];
	v7 =	vand.u32 $0x7F, v7  }
0x240: {  	v8 =	vld [tilespmem:s15+$0x410];
	v3 =	vor.u32 s19, v7;
	v4 =	vadd.s32 $0xD, v4;
	v6 =	vmul.u32 $0x27, v6  }
0x241: {  	v7 =	vld [tilespmem:s13+$0x430];
	v4 =	vand.u32 $0x7F, v4  }
0x242: {  	v9 =	vmul.u32 $0x27, v9;
	v5 =	vld.idx.msk [tilespmem:v5+s3+$0x0], $0xffff;
	v4 =	vor.u32 s1, v4;
	v6 =	vadd.s32 $0xD, v6  }
0x243: {  	[tilespmem:v2+s9+$0x0] =	vst.idx.add.f32.msk $0xffff, v1;
	v2 =	vand.u32 $0x7F, v6  }
0x244: {  	v6 =	vadd.s32 $0xD, v9;
	v9 =	vld [tilespmem:s24+$0x10];
	v2 =	vor.u32 s29, v2  }
0x245: {  	s21 =	simm.s32 $0x600;
	[tilespmem:v3+s9+$0x0] =	vst.idx.add.f32.msk $0xffff, v1;
	v6 =	vand.u32 $0x7F, v6  }
0x246: {  	v11 =	vmul.u32 $0x27, v11;
	v3 =	vmul.u32 $0x27, v10;
	v10 =	vld [tilespmem:s26+$0x50];
	v6 =	vor.u32 s21, v6  }
0x247: {  	[tilespmem:v4+s9+$0x0] =	vst.idx.add.f32.msk $0xffff, v1  }
0x248: {  	v11 =	vadd.s32 $0xD, v11;
	v3 =	vadd.s32 $0xD, v3;
	v4 =	vld [tilespmem:s2+$0x410]  }
0x249: {  	v11 =	vand.u32 $0x7F, v11;
	v3 =	vand.u32 $0x7F, v3;
	[tilespmem:v2+s9+$0x0] =	vst.idx.add.f32.msk $0xffff, v1  }
0x24a: {  	v11 =	vor.u32 s25, v11;
	v2 =	vor.u32 s11, v3;
	v3 =	vmul.u32 $0x27, v5;
	v5 =	vld [tilespmem:s30+$0x450]  }
0x24b: {  	[tilespmem:v6+s9+$0x0] =	vst.idx.add.f32.msk $0xffff, v1  }
0x24c: {  	v3 =	vadd.s32 $0xD, v3;
	v6 =	vld.idx.msk [tilespmem:v9+s3+$0x0], $0xffff  }
0x24d: {  	v9 =	vld [tilespmem:s23+$0x10];
	v3 =	vand.u32 $0x7F, v3  }
0x24e: {  	v10 =	vld.idx.msk [tilespmem:v10+s3+$0x0], $0xffff;
	v3 =	vor.u32 s18, v3  }
0x24f: {  	[tilespmem:v11+s9+$0x0] =	vst.idx.add.f32.msk $0xffff, v1  }
0x250: {  	[tilespmem:v2+s9+$0x0] =	vst.idx.add.f32.msk $0xffff, v1  }
0x251: {  	v2 =	vld.idx.msk [tilespmem:v4+s3+$0x0], $0xffff;
	v6 =	vmul.u32 $0x27, v6  }
0x252: {  	v5 =	vld.idx.msk [tilespmem:v5+s3+$0x0], $0xffff  }
0x253: {  	[tilespmem:v3+s9+$0x0] =	vst.idx.add.f32.msk $0xffff, v1;
	v3 =	vadd.s32 $0xD, v6;
	v6 =	vmul.u32 $0x27, v10  }
0x254: {  	v8 =	vld.idx.msk [tilespmem:v8+s3+$0x0], $0xffff;
	v3 =	vand.u32 $0x7F, v3  }
0x255: {  	v10 =	vld [tilespmem:s20+$0x50];
	v3 =	vor.u32 s22, v3;
	v6 =	vadd.s32 $0xD, v6  }
0x256: {  	v9 =	vld.idx.msk [tilespmem:v9+s3+$0x0], $0xffff;
	v2 =	vmul.u32 $0x27, v2;
	v6 =	vand.u32 $0x7F, v6  }
0x257: {  	v7 =	vld.idx.msk [tilespmem:v7+s3+$0x0], $0xffff;
	v6 =	vor.u32 s19, v6  }
0x258: {  	v4 =	vld.idx.msk [tilespmem:v12+s3+$0x0], $0xffff;
	v2 =	vadd.s32 $0xD, v2;
	v5 =	vmul.u32 $0x27, v5  }
0x259: {  	v12 =	vld [tilespmem:s28+$0x450];
	v2 =	vand.u32 $0x7F, v2  }
0x25a: {  	v2 =	vor.u32 s1, v2;
	v5 =	vadd.s32 $0xD, v5;
	[tilespmem:v3+s9+$0x0] =	vst.idx.add.f32.msk $0xffff, v1  }
0x25b: {  	v3 =	vand.u32 $0x7F, v5;
	v5 =	vmul.u32 $0x27, v9;
	v9 =	vld [tilespmem:s24+$0x20]  }
0x25c: {  	v3 =	vor.u32 s29, v3;
	[tilespmem:v6+s9+$0x0] =	vst.idx.add.f32.msk $0xffff, v1  }
0x25d: {  	v5 =	vadd.s32 $0xD, v5;
	v6 =	vld [tilespmem:s26+$0x60]  }
0x25e: {  	v7 =	vmul.u32 $0x27, v7;
	v10 =	vld.idx.msk [tilespmem:v10+s3+$0x0], $0xffff;
	v5 =	vand.u32 $0x7F, v5  }
0x25f: {  	[tilespmem:v2+s9+$0x0] =	vst.idx.add.f32.msk $0xffff, v1;
	v2 =	vmul.u32 $0x27, v4;
	v4 =	vor.u32 s21, v5  }
0x260: {  	v7 =	vadd.s32 $0xD, v7;
	v5 =	vld [tilespmem:s2+$0x420]  }
0x261: {  	v7 =	vand.u32 $0x7F, v7;
	[tilespmem:v3+s9+$0x0] =	vst.idx.add.f32.msk $0xffff, v1  }
0x262: {  	v7 =	vor.u32 s12, v7;
	v2 =	vadd.s32 $0xD, v2;
	v3 =	vld [tilespmem:s30+$0x460]  }
0x263: {  	v8 =	vmul.u32 $0x27, v8;
	v2 =	vand.u32 $0x7F, v2;
	v9 =	vld.idx.msk [tilespmem:v9+s3+$0x0], $0xffff  }
0x264: {  	v2 =	vor.u32 s16, v2;
	[tilespmem:v4+s9+$0x0] =	vst.idx.add.f32.msk $0xffff, v1  }
0x265: {  	v8 =	vadd.s32 $0xD, v8;
	v6 =	vld.idx.msk [tilespmem:v6+s3+$0x0], $0xffff  }
0x266: {  	v4 =	vand.u32 $0x7F, v8;
	v8 =	vld [tilespmem:s23+$0x20]  }
0x267: {  	[tilespmem:v7+s9+$0x0] =	vst.idx.add.f32.msk $0xffff, v1;
	v4 =	vor.u32 s14, v4  }
0x268: {  	v10 =	vmul.u32 $0x27, v10;
	v5 =	vld.idx.msk [tilespmem:v5+s3+$0x0], $0xffff  }
0x269: {  	[tilespmem:v2+s9+$0x0] =	vst.idx.add.f32.msk $0xffff, v1;
	v2 =	vmul.u32 $0x27, v9  }
0x26a: {  	v9 =	vadd.s32 $0xD, v10;
	v3 =	vld.idx.msk [tilespmem:v3+s3+$0x0], $0xffff  }
0x26b: {  	v12 =	vld.idx.msk [tilespmem:v12+s3+$0x0], $0xffff;
	v9 =	vand.u32 $0x7F, v9;
	v2 =	vadd.s32 $0xD, v2;
	v6 =	vmul.u32 $0x27, v6  }
0x26c: {  	[tilespmem:v4+s9+$0x0] =	vst.idx.add.f32.msk $0xffff, v1;
	v4 =	vor.u32 s18, v9;
	v2 =	vand.u32 $0x7F, v2  }
0x26d: {  	v10 =	vld [tilespmem:s17+$0x400];
	v2 =	vor.u32 s22, v2;
	v6 =	vadd.s32 $0xD, v6;
	v5 =	vmul.u32 $0x27, v5  }
0x26e: {  	v7 =	vld.idx.msk [tilespmem:v8+s3+$0x0], $0xffff;
	v6 =	vand.u32 $0x7F, v6  }
0x26f: {  	v9 =	vld [tilespmem:s15+$0x420];
	v6 =	vor.u32 s19, v6;
	v5 =	vadd.s32 $0xD, v5;
	v3 =	vmul.u32 $0x27, v3  }
0x270: {  	v8 =	vld [tilespmem:s13+$0x440];
	v5 =	vand.u32 $0x7F, v5  }
0x271: {  	[tilespmem:v4+s9+$0x0] =	vst.idx.add.f32.msk $0xffff, v1;
	v4 =	vor.u32 s1, v5;
	v3 =	vadd.s32 $0xD, v3  }
0x272: {  	[tilespmem:v2+s9+$0x0] =	vst.idx.add.f32.msk $0xffff, v1;
	v2 =	vand.u32 $0x7F, v3  }
0x273: {  	v3 =	vld [tilespmem:s24+$0x30];
	v5 =	vmul.u32 $0x27, v7;
	v2 =	vor.u32 s29, v2  }
0x274: {  	[tilespmem:v6+s9+$0x0] =	vst.idx.add.f32.msk $0xffff, v1  }
0x275: {  	v6 =	vld [tilespmem:s26+$0x70];
	v5 =	vadd.s32 $0xD, v5  }
0x276: {  	[tilespmem:v4+s9+$0x0] =	vst.idx.add.f32.msk $0xffff, v1;
	v4 =	vand.u32 $0x7F, v5  }
0x277: {  	v5 =	vld [tilespmem:s2+$0x430];
	v4 =	vor.u32 s21, v4  }
0x278: {  	[tilespmem:v2+s9+$0x0] =	vst.idx.add.f32.msk $0xffff, v1  }
0x279: {  	v2 =	vld [tilespmem:s30+$0x470]  }
0x27a: {  	v7 =	vld [tilespmem:s20+$0x60]  }
0x27b: {  	v12 =	vmul.u32 $0x27, v12;
	v3 =	vld.idx.msk [tilespmem:v3+s3+$0x0], $0xffff  }
0x27c: {  	[tilespmem:v4+s9+$0x0] =	vst.idx.add.f32.msk $0xffff, v1  }
0x27d: {  	v4 =	vadd.s32 $0xD, v12;
	v6 =	vld.idx.msk [tilespmem:v6+s3+$0x0], $0xffff  }
0x27e: {  	v8 =	vld.idx.msk [tilespmem:v8+s3+$0x0], $0xffff;
	v4 =	vand.u32 $0x7F, v4  }
0x27f: {  	v12 =	vld [tilespmem:s23+$0x30];
	v4 =	vor.u32 s11, v4  }
0x280: {  	v5 =	vld.idx.msk [tilespmem:v5+s3+$0x0], $0xffff;
	v3 =	vmul.u32 $0x27, v3  }
0x281: {  	v2 =	vld.idx.msk [tilespmem:v2+s3+$0x0], $0xffff  }
0x282: {  	v11 =	vld [tilespmem:s0+$0x470];
	v3 =	vadd.s32 $0xD, v3;
	v6 =	vmul.u32 $0x27, v6  }
0x283: {  	v7 =	vld.idx.msk [tilespmem:v7+s3+$0x0], $0xffff;
	v3 =	vand.u32 $0x7F, v3  }
0x284: {  	v8 =	vmul.u32 $0x27, v8;
	[tilespmem:v4+s9+$0x0] =	vst.idx.add.f32.msk $0xffff, v1;
	v3 =	vor.u32 s22, v3;
	v4 =	vadd.s32 $0xD, v6  }
0x285: {  	v10 =	vld.idx.msk [tilespmem:v10+s3+$0x0], $0xffff;
	v5 =	vmul.u32 $0x27, v5;
	v4 =	vand.u32 $0x7F, v4  }
0x286: {  	v9 =	vld.idx.msk [tilespmem:v9+s3+$0x0], $0xffff;
	v8 =	vadd.s32 $0xD, v8;
	v4 =	vor.u32 s19, v4;
	v2 =	vmul.u32 $0x27, v2  }
0x287: {  	v8 =	vand.u32 $0x7F, v8;
	v12 =	vld.idx.msk [tilespmem:v12+s3+$0x0], $0xffff;
	v5 =	vadd.s32 $0xD, v5  }
0x288: {  	v8 =	vor.u32 s12, v8;
	v6 =	vld [tilespmem:s28+$0x460];
	v5 =	vand.u32 $0x7F, v5;
	v2 =	vadd.s32 $0xD, v2  }
0x289: {  	v7 =	vmul.u32 $0x27, v7;
	v5 =	vor.u32 s1, v5;
	[tilespmem:v3+s9+$0x0] =	vst.idx.add.f32.msk $0xffff, v1;
	v2 =	vand.u32 $0x7F, v2  }
0x28a: {  	v3 =	vld [tilespmem:s24+$0x40];
	v2 =	vor.u32 s29, v2  }
0x28b: {  	v7 =	vadd.s32 $0xD, v7;
	[tilespmem:v4+s9+$0x0] =	vst.idx.add.f32.msk $0xffff, v1  }
0x28c: {  	v12 =	vmul.u32 $0x27, v12;
	v4 =	vand.u32 $0x7F, v7;
	v7 =	vld [tilespmem:s26+$0x400]  }
0x28d: {  	[tilespmem:v8+s9+$0x0] =	vst.idx.add.f32.msk $0xffff, v1;
	v4 =	vor.u32 s18, v4  }
0x28e: {  	s5 =	simm.s32 $0x700;
	v12 =	vadd.s32 $0xD, v12;
	[tilespmem:v5+s9+$0x0] =	vst.idx.add.f32.msk $0xffff, v1  }
0x28f: {  	s0 =	sand.u32 $0x300, s5;
	v5 =	vand.u32 $0x7F, v12;
	[tilespmem:v2+s9+$0x0] =	vst.idx.add.f32.msk $0xffff, v1  }
0x290: {  	s0 =	sor.u32 s0, s4;
	v2 =	vor.u32 s21, v5;
	v5 =	vld [tilespmem:s2+$0x440]  }
0x291: {  	v10 =	vmul.u32 $0x27, v10;
	v12 =	vld [tilespmem:s0+$0x0]  }
0x292: {  	[tilespmem:v4+s9+$0x0] =	vst.idx.add.f32.msk $0xffff, v1  }
0x293: {  	v9 =	vmul.u32 $0x27, v9;
	v4 =	vadd.s32 $0xD, v10;
	v3 =	vld.idx.msk [tilespmem:v3+s3+$0x0], $0xffff  }
0x294: {  	v4 =	vand.u32 $0x7F, v4;
	v7 =	vld.idx.msk [tilespmem:v7+s3+$0x0], $0xffff  }
0x295: {  	[tilespmem:v2+s9+$0x0] =	vst.idx.add.f32.msk $0xffff, v1;
	v2 =	vor.u32 s16, v4;
	v4 =	vadd.s32 $0xD, v9  }
0x296: {  	v10 =	vmul.u32 $0x27, v13;
	v4 =	vand.u32 $0x7F, v4;
	v9 =	vld [tilespmem:s23+$0x40]  }
0x297: {  	v13 =	vld [tilespmem:s20+$0x70];
	v4 =	vor.u32 s14, v4  }
0x298: {  	v10 =	vadd.s32 $0xD, v10;
	v3 =	vmul.u32 $0x27, v3;
	v5 =	vld.idx.msk [tilespmem:v5+s3+$0x0], $0xffff  }
0x299: {  	s30 =	simm.s32 $0x780;
	v10 =	vand.u32 $0x7F, v10;
	v12 =	vld.idx.msk [tilespmem:v12+s3+$0x0], $0xffff  }
0x29a: {  	v3 =	vadd.s32 $0xD, v3;
	[tilespmem:v2+s9+$0x0] =	vst.idx.add.f32.msk $0xffff, v1;
	v2 =	vor.u32 s30, v10  }
0x29b: {  	v7 =	vmul.u32 $0x27, v7;
	v3 =	vand.u32 $0x7F, v3;
	v10 =	vld [tilespmem:s17+$0x410]  }
0x29c: {  	v3 =	vor.u32 s22, v3;
	[tilespmem:v4+s9+$0x0] =	vst.idx.add.f32.msk $0xffff, v1  }
0x29d: {  	v4 =	vadd.s32 $0xD, v7;
	v5 =	vmul.u32 $0x27, v5;
	v7 =	vld [tilespmem:s15+$0x430]  }
0x29e: {  	v4 =	vand.u32 $0x7F, v4;
	v9 =	vld.idx.msk [tilespmem:v9+s3+$0x0], $0xffff  }
0x29f: {  	v12 =	vmul.u32 $0x27, v12;
	v4 =	vor.u32 s19, v4;
	v5 =	vadd.s32 $0xD, v5;
	[tilespmem:v2+s9+$0x0] =	vst.idx.add.f32.msk $0xffff, v1  }
0x2a0: {  	v2 =	vand.u32 $0x7F, v5;
	v8 =	vld [tilespmem:s31+$0x10]  }
0x2a1: {  	v5 =	vadd.s32 $0xD, v12;
	[tilespmem:v3+s9+$0x0] =	vst.idx.add.f32.msk $0xffff, v1;
	v2 =	vor.u32 s1, v2  }
0x2a2: {  	s29 =	simm.s32 $0x700;
	v12 =	vld.idx.msk [tilespmem:v13+s3+$0x0], $0xffff;
	v5 =	vand.u32 $0x7F, v5  }
0x2a3: {  	v3 =	vor.u32 s29, v5;
	v5 =	vld [tilespmem:s24+$0x50]  }
0x2a4: {  	[tilespmem:v4+s9+$0x0] =	vst.idx.add.f32.msk $0xffff, v1  }
0x2a5: {  	v4 =	vmul.u32 $0x27, v9;
	v9 =	vld [tilespmem:s26+$0x410]  }
0x2a6: {  	[tilespmem:v2+s9+$0x0] =	vst.idx.add.f32.msk $0xffff, v1  }
0x2a7: {  	v2 =	vadd.s32 $0xD, v4;
	v4 =	vld [tilespmem:s2+$0x450]  }
0x2a8: {  	v2 =	vand.u32 $0x7F, v2;
	[tilespmem:v3+s9+$0x0] =	vst.idx.add.f32.msk $0xffff, v1  }
0x2a9: {  	v2 =	vor.u32 s21, v2;
	v3 =	vld.idx.msk [tilespmem:v8+s3+$0x0], $0xffff  }
0x2aa: {  	v8 =	vld [tilespmem:s0+$0x10]  }
0x2ab: {  	v5 =	vld.idx.msk [tilespmem:v5+s3+$0x0], $0xffff  }
0x2ac: {  	v13 =	vld [tilespmem:s13+$0x450]  }
0x2ad: {  	v9 =	vld.idx.msk [tilespmem:v9+s3+$0x0], $0xffff  }
0x2ae: {  	[tilespmem:v2+s9+$0x0] =	vst.idx.add.f32.msk $0xffff, v1;
	v2 =	vmul.u32 $0x27, v3  }
0x2af: {  	v11 =	vld.idx.msk [tilespmem:v11+s3+$0x0], $0xffff  }
0x2b0: {  	v3 =	vld.idx.msk [tilespmem:v4+s3+$0x0], $0xffff;
	v2 =	vadd.s32 $0xD, v2;
	v5 =	vmul.u32 $0x27, v5  }
0x2b1: {  	v6 =	vld.idx.msk [tilespmem:v6+s3+$0x0], $0xffff;
	v2 =	vand.u32 $0x7F, v2  }
0x2b2: {  	v4 =	vld [tilespmem:s23+$0x50];
	v2 =	vor.u32 s30, v2;
	v5 =	vadd.s32 $0xD, v5  }
0x2b3: {  	v8 =	vld.idx.msk [tilespmem:v8+s3+$0x0], $0xffff;
	v9 =	vmul.u32 $0x27, v9;
	v5 =	vand.u32 $0x7F, v5  }
0x2b4: {  	v10 =	vld.idx.msk [tilespmem:v10+s3+$0x0], $0xffff;
	v5 =	vor.u32 s22, v5  }
0x2b5: {  	v7 =	vld.idx.msk [tilespmem:v7+s3+$0x0], $0xffff;
	v9 =	vadd.s32 $0xD, v9;
	v3 =	vmul.u32 $0x27, v3  }
0x2b6: {  	v13 =	vld.idx.msk [tilespmem:v13+s3+$0x0], $0xffff;
	v9 =	vand.u32 $0x7F, v9  }
0x2b7: {  	v9 =	vor.u32 s19, v9;
	v3 =	vadd.s32 $0xD, v3;
	[tilespmem:v2+s9+$0x0] =	vst.idx.add.f32.msk $0xffff, v1  }
0x2b8: {  	v2 =	vand.u32 $0x7F, v3;
	v3 =	vmul.u32 $0x27, v8;
	v8 =	vld [tilespmem:s31+$0x20]  }
0x2b9: {  	v2 =	vor.u32 s1, v2;
	[tilespmem:v5+s9+$0x0] =	vst.idx.add.f32.msk $0xffff, v1  }
0x2ba: {  	v3 =	vadd.s32 $0xD, v3;
	v5 =	vld [tilespmem:s24+$0x60]  }
0x2bb: {  	v7 =	vmul.u32 $0x27, v7;
	v4 =	vld.idx.msk [tilespmem:v4+s3+$0x0], $0xffff;
	v3 =	vand.u32 $0x7F, v3  }
0x2bc: {  	[tilespmem:v9+s9+$0x0] =	vst.idx.add.f32.msk $0xffff, v1;
	v3 =	vor.u32 s29, v3  }
0x2bd: {  	v7 =	vadd.s32 $0xD, v7;
	v9 =	vmul.u32 $0x27, v12;
	v12 =	vld [tilespmem:s26+$0x420]  }
0x2be: {  	v7 =	vand.u32 $0x7F, v7;
	[tilespmem:v2+s9+$0x0] =	vst.idx.add.f32.msk $0xffff, v1  }
0x2bf: {  	v10 =	vmul.u32 $0x27, v10;
	v7 =	vor.u32 s14, v7;
	v2 =	vadd.s32 $0xD, v9;
	v9 =	vld [tilespmem:s2+$0x460]  }
0x2c0: {  	v2 =	vand.u32 $0x7F, v2;
	v8 =	vld.idx.msk [tilespmem:v8+s3+$0x0], $0xffff  }
0x2c1: {  	v10 =	vadd.s32 $0xD, v10;
	v2 =	vor.u32 s18, v2;
	[tilespmem:v3+s9+$0x0] =	vst.idx.add.f32.msk $0xffff, v1  }
0x2c2: {  	v3 =	vand.u32 $0x7F, v10;
	v5 =	vld.idx.msk [tilespmem:v5+s3+$0x0], $0xffff  }
0x2c3: {  	v3 =	vor.u32 s16, v3;
	v10 =	vld [tilespmem:s0+$0x20]  }
0x2c4: {  	[tilespmem:v7+s9+$0x0] =	vst.idx.add.f32.msk $0xffff, v1;
	v4 =	vmul.u32 $0x27, v4  }
0x2c5: {  	v12 =	vld.idx.msk [tilespmem:v12+s3+$0x0], $0xffff  }
0x2c6: {  	v4 =	vadd.s32 $0xD, v4;
	[tilespmem:v2+s9+$0x0] =	vst.idx.add.f32.msk $0xffff, v1;
	v2 =	vmul.u32 $0x27, v8  }
0x2c7: {  	v4 =	vand.u32 $0x7F, v4;
	v8 =	vld.idx.msk [tilespmem:v9+s3+$0x0], $0xffff  }
0x2c8: {  	v2 =	vadd.s32 $0xD, v2;
	v5 =	vmul.u32 $0x27, v5;
	[tilespmem:v3+s9+$0x0] =	vst.idx.add.f32.msk $0xffff, v1;
	v3 =	vor.u32 s21, v4  }
0x2c9: {  	v9 =	vld [tilespmem:s20+$0x400];
	v2 =	vand.u32 $0x7F, v2  }
0x2ca: {  	v4 =	vld [tilespmem:s17+$0x420];
	v2 =	vor.u32 s30, v2;
	v5 =	vadd.s32 $0xD, v5;
	v12 =	vmul.u32 $0x27, v12  }
0x2cb: {  	v7 =	vld.idx.msk [tilespmem:v10+s3+$0x0], $0xffff;
	v5 =	vand.u32 $0x7F, v5  }
0x2cc: {  	v5 =	vor.u32 s22, v5;
	v10 =	vadd.s32 $0xD, v12;
	v12 =	vld [tilespmem:s15+$0x440];
	v8 =	vmul.u32 $0x27, v8  }
0x2cd: {  	v10 =	vand.u32 $0x7F, v10;
	[tilespmem:v3+s9+$0x0] =	vst.idx.add.f32.msk $0xffff, v1  }
0x2ce: {  	v3 =	vor.u32 s19, v10;
	v10 =	vld [tilespmem:s23+$0x60];
	v8 =	vadd.s32 $0xD, v8  }
0x2cf: {  	[tilespmem:v2+s9+$0x0] =	vst.idx.add.f32.msk $0xffff, v1;
	v2 =	vand.u32 $0x7F, v8  }
0x2d0: {  	v8 =	vld [tilespmem:s31+$0x30];
	v2 =	vor.u32 s1, v2  }
0x2d1: {  	v7 =	vmul.u32 $0x27, v7;
	[tilespmem:v5+s9+$0x0] =	vst.idx.add.f32.msk $0xffff, v1  }
0x2d2: {  	v5 =	vld [tilespmem:s24+$0x70]  }
0x2d3: {  	v7 =	vadd.s32 $0xD, v7;
	[tilespmem:v3+s9+$0x0] =	vst.idx.add.f32.msk $0xffff, v1  }
0x2d4: {  	v3 =	vand.u32 $0x7F, v7;
	v7 =	vld [tilespmem:s26+$0x430]  }
0x2d5: {  	v3 =	vor.u32 s29, v3;
	[tilespmem:v2+s9+$0x0] =	vst.idx.add.f32.msk $0xffff, v1  }
0x2d6: {  	v6 =	vmul.u32 $0x27, v6;
	v2 =	vld [tilespmem:s2+$0x470]  }
0x2d7: {  	v9 =	vld.idx.msk [tilespmem:v9+s3+$0x0], $0xffff  }
0x2d8: {  	v6 =	vadd.s32 $0xD, v6;
	v4 =	vld.idx.msk [tilespmem:v4+s3+$0x0], $0xffff  }
0x2d9: {  	v6 =	vand.u32 $0x7F, v6;
	v13 =	vmul.u32 $0x27, v13;
	v8 =	vld.idx.msk [tilespmem:v8+s3+$0x0], $0xffff  }
0x2da: {  	v6 =	vor.u32 s11, v6;
	[tilespmem:v3+s9+$0x0] =	vst.idx.add.f32.msk $0xffff, v1  }
0x2db: {  	v3 =	vadd.s32 $0xD, v13;
	v5 =	vld.idx.msk [tilespmem:v5+s3+$0x0], $0xffff  }
0x2dc: {  	v3 =	vand.u32 $0x7F, v3;
	v13 =	vld [tilespmem:s0+$0x30]  }
0x2dd: {  	v3 =	vor.u32 s12, v3;
	v7 =	vld.idx.msk [tilespmem:v7+s3+$0x0], $0xffff  }
0x2de: {  	v9 =	vmul.u32 $0x27, v9;
	v8 =	vmul.u32 $0x27, v8;
	v14 =	vld.idx.msk [tilespmem:v2+s3+$0x0], $0xffff  }
0x2df: {  	[tilespmem:v6+s9+$0x0] =	vst.idx.add.f32.msk $0xffff, v1;
	v4 =	vmul.u32 $0x27, v4;
	v2 =	vmul.u32 $0x27, v11  }
0x2e0: {  	v10 =	vld.idx.msk [tilespmem:v10+s3+$0x0], $0xffff;
	v9 =	vadd.s32 $0xD, v9;
	v8 =	vadd.s32 $0xD, v8;
	v5 =	vmul.u32 $0x27, v5  }
0x2e1: {  	v9 =	vand.u32 $0x7F, v9;
	v11 =	vld.idx.msk [tilespmem:v12+s3+$0x0], $0xffff;
	v8 =	vand.u32 $0x7F, v8;
	v2 =	vadd.s32 $0xD, v2  }
0x2e2: {  	s8 =	simm.s32 $0x1000;
	[tilespmem:v3+s9+$0x0] =	vst.idx.add.f32.msk $0xffff, v1;
	v8 =	vor.u32 s30, v8;
	v3 =	vadd.s32 $0xD, v5;
	v7 =	vmul.u32 $0x27, v7  }
0x2e3: {  	s6 =	sand.u32 $0x7800, s8;
	s4 =	simm.s32 $0x880;
	v5 =	vld [tilespmem:s13+$0x460];
	v2 =	vand.u32 $0x7F, v2;
	v3 =	vand.u32 $0x7F, v3;
	v12 =	vmul.u32 $0x27, v14  }
0x2e4: {  	s7 =	sor.u32 $0x8000, s6;
	v15 =	vld.idx.msk [tilespmem:v13+s3+$0x0], $0xffff;
	v2 =	vor.u32 s25, v2;
	s25 =	sand.u32 $0x380, s4;
	v7 =	vadd.s32 $0xD, v7;
	v14 =	vor.u32 s22, v3  }
0x2e5: {  	v6 =	vor.u32 s18, v9;
	s2 =	sor.u32 s25, s7;
	v3 =	vld [tilespmem:s28+$0x470];
	v7 =	vand.u32 $0x7F, v7;
	v12 =	vadd.s32 $0xD, v12  }
0x2e6: {  	v9 =	vmul.u32 $0x27, v10;
	v13 =	vld [tilespmem:s2+$0x0];
	v10 =	vor.u32 s19, v7;
	v7 =	vand.u32 $0x7F, v12  }
0x2e7: {  	v16 =	vadd.s32 $0xD, v4;
	[tilespmem:v8+s9+$0x0] =	vst.idx.add.f32.msk $0xffff, v1;
	v4 =	vor.u32 s1, v7  }
0x2e8: {  	s6 =	simm.s32 $0x800;
	v9 =	vadd.s32 $0xD, v9;
	v17 =	vmul.u32 $0x27, v11;
	v12 =	vld [tilespmem:s31+$0x40]  }
0x2e9: {  	s6 =	sand.u32 $0x300, s6;
	v8 =	vand.u32 $0x7F, v9;
	v7 =	vand.u32 $0x7F, v16;
	[tilespmem:v14+s9+$0x0] =	vst.idx.add.f32.msk $0xffff, v1;
	v14 =	vmul.u32 $0x27, v15  }
0x2ea: {  	s25 =	sor.u32 s6, s7;
	s28 =	simm.s32 $0x12;
	v9 =	vor.u32 s21, v8;
	s1 =	simm.s32 $0x10;
	v8 =	vor.u32 s16, v7;
	v7 =	vadd.s32 $0xD, v17;
	v11 =	vld [tilespmem:s24+$0x400]  }
.LBB2_4:
0x2eb: {  	p0 =	slt.u32 s28, $0x7E;
	v14 =	vadd.s32 $0xD, v14;
	[tilespmem:v10+s9+$0x0] =	vst.idx.add.f32.msk $0xffff, v1;
	v7 =	vand.u32 $0x7F, v7  }
0x2ec: {  	v10 =	vand.u32 $0x7F, v14;
	[tilespmem:v4+s9+$0x0] =	vst.idx.add.f32.msk $0xffff, v1;
	v4 =	vor.u32 s14, v7  }
0x2ed: {  	v7 =	vor.u32 s29, v10;
	v10 =	vld [tilespmem:s26+$0x440]  }
0x2ee: {  	v14 =	vld [tilespmem:s25+$0x0]  }
0x2ef: {  	v13 =	vld.idx.msk [tilespmem:v13+s3+$0x0], $0xffff  }
0x2f0: {  	[tilespmem:v9+s9+$0x0] =	vst.idx.add.f32.msk $0xffff, v1  }
0x2f1: {  	v9 =	vld.idx.msk [tilespmem:v12+s3+$0x0], $0xffff  }
0x2f2: {  	[tilespmem:v7+s9+$0x0] =	vst.idx.add.f32.msk $0xffff, v1  }
0x2f3: {  	v7 =	vld.idx.msk [tilespmem:v11+s3+$0x0], $0xffff  }
0x2f4: {  	v11 =	vld [tilespmem:s0+$0x40]  }
0x2f5: {  	v12 =	vmul.u32 $0x27, v13;
	v10 =	vld.idx.msk [tilespmem:v10+s3+$0x0], $0xffff  }
0x2f6: {  	v13 =	vld.idx.msk [tilespmem:v14+s3+$0x0], $0xffff  }
0x2f7: {  	s6 =	sshll.u32 s1, $0x7;
	s1 =	smov.u32 s28;
	v12 =	vadd.s32 $0xD, v12;
	v9 =	vmul.u32 $0x27, v9;
	v14 =	vld [tilespmem:s23+$0x70]  }
0x2f8: {  	s5 =	sadd.s32 $0x80, s6;
	v12 =	vand.u32 $0x7F, v12;
	[tilespmem:v6+s9+$0x0] =	vst.idx.add.f32.msk $0xffff, v1  }
0x2f9: {  	v6 =	vor.u32 s5, v12;
	v9 =	vadd.s32 $0xD, v9;
	v7 =	vmul.u32 $0x27, v7;
	v12 =	vld [tilespmem:s20+$0x410]  }
0x2fa: {  	v9 =	vand.u32 $0x7F, v9;
	[tilespmem:v8+s9+$0x0] =	vst.idx.add.f32.msk $0xffff, v1  }
0x2fb: {  	v8 =	vor.u32 s30, v9;
	v7 =	vadd.s32 $0xD, v7;
	v9 =	vmul.u32 $0x27, v10;
	v10 =	vld [tilespmem:s17+$0x430]  }
0x2fc: {  	v13 =	vmul.u32 $0x27, v13;
	v7 =	vand.u32 $0x7F, v7;
	v11 =	vld.idx.msk [tilespmem:v11+s3+$0x0], $0xffff  }
0x2fd: {  	v7 =	vor.u32 s22, v7;
	v9 =	vadd.s32 $0xD, v9;
	[tilespmem:v4+s9+$0x0] =	vst.idx.add.f32.msk $0xffff, v1  }
0x2fe: {  	v4 =	vadd.s32 $0xD, v13;
	[tilespmem:v6+s9+$0x0] =	vst.idx.add.f32.msk $0xffff, v1;
	v6 =	vand.u32 $0x7F, v9  }
0x2ff: {  	v4 =	vand.u32 $0x7F, v4;
	v9 =	vld [tilespmem:s2+$0x10];
	v6 =	vor.u32 s19, v6  }
0x300: {  	v4 =	vor.u32 s6, v4;
	[tilespmem:v8+s9+$0x0] =	vst.idx.add.f32.msk $0xffff, v1  }
0x301: {  	v8 =	vld [tilespmem:s31+$0x50]  }
0x302: {  	v11 =	vmul.u32 $0x27, v11;
	[tilespmem:v7+s9+$0x0] =	vst.idx.add.f32.msk $0xffff, v1  }
0x303: {  	v7 =	vld [tilespmem:s24+$0x410]  }
0x304: {  	v11 =	vadd.s32 $0xD, v11;
	[tilespmem:v6+s9+$0x0] =	vst.idx.add.f32.msk $0xffff, v1  }
0x305: {  	v6 =	vand.u32 $0x7F, v11;
	v11 =	vld [tilespmem:s26+$0x450]  }
0x306: {  	[tilespmem:v4+s9+$0x0] =	vst.idx.add.f32.msk $0xffff, v1;
	v4 =	vor.u32 s29, v6  }
0x307: {  	v6 =	vld.idx.msk [tilespmem:v9+s3+$0x0], $0xffff  }
0x308: {  	v9 =	vld [tilespmem:s25+$0x10]  }
0x309: {  	v8 =	vld.idx.msk [tilespmem:v8+s3+$0x0], $0xffff  }
0x30a: {  	v13 =	vld.idx.msk [tilespmem:v14+s3+$0x0], $0xffff  }
0x30b: {  	v7 =	vld.idx.msk [tilespmem:v7+s3+$0x0], $0xffff  }
0x30c: {  	[tilespmem:v4+s9+$0x0] =	vst.idx.add.f32.msk $0xffff, v1  }
0x30d: {  	v4 =	vmul.u32 $0x27, v6;
	v6 =	vld.idx.msk [tilespmem:v11+s3+$0x0], $0xffff  }
0x30e: {  	v11 =	vld [tilespmem:s0+$0x50]  }
0x30f: {  	v4 =	vadd.s32 $0xD, v4;
	v8 =	vmul.u32 $0x27, v8;
	v12 =	vld.idx.msk [tilespmem:v12+s3+$0x0], $0xffff  }
0x310: {  	v4 =	vand.u32 $0x7F, v4;
	v13 =	vmul.u32 $0x27, v13;
	v9 =	vld.idx.msk [tilespmem:v9+s3+$0x0], $0xffff  }
0x311: {  	v4 =	vor.u32 s5, v4;
	v8 =	vadd.s32 $0xD, v8;
	v7 =	vmul.u32 $0x27, v7;
	v10 =	vld.idx.msk [tilespmem:v10+s3+$0x0], $0xffff  }
0x312: {  	v8 =	vand.u32 $0x7F, v8;
	v13 =	vadd.s32 $0xD, v13;
	v14 =	vld [tilespmem:s15+$0x450]  }
0x313: {  	v8 =	vor.u32 s30, v8;
	v7 =	vadd.s32 $0xD, v7;
	v6 =	vmul.u32 $0x27, v6;
	v5 =	vld.idx.msk [tilespmem:v5+s3+$0x0], $0xffff  }
0x314: {  	v13 =	vand.u32 $0x7F, v13;
	v7 =	vand.u32 $0x7F, v7;
	v3 =	vld.idx.msk [tilespmem:v3+s3+$0x0], $0xffff  }
0x315: {  	v13 =	vor.u32 s21, v13;
	v7 =	vor.u32 s22, v7;
	v6 =	vadd.s32 $0xD, v6;
	[tilespmem:v2+s9+$0x0] =	vst.idx.add.f32.msk $0xffff, v1  }
0x316: {  	v2 =	vmul.u32 $0x27, v9;
	v6 =	vand.u32 $0x7F, v6;
	[tilespmem:v4+s9+$0x0] =	vst.idx.add.f32.msk $0xffff, v1;
	v4 =	vmul.u32 $0x27, v12  }
0x317: {  	v6 =	vor.u32 s19, v6;
	v10 =	vmul.u32 $0x27, v10;
	v9 =	vld [tilespmem:s2+$0x20]  }
0x318: {  	v2 =	vadd.s32 $0xD, v2;
	[tilespmem:v8+s9+$0x0] =	vst.idx.add.f32.msk $0xffff, v1;
	v4 =	vadd.s32 $0xD, v4  }
0x319: {  	v2 =	vand.u32 $0x7F, v2;
	v10 =	vadd.s32 $0xD, v10;
	v8 =	vld [tilespmem:s31+$0x60];
	v4 =	vand.u32 $0x7F, v4  }
0x31a: {  	v12 =	vor.u32 s6, v2;
	v2 =	vand.u32 $0x7F, v10;
	[tilespmem:v7+s9+$0x0] =	vst.idx.add.f32.msk $0xffff, v1;
	v4 =	vor.u32 s18, v4  }
0x31b: {  	v3 =	vmul.u32 $0x27, v3;
	v10 =	vor.u32 s16, v2;
	v2 =	vmul.u32 $0x27, v5;
	v7 =	vld [tilespmem:s24+$0x420]  }
0x31c: {  	[tilespmem:v6+s9+$0x0] =	vst.idx.add.f32.msk $0xffff, v1  }
0x31d: {  	v3 =	vadd.s32 $0xD, v3;
	v2 =	vadd.s32 $0xD, v2;
	v5 =	vld [tilespmem:s26+$0x460]  }
0x31e: {  	v2 =	vand.u32 $0x7F, v2;
	v6 =	vld.idx.msk [tilespmem:v11+s3+$0x0], $0xffff;
	v11 =	vand.u32 $0x7F, v3  }
0x31f: {  	v3 =	vor.u32 s12, v2;
	v9 =	vld.idx.msk [tilespmem:v9+s3+$0x0], $0xffff;
	v2 =	vor.u32 s11, v11;
	s11 =	smov.u32 s12;
	s12 =	smov.u32 s14;
	s14 =	smov.u32 s16  }
0x320: {  	s16 =	smov.u32 s18;
	s18 =	smov.u32 s21;
	s21 =	smov.u32 s29;
	[tilespmem:v12+s9+$0x0] =	vst.idx.add.f32.msk $0xffff, v1  }
0x321: {  	s29 =	smov.u32 s6;
	v8 =	vld.idx.msk [tilespmem:v8+s3+$0x0], $0xffff  }
0x322: {  	v11 =	vld [tilespmem:s25+$0x20]  }
0x323: {  	v7 =	vld.idx.msk [tilespmem:v7+s3+$0x0], $0xffff  }
0x324: {  	v6 =	vmul.u32 $0x27, v6;
	[tilespmem:v13+s9+$0x0] =	vst.idx.add.f32.msk $0xffff, v1  }
0x325: {  	v9 =	vmul.u32 $0x27, v9;
	v5 =	vld.idx.msk [tilespmem:v5+s3+$0x0], $0xffff  }
0x326: {  	v6 =	vadd.s32 $0xD, v6;
	v12 =	vld [tilespmem:s23+$0x400]  }
0x327: {  	v9 =	vadd.s32 $0xD, v9;
	v6 =	vand.u32 $0x7F, v6;
	v8 =	vmul.u32 $0x27, v8;
	[tilespmem:v4+s9+$0x0] =	vst.idx.add.f32.msk $0xffff, v1  }
0x328: {  	v4 =	vand.u32 $0x7F, v9;
	v6 =	vor.u32 s21, v6;
	v9 =	vld [tilespmem:s20+$0x420]  }
0x329: {  	v4 =	vor.u32 s5, v4;
	v8 =	vadd.s32 $0xD, v8;
	v7 =	vmul.u32 $0x27, v7;
	[tilespmem:v10+s9+$0x0] =	vst.idx.add.f32.msk $0xffff, v1  }
0x32a: {  	v8 =	vand.u32 $0x7F, v8;
	v10 =	vld.idx.msk [tilespmem:v11+s3+$0x0], $0xffff  }
0x32b: {  	v8 =	vor.u32 s30, v8;
	v7 =	vadd.s32 $0xD, v7;
	v5 =	vmul.u32 $0x27, v5;
	v11 =	vld [tilespmem:s17+$0x440]  }
0x32c: {  	v7 =	vand.u32 $0x7F, v7;
	v13 =	vld.idx.msk [tilespmem:v14+s3+$0x0], $0xffff  }
0x32d: {  	v5 =	vadd.s32 $0xD, v5;
	[tilespmem:v6+s9+$0x0] =	vst.idx.add.f32.msk $0xffff, v1;
	v6 =	vor.u32 s22, v7  }
0x32e: {  	[tilespmem:v4+s9+$0x0] =	vst.idx.add.f32.msk $0xffff, v1;
	v4 =	vand.u32 $0x7F, v5  }
0x32f: {  	v5 =	vld [tilespmem:s2+$0x30];
	v4 =	vor.u32 s19, v4  }
0x330: {  	v7 =	vmul.u32 $0x27, v10;
	[tilespmem:v8+s9+$0x0] =	vst.idx.add.f32.msk $0xffff, v1  }
0x331: {  	v8 =	vld [tilespmem:s31+$0x70]  }
0x332: {  	v7 =	vadd.s32 $0xD, v7;
	[tilespmem:v6+s9+$0x0] =	vst.idx.add.f32.msk $0xffff, v1;
	v6 =	vmul.u32 $0x27, v13  }
0x333: {  	v7 =	vand.u32 $0x7F, v7;
	v10 =	vld [tilespmem:s24+$0x430]  }
0x334: {  	v7 =	vor.u32 s29, v7;
	[tilespmem:v4+s9+$0x0] =	vst.idx.add.f32.msk $0xffff, v1;
	v4 =	vadd.s32 $0xD, v6  }
0x335: {  	v6 =	vld [tilespmem:s26+$0x470];
	v4 =	vand.u32 $0x7F, v4;
	s26 =	smov.u32 s24;
	s24 =	smov.u32 s31;
	s31 =	smov.u32 s2  }
0x336: {  	v13 =	vld [tilespmem:s0+$0x60];
	v4 =	vor.u32 s12, v4  }
0x337: {  	v12 =	vld.idx.msk [tilespmem:v12+s3+$0x0], $0xffff  }
0x338: {  	v5 =	vld.idx.msk [tilespmem:v5+s3+$0x0], $0xffff  }
0x339: {  	[tilespmem:v7+s9+$0x0] =	vst.idx.add.f32.msk $0xffff, v1  }
0x33a: {  	v7 =	vld.idx.msk [tilespmem:v8+s3+$0x0], $0xffff  }
0x33b: {  	v8 =	vld [tilespmem:s25+$0x30]  }
0x33c: {  	v10 =	vld.idx.msk [tilespmem:v10+s3+$0x0], $0xffff  }
0x33d: {  	v12 =	vmul.u32 $0x27, v12;
	v14 =	vld.idx.msk [tilespmem:v6+s3+$0x0], $0xffff  }
0x33e: {  	v5 =	vmul.u32 $0x27, v5;
	v13 =	vld.idx.msk [tilespmem:v13+s3+$0x0], $0xffff  }
0x33f: {  	v6 =	vadd.s32 $0xD, v12;
	v9 =	vld.idx.msk [tilespmem:v9+s3+$0x0], $0xffff  }
0x340: {  	v5 =	vadd.s32 $0xD, v5;
	v7 =	vmul.u32 $0x27, v7;
	v6 =	vand.u32 $0x7F, v6;
	v11 =	vld.idx.msk [tilespmem:v11+s3+$0x0], $0xffff  }
0x341: {  	v5 =	vand.u32 $0x7F, v5;
	v6 =	vor.u32 s18, v6;
	[tilespmem:v4+s9+$0x0] =	vst.idx.add.f32.msk $0xffff, v1  }
0x342: {  	s8 =	sadd.s32 $0x200, s8;
	v4 =	vor.u32 s5, v5;
	v7 =	vadd.s32 $0xD, v7;
	v10 =	vmul.u32 $0x27, v10;
	v5 =	vld [tilespmem:s15+$0x460]  }
0x343: {  	s4 =	sadd.s32 $0x100, s4;
	s2 =	sand.u32 $0x7800, s8;
	v7 =	vand.u32 $0x7F, v7;
	v12 =	vmul.u32 $0x27, v14;
	v8 =	vld.idx.msk [tilespmem:v8+s3+$0x0], $0xffff  }
0x344: {  	s6 =	sadd.s32 $0xFFFFFF80, s4;
	s7 =	sor.u32 $0x8000, s2;
	s2 =	sand.u32 $0x380, s4;
	v14 =	vmul.u32 $0x27, v13;
	v7 =	vor.u32 s30, v7;
	v10 =	vadd.s32 $0xD, v10;
	[tilespmem:v3+s9+$0x0] =	vst.idx.add.f32.msk $0xffff, v1  }
0x345: {  	s6 =	sand.u32 $0x300, s6;
	s2 =	sor.u32 s2, s7;
	v10 =	vand.u32 $0x7F, v10;
	v9 =	vmul.u32 $0x27, v9;
	v12 =	vadd.s32 $0xD, v12;
	v3 =	vld [tilespmem:s13+$0x470];
	s13 =	smov.u32 s15  }
.Ltmp1:
0x346: {  	s6 =	sor.u32 s6, s7;
	v14 =	vadd.s32 $0xD, v14;
	v10 =	vor.u32 s22, v10;
	v12 =	vand.u32 $0x7F, v12;
	s15 =	smov.u32 s17;
	v13 =	vld [tilespmem:s2+$0x0];
	(pc) =	sbr.rel @p0 .LBB2_4-.Ltmp1, $4  }
0x347: {  	v14 =	vand.u32 $0x7F, v14;
	v15 =	vadd.s32 $0xD, v9;
	[tilespmem:v4+s9+$0x0] =	vst.idx.add.f32.msk $0xffff, v1;
	v4 =	vor.u32 s19, v12;
	s19 =	smov.u32 s22;
	s22 =	smov.u32 s30;
	s30 =	smov.u32 s5  }
0x348: {  	v16 =	vmul.u32 $0x27, v11;
	s17 =	smov.u32 s20;
	s20 =	smov.u32 s23;
	s23 =	smov.u32 s0;
	v9 =	vor.u32 s21, v14;
	v15 =	vand.u32 $0x7F, v15;
	v12 =	vld [tilespmem:s31+$0x40]  }
0x349: {  	s0 =	smov.u32 s25;
	s25 =	smov.u32 s6;
	v14 =	vmul.u32 $0x27, v8;
	v8 =	vor.u32 s16, v15;
	[tilespmem:v7+s9+$0x0] =	vst.idx.add.f32.msk $0xffff, v1  }
0x34a: {  	s28 =	sadd.s32 $0x2, s28;
	v7 =	vadd.s32 $0xD, v16;
	v11 =	vld [tilespmem:s24+$0x400]  }
0x34b: {  	_ =	sdelay $0x3  }
0x34c: {  	v13 =	vld.idx.msk [tilespmem:v13+s3+$0x0], $0xffff;
	_ =	sdelay $0x2  }
0x34d: {  	v15 =	vld [tilespmem:s25+$0x0];
	_ =	sdelay $0x1  }
0x34e: {  	v13 =	vmul.u32 $0x27, v13;
	_ =	sdelay $0x1  }
0x34f: {  	s1 =	sshll.u32 s1, $0x7;
	v13 =	vadd.s32 $0xD, v13  }
0x350: {  	s28 =	sadd.s32 $0x80, s1;
	v13 =	vand.u32 $0x7F, v13  }
0x351: {  	v13 =	vor.u32 s28, v13;
	_ =	sdelay $0x1  }
0x352: {  	v15 =	vld.idx.msk [tilespmem:v15+s3+$0x0], $0xffff;
	_ =	sdelay $0x2  }
0x353: {  	[tilespmem:v13+s9+$0x0] =	vst.idx.add.f32.msk $0xffff, v1  }
0x354: {  	v13 =	vld [tilespmem:s2+$0x10]  }
0x355: {  	v15 =	vmul.u32 $0x27, v15;
	_ =	sdelay $0x1  }
0x356: {  	v15 =	vadd.s32 $0xD, v15  }
0x357: {  	v15 =	vand.u32 $0x7F, v15  }
0x358: {  	v15 =	vor.u32 s1, v15;
	_ =	sdelay $0x2  }
0x359: {  	v13 =	vld.idx.msk [tilespmem:v13+s3+$0x0], $0xffff;
	_ =	sdelay $0x1  }
0x35a: {  	[tilespmem:v15+s9+$0x0] =	vst.idx.add.f32.msk $0xffff, v1  }
0x35b: {  	v15 =	vld [tilespmem:s25+$0x10];
	_ =	sdelay $0x1  }
0x35c: {  	v13 =	vmul.u32 $0x27, v13;
	_ =	sdelay $0x1  }
0x35d: {  	v13 =	vadd.s32 $0xD, v13  }
0x35e: {  	v13 =	vand.u32 $0x7F, v13  }
0x35f: {  	v13 =	vor.u32 s28, v13;
	_ =	sdelay $0x1  }
0x360: {  	v15 =	vld.idx.msk [tilespmem:v15+s3+$0x0], $0xffff;
	_ =	sdelay $0x2  }
0x361: {  	[tilespmem:v13+s9+$0x0] =	vst.idx.add.f32.msk $0xffff, v1  }
0x362: {  	v13 =	vld [tilespmem:s2+$0x20]  }
0x363: {  	v15 =	vmul.u32 $0x27, v15;
	_ =	sdelay $0x1  }
0x364: {  	v15 =	vadd.s32 $0xD, v15  }
0x365: {  	v15 =	vand.u32 $0x7F, v15  }
0x366: {  	v15 =	vor.u32 s1, v15;
	_ =	sdelay $0x2  }
0x367: {  	v13 =	vld.idx.msk [tilespmem:v13+s3+$0x0], $0xffff;
	_ =	sdelay $0x1  }
0x368: {  	[tilespmem:v15+s9+$0x0] =	vst.idx.add.f32.msk $0xffff, v1  }
0x369: {  	v15 =	vld [tilespmem:s25+$0x20];
	_ =	sdelay $0x1  }
0x36a: {  	v13 =	vmul.u32 $0x27, v13;
	_ =	sdelay $0x1  }
0x36b: {  	v13 =	vadd.s32 $0xD, v13  }
0x36c: {  	v13 =	vand.u32 $0x7F, v13  }
0x36d: {  	v13 =	vor.u32 s28, v13;
	_ =	sdelay $0x1  }
0x36e: {  	v15 =	vld.idx.msk [tilespmem:v15+s3+$0x0], $0xffff;
	_ =	sdelay $0x2  }
0x36f: {  	[tilespmem:v13+s9+$0x0] =	vst.idx.add.f32.msk $0xffff, v1  }
0x370: {  	v13 =	vld [tilespmem:s2+$0x30]  }
0x371: {  	v15 =	vmul.u32 $0x27, v15;
	_ =	sdelay $0x1  }
0x372: {  	v15 =	vadd.s32 $0xD, v15  }
0x373: {  	v15 =	vand.u32 $0x7F, v15  }
0x374: {  	v15 =	vor.u32 s1, v15;
	_ =	sdelay $0x2  }
0x375: {  	v13 =	vld.idx.msk [tilespmem:v13+s3+$0x0], $0xffff;
	_ =	sdelay $0x1  }
0x376: {  	[tilespmem:v15+s9+$0x0] =	vst.idx.add.f32.msk $0xffff, v1  }
0x377: {  	v15 =	vld [tilespmem:s25+$0x30];
	_ =	sdelay $0x1  }
0x378: {  	v14 =	vadd.s32 $0xD, v14;
	v13 =	vmul.u32 $0x27, v13  }
0x379: {  	v14 =	vand.u32 $0x7F, v14  }
0x37a: {  	v42 =	vor.u32 s29, v14;
	v13 =	vadd.s32 $0xD, v13  }
0x37b: {  	v13 =	vand.u32 $0x7F, v13  }
0x37c: {  	v13 =	vor.u32 s28, v13  }
0x37d: {  	v12 =	vld.idx.msk [tilespmem:v12+s3+$0x0], $0xffff  }
0x37e: {  	v15 =	vld.idx.msk [tilespmem:v15+s3+$0x0], $0xffff  }
0x37f: {  	[tilespmem:v42+s9+$0x0] =	vst.idx.add.f32.msk $0xffff, v1  }
0x380: {  	v45 =	vld [tilespmem:s0+$0x40]  }
0x381: {  	[tilespmem:v13+s9+$0x0] =	vst.idx.add.f32.msk $0xffff, v1  }
0x382: {  	v43 =	vld [tilespmem:s2+$0x40]  }
0x383: {  	v15 =	vmul.u32 $0x27, v15;
	_ =	sdelay $0x1  }
0x384: {  	v12 =	vmul.u32 $0x27, v12;
	v15 =	vadd.s32 $0xD, v15  }
0x385: {  	v44 =	vand.u32 $0x7F, v15  }
0x386: {  	v12 =	vadd.s32 $0xD, v12;
	v13 =	vor.u32 s1, v44  }
0x387: {  	v12 =	vand.u32 $0x7F, v12;
	v15 =	vld.idx.msk [tilespmem:v45+s3+$0x0], $0xffff  }
0x388: {  	v12 =	vor.u32 s30, v12  }
0x389: {  	v14 =	vld.idx.msk [tilespmem:v43+s3+$0x0], $0xffff;
	_ =	sdelay $0x1  }
0x38a: {  	[tilespmem:v13+s9+$0x0] =	vst.idx.add.f32.msk $0xffff, v1  }
0x38b: {  	v15 =	vmul.u32 $0x27, v15;
	v13 =	vld [tilespmem:s25+$0x40]  }
0x38c: {  	[tilespmem:v12+s9+$0x0] =	vst.idx.add.f32.msk $0xffff, v1  }
0x38d: {  	v47 =	vld [tilespmem:s31+$0x50];
	v15 =	vadd.s32 $0xD, v15;
	v14 =	vmul.u32 $0x27, v14  }
0x38e: {  	v15 =	vand.u32 $0x7F, v15  }
0x38f: {  	v48 =	vor.u32 s29, v15;
	v14 =	vadd.s32 $0xD, v14  }
0x390: {  	v14 =	vand.u32 $0x7F, v14  }
0x391: {  	v46 =	vor.u32 s28, v14;
	_ =	sdelay $0x1  }
0x392: {  	v13 =	vld.idx.msk [tilespmem:v13+s3+$0x0], $0xffff  }
0x393: {  	[tilespmem:v48+s9+$0x0] =	vst.idx.add.f32.msk $0xffff, v1  }
0x394: {  	v14 =	vld.idx.msk [tilespmem:v47+s3+$0x0], $0xffff  }
0x395: {  	[tilespmem:v46+s9+$0x0] =	vst.idx.add.f32.msk $0xffff, v1  }
0x396: {  	v49 =	vld [tilespmem:s2+$0x50]  }
0x397: {  	v51 =	vld [tilespmem:s0+$0x50];
	v13 =	vmul.u32 $0x27, v13;
	_ =	sdelay $0x1  }
0x398: {  	v14 =	vmul.u32 $0x27, v14;
	v13 =	vadd.s32 $0xD, v13  }
0x399: {  	v50 =	vand.u32 $0x7F, v13  }
0x39a: {  	v14 =	vadd.s32 $0xD, v14;
	v12 =	vor.u32 s1, v50  }
0x39b: {  	v14 =	vand.u32 $0x7F, v14  }
0x39c: {  	v52 =	vor.u32 s30, v14  }
0x39d: {  	v15 =	vld.idx.msk [tilespmem:v49+s3+$0x0], $0xffff  }
0x39e: {  	v13 =	vld.idx.msk [tilespmem:v51+s3+$0x0], $0xffff  }
0x39f: {  	[tilespmem:v12+s9+$0x0] =	vst.idx.add.f32.msk $0xffff, v1  }
0x3a0: {  	v53 =	vld [tilespmem:s25+$0x50]  }
0x3a1: {  	[tilespmem:v52+s9+$0x0] =	vst.idx.add.f32.msk $0xffff, v1  }
0x3a2: {  	v12 =	vld [tilespmem:s31+$0x60];
	v54 =	vmul.u32 $0x27, v15  }
0x3a3: {  	[tilespmem:v10+s9+$0x0] =	vst.idx.add.f32.msk $0xffff, v1  }
0x3a4: {  	v11 =	vld.idx.msk [tilespmem:v11+s3+$0x0], $0xffff;
	v10 =	vadd.s32 $0xD, v54  }
0x3a5: {  	v10 =	vand.u32 $0x7F, v10  }
0x3a6: {  	v55 =	vld [tilespmem:s26+$0x440];
	v10 =	vor.u32 s28, v10  }
0x3a7: {  	v13 =	vmul.u32 $0x27, v13  }
0x3a8: {  	v14 =	vld.idx.msk [tilespmem:v53+s3+$0x0], $0xffff  }
0x3a9: {  	v56 =	vmul.u32 $0x27, v11;
	v13 =	vadd.s32 $0xD, v13  }
0x3aa: {  	v13 =	vand.u32 $0x7F, v13;
	v12 =	vld.idx.msk [tilespmem:v12+s3+$0x0], $0xffff  }
0x3ab: {  	v57 =	vor.u32 s29, v13;
	[tilespmem:v10+s9+$0x0] =	vst.idx.add.f32.msk $0xffff, v1;
	v10 =	vadd.s32 $0xD, v56  }
0x3ac: {  	v58 =	vld [tilespmem:s2+$0x60];
	v10 =	vand.u32 $0x7F, v10  }
0x3ad: {  	v14 =	vmul.u32 $0x27, v14;
	v10 =	vor.u32 s22, v10  }
0x3ae: {  	v15 =	vld.idx.msk [tilespmem:v55+s3+$0x0], $0xffff  }
0x3af: {  	v12 =	vmul.u32 $0x27, v12;
	v14 =	vadd.s32 $0xD, v14  }
0x3b0: {  	[tilespmem:v57+s9+$0x0] =	vst.idx.add.f32.msk $0xffff, v1;
	v59 =	vand.u32 $0x7F, v14  }
0x3b1: {  	v61 =	vld [tilespmem:s0+$0x60];
	v12 =	vadd.s32 $0xD, v12;
	v11 =	vor.u32 s1, v59  }
0x3b2: {  	v12 =	vand.u32 $0x7F, v12;
	[tilespmem:v10+s9+$0x0] =	vst.idx.add.f32.msk $0xffff, v1  }
0x3b3: {  	v60 =	vmul.u32 $0x27, v15;
	v63 =	vor.u32 s30, v12;
	v10 =	vld [tilespmem:s24+$0x410]  }
0x3b4: {  	v13 =	vld.idx.msk [tilespmem:v58+s3+$0x0], $0xffff  }
0x3b5: {  	[tilespmem:v9+s9+$0x0] =	vst.idx.add.f32.msk $0xffff, v1;
	v62 =	vadd.s32 $0xD, v60  }
0x3b6: {  	v9 =	vand.u32 $0x7F, v62;
	[tilespmem:v11+s9+$0x0] =	vst.idx.add.f32.msk $0xffff, v1  }
0x3b7: {  	v9 =	vor.u32 s19, v9;
	v18 =	vld [tilespmem:s25+$0x60]  }
0x3b8: {  	[tilespmem:v63+s9+$0x0] =	vst.idx.add.f32.msk $0xffff, v1  }
0x3b9: {  	v11 =	vld [tilespmem:s31+$0x70];
	v13 =	vmul.u32 $0x27, v13  }
0x3ba: {  	v15 =	vld.idx.msk [tilespmem:v61+s3+$0x0], $0xffff  }
0x3bb: {  	v20 =	vadd.s32 $0xD, v13;
	v10 =	vld.idx.msk [tilespmem:v10+s3+$0x0], $0xffff  }
0x3bc: {  	[tilespmem:v9+s9+$0x0] =	vst.idx.add.f32.msk $0xffff, v1;
	v9 =	vand.u32 $0x7F, v20  }
0x3bd: {  	[tilespmem:v6+s9+$0x0] =	vst.idx.add.f32.msk $0xffff, v1;
	v9 =	vor.u32 s28, v9  }
0x3be: {  	v21 =	vld [tilespmem:s26+$0x450]  }
0x3bf: {  	v15 =	vmul.u32 $0x27, v15;
	v12 =	vld.idx.msk [tilespmem:v18+s3+$0x0], $0xffff  }
0x3c0: {  	[tilespmem:v8+s9+$0x0] =	vst.idx.add.f32.msk $0xffff, v1;
	v10 =	vmul.u32 $0x27, v10  }
0x3c1: {  	v22 =	vadd.s32 $0xD, v15;
	v11 =	vld.idx.msk [tilespmem:v11+s3+$0x0], $0xffff  }
0x3c2: {  	v6 =	vand.u32 $0x7F, v22;
	[tilespmem:v9+s9+$0x0] =	vst.idx.add.f32.msk $0xffff, v1;
	v10 =	vadd.s32 $0xD, v10  }
0x3c3: {  	v6 =	vor.u32 s29, v6;
	v9 =	vld [tilespmem:s2+$0x70];
	v24 =	vand.u32 $0x7F, v10  }
0x3c4: {  	v19 =	vld [tilespmem:s23+$0x70];
	v12 =	vmul.u32 $0x27, v12;
	v8 =	vor.u32 s22, v24;
	_ =	sdelay $0x1  }
0x3c5: {  	v13 =	vld.idx.msk [tilespmem:v21+s3+$0x0], $0xffff;
	v11 =	vmul.u32 $0x27, v11;
	v25 =	vadd.s32 $0xD, v12  }
0x3c6: {  	v23 =	vld [tilespmem:s20+$0x410];
	v26 =	vand.u32 $0x7F, v25  }
0x3c7: {  	[tilespmem:v6+s9+$0x0] =	vst.idx.add.f32.msk $0xffff, v1;
	v29 =	vadd.s32 $0xD, v11;
	v6 =	vor.u32 s1, v26  }
0x3c8: {  	[tilespmem:v8+s9+$0x0] =	vst.idx.add.f32.msk $0xffff, v1;
	v8 =	vand.u32 $0x7F, v29  }
0x3c9: {  	v27 =	vld [tilespmem:s0+$0x70];
	v31 =	vor.u32 s30, v8  }
0x3ca: {  	v13 =	vmul.u32 $0x27, v13;
	v9 =	vld.idx.msk [tilespmem:v9+s3+$0x0], $0xffff  }
0x3cb: {  	v14 =	vld.idx.msk [tilespmem:v19+s3+$0x0], $0xffff  }
0x3cc: {  	v13 =	vadd.s32 $0xD, v13;
	[tilespmem:v6+s9+$0x0] =	vst.idx.add.f32.msk $0xffff, v1  }
0x3cd: {  	v13 =	vand.u32 $0x7F, v13;
	v32 =	vld [tilespmem:s25+$0x70]  }
0x3ce: {  	v30 =	vor.u32 s19, v13;
	[tilespmem:v31+s9+$0x0] =	vst.idx.add.f32.msk $0xffff, v1  }
0x3cf: {  	v9 =	vmul.u32 $0x27, v9;
	v37 =	vld [tilespmem:s31+$0x400]  }
0x3d0: {  	v14 =	vmul.u32 $0x27, v14  }
0x3d1: {  	v15 =	vld.idx.msk [tilespmem:v23+s3+$0x0], $0xffff;
	v9 =	vadd.s32 $0xD, v9  }
0x3d2: {  	v34 =	vadd.s32 $0xD, v14;
	v10 =	vld.idx.msk [tilespmem:v27+s3+$0x0], $0xffff;
	v9 =	vand.u32 $0x7F, v9  }
0x3d3: {  	v36 =	vand.u32 $0x7F, v34;
	[tilespmem:v30+s9+$0x0] =	vst.idx.add.f32.msk $0xffff, v1;
	v35 =	vor.u32 s28, v9  }
0x3d4: {  	v33 =	vld [tilespmem:s24+$0x420];
	v9 =	vor.u32 s21, v36  }
0x3d5: {  	v38 =	vld [tilespmem:s26+$0x460]  }
0x3d6: {  	v8 =	vld.idx.msk [tilespmem:v32+s3+$0x0], $0xffff  }
0x3d7: {  	v10 =	vmul.u32 $0x27, v10;
	v11 =	vld.idx.msk [tilespmem:v37+s3+$0x0], $0xffff  }
0x3d8: {  	[tilespmem:v35+s9+$0x0] =	vst.idx.add.f32.msk $0xffff, v1  }
0x3d9: {  	v10 =	vadd.s32 $0xD, v10;
	[tilespmem:v9+s9+$0x0] =	vst.idx.add.f32.msk $0xffff, v1  }
0x3da: {  	v10 =	vand.u32 $0x7F, v10;
	v40 =	vld [tilespmem:s2+$0x400]  }
0x3db: {  	v39 =	vor.u32 s29, v10;
	v8 =	vmul.u32 $0x27, v8;
	v9 =	vld [tilespmem:s23+$0x400];
	_ =	sdelay $0x1  }
0x3dc: {  	v13 =	vld.idx.msk [tilespmem:v33+s3+$0x0], $0xffff;
	v8 =	vadd.s32 $0xD, v8;
	v11 =	vmul.u32 $0x27, v11  }
0x3dd: {  	v28 =	vld [tilespmem:s17+$0x430];
	v41 =	vand.u32 $0x7F, v8  }
0x3de: {  	v14 =	vld.idx.msk [tilespmem:v38+s3+$0x0], $0xffff;
	v6 =	vor.u32 s1, v41;
	v11 =	vadd.s32 $0xD, v11  }
0x3df: {  	v15 =	vmul.u32 $0x27, v15;
	[tilespmem:v39+s9+$0x0] =	vst.idx.add.f32.msk $0xffff, v1;
	v11 =	vand.u32 $0x7F, v11  }
0x3e0: {  	v43 =	vld [tilespmem:s0+$0x400];
	v11 =	vor.u32 s30, v11  }
0x3e1: {  	v42 =	vadd.s32 $0xD, v15;
	v13 =	vmul.u32 $0x27, v13;
	v10 =	vld.idx.msk [tilespmem:v40+s3+$0x0], $0xffff  }
0x3e2: {  	v8 =	vand.u32 $0x7F, v42;
	v9 =	vld.idx.msk [tilespmem:v9+s3+$0x0], $0xffff  }
0x3e3: {  	v44 =	vmul.u32 $0x27, v14;
	v13 =	vadd.s32 $0xD, v13;
	v8 =	vor.u32 s18, v8;
	[tilespmem:v6+s9+$0x0] =	vst.idx.add.f32.msk $0xffff, v1  }
0x3e4: {  	v13 =	vand.u32 $0x7F, v13;
	v45 =	vld [tilespmem:s25+$0x400]  }
0x3e5: {  	v13 =	vor.u32 s22, v13;
	v6 =	vadd.s32 $0xD, v44;
	[tilespmem:v11+s9+$0x0] =	vst.idx.add.f32.msk $0xffff, v1  }
0x3e6: {  	v6 =	vand.u32 $0x7F, v6;
	v46 =	vmul.u32 $0x27, v10;
	v11 =	vld [tilespmem:s31+$0x410]  }
0x3e7: {  	v12 =	vld.idx.msk [tilespmem:v28+s3+$0x0], $0xffff;
	v6 =	vor.u32 s19, v6;
	v9 =	vmul.u32 $0x27, v9  }
0x3e8: {  	[tilespmem:v8+s9+$0x0] =	vst.idx.add.f32.msk $0xffff, v1;
	v8 =	vadd.s32 $0xD, v46  }
0x3e9: {  	v47 =	vld.idx.msk [tilespmem:v43+s3+$0x0], $0xffff;
	v9 =	vadd.s32 $0xD, v9;
	v8 =	vand.u32 $0x7F, v8  }
0x3ea: {  	[tilespmem:v13+s9+$0x0] =	vst.idx.add.f32.msk $0xffff, v1;
	v9 =	vand.u32 $0x7F, v9;
	v8 =	vor.u32 s28, v8  }
0x3eb: {  	v13 =	vld [tilespmem:s24+$0x430];
	v9 =	vor.u32 s21, v9  }
0x3ec: {  	[tilespmem:v6+s9+$0x0] =	vst.idx.add.f32.msk $0xffff, v1  }
0x3ed: {  	v14 =	vld.idx.msk [tilespmem:v45+s3+$0x0], $0xffff  }
0x3ee: {  	v7 =	vand.u32 $0x7F, v7;
	v10 =	vmul.u32 $0x27, v47;
	v11 =	vld.idx.msk [tilespmem:v11+s3+$0x0], $0xffff  }
0x3ef: {  	v7 =	vor.u32 s14, v7;
	[tilespmem:v8+s9+$0x0] =	vst.idx.add.f32.msk $0xffff, v1  }
0x3f0: {  	v49 =	vadd.s32 $0xD, v10;
	[tilespmem:v9+s9+$0x0] =	vst.idx.add.f32.msk $0xffff, v1  }
0x3f1: {  	v6 =	vand.u32 $0x7F, v49;
	v8 =	vld [tilespmem:s2+$0x410]  }
0x3f2: {  	v6 =	vor.u32 s29, v6;
	v50 =	vmul.u32 $0x27, v14;
	v9 =	vld [tilespmem:s23+$0x410];
	_ =	sdelay $0x1  }
0x3f3: {  	[tilespmem:v7+s9+$0x0] =	vst.idx.add.f32.msk $0xffff, v1;
	v10 =	vadd.s32 $0xD, v50;
	v11 =	vmul.u32 $0x27, v11  }
0x3f4: {  	v13 =	vld.idx.msk [tilespmem:v13+s3+$0x0], $0xffff;
	v51 =	vand.u32 $0x7F, v10  }
0x3f5: {  	v48 =	vld [tilespmem:s20+$0x420];
	v53 =	vor.u32 s1, v51;
	v11 =	vadd.s32 $0xD, v11  }
0x3f6: {  	v12 =	vmul.u32 $0x27, v12;
	[tilespmem:v6+s9+$0x0] =	vst.idx.add.f32.msk $0xffff, v1;
	v11 =	vand.u32 $0x7F, v11  }
0x3f7: {  	v52 =	vld [tilespmem:s0+$0x410];
	v11 =	vor.u32 s30, v11  }
0x3f8: {  	v54 =	vadd.s32 $0xD, v12;
	v8 =	vld.idx.msk [tilespmem:v8+s3+$0x0], $0xffff  }
0x3f9: {  	v7 =	vand.u32 $0x7F, v54;
	v55 =	vmul.u32 $0x27, v13;
	v9 =	vld.idx.msk [tilespmem:v9+s3+$0x0], $0xffff  }
0x3fa: {  	v7 =	vor.u32 s16, v7;
	[tilespmem:v53+s9+$0x0] =	vst.idx.add.f32.msk $0xffff, v1  }
0x3fb: {  	v12 =	vadd.s32 $0xD, v55;
	v56 =	vld [tilespmem:s25+$0x410]  }
0x3fc: {  	v12 =	vand.u32 $0x7F, v12;
	[tilespmem:v11+s9+$0x0] =	vst.idx.add.f32.msk $0xffff, v1  }
0x3fd: {  	v12 =	vor.u32 s22, v12;
	v8 =	vmul.u32 $0x27, v8;
	v11 =	vld [tilespmem:s31+$0x420]  }
0x3fe: {  	v9 =	vmul.u32 $0x27, v9  }
0x3ff: {  	[tilespmem:v7+s9+$0x0] =	vst.idx.add.f32.msk $0xffff, v1;
	v8 =	vadd.s32 $0xD, v8  }
0x400: {  	v10 =	vld.idx.msk [tilespmem:v52+s3+$0x0], $0xffff;
	v60 =	vadd.s32 $0xD, v9;
	v59 =	vand.u32 $0x7F, v8  }
0x401: {  	v57 =	vld.idx.msk [tilespmem:v48+s3+$0x0], $0xffff;
	v8 =	vand.u32 $0x7F, v60;
	v7 =	vor.u32 s28, v59  }
0x402: {  	[tilespmem:v12+s9+$0x0] =	vst.idx.add.f32.msk $0xffff, v1;
	v8 =	vor.u32 s21, v8  }
0x403: {  	v63 =	vld [tilespmem:s24+$0x440]  }
0x404: {  	v62 =	vld.idx.msk [tilespmem:v56+s3+$0x0], $0xffff  }
0x405: {  	v10 =	vmul.u32 $0x27, v10;
	v11 =	vld.idx.msk [tilespmem:v11+s3+$0x0], $0xffff  }
0x406: {  	[tilespmem:v7+s9+$0x0] =	vst.idx.add.f32.msk $0xffff, v1  }
0x407: {  	v10 =	vadd.s32 $0xD, v10;
	[tilespmem:v8+s9+$0x0] =	vst.idx.add.f32.msk $0xffff, v1  }
0x408: {  	v10 =	vand.u32 $0x7F, v10;
	v17 =	vld [tilespmem:s2+$0x420]  }
0x409: {  	v16 =	vor.u32 s29, v10;
	v12 =	vmul.u32 $0x27, v62;
	v8 =	vld [tilespmem:s23+$0x420];
	_ =	sdelay $0x1  }
0x40a: {  	v18 =	vadd.s32 $0xD, v12;
	v11 =	vmul.u32 $0x27, v11  }
0x40b: {  	v58 =	vld [tilespmem:s15+$0x450];
	v19 =	vand.u32 $0x7F, v18  }
0x40c: {  	v61 =	vmul.u32 $0x27, v57;
	v13 =	vld.idx.msk [tilespmem:v63+s3+$0x0], $0xffff;
	v7 =	vor.u32 s1, v19;
	v11 =	vadd.s32 $0xD, v11  }
0x40d: {  	[tilespmem:v16+s9+$0x0] =	vst.idx.add.f32.msk $0xffff, v1;
	v11 =	vand.u32 $0x7F, v11  }
0x40e: {  	v9 =	vadd.s32 $0xD, v61;
	v20 =	vld [tilespmem:s0+$0x420];
	v23 =	vor.u32 s30, v11  }
0x40f: {  	v9 =	vand.u32 $0x7F, v9;
	v10 =	vld.idx.msk [tilespmem:v17+s3+$0x0], $0xffff  }
0x410: {  	v9 =	vor.u32 s18, v9;
	v8 =	vld.idx.msk [tilespmem:v8+s3+$0x0], $0xffff  }
0x411: {  	[tilespmem:v7+s9+$0x0] =	vst.idx.add.f32.msk $0xffff, v1  }
0x412: {  	v24 =	vld [tilespmem:s25+$0x420]  }
0x413: {  	[tilespmem:v23+s9+$0x0] =	vst.idx.add.f32.msk $0xffff, v1  }
0x414: {  	v10 =	vmul.u32 $0x27, v10;
	v28 =	vld [tilespmem:s31+$0x430]  }
0x415: {  	[tilespmem:v9+s9+$0x0] =	vst.idx.add.f32.msk $0xffff, v1;
	v8 =	vmul.u32 $0x27, v8  }
0x416: {  	v9 =	vld.idx.msk [tilespmem:v20+s3+$0x0], $0xffff;
	v10 =	vadd.s32 $0xD, v10  }
0x417: {  	v25 =	vadd.s32 $0xD, v8;
	v10 =	vand.u32 $0x7F, v10  }
0x418: {  	v5 =	vld.idx.msk [tilespmem:v5+s3+$0x0], $0xffff;
	v7 =	vand.u32 $0x7F, v25;
	v26 =	vor.u32 s28, v10  }
0x419: {  	v21 =	vld [tilespmem:s20+$0x430];
	v7 =	vor.u32 s21, v7  }
0x41a: {  	v15 =	vld.idx.msk [tilespmem:v58+s3+$0x0], $0xffff;
	v27 =	vmul.u32 $0x27, v13  }
0x41b: {  	v9 =	vmul.u32 $0x27, v9;
	v11 =	vld.idx.msk [tilespmem:v24+s3+$0x0], $0xffff  }
0x41c: {  	v10 =	vadd.s32 $0xD, v27;
	v13 =	vld.idx.msk [tilespmem:v28+s3+$0x0], $0xffff  }
0x41d: {  	v9 =	vadd.s32 $0xD, v9;
	v10 =	vand.u32 $0x7F, v10;
	[tilespmem:v26+s9+$0x0] =	vst.idx.add.f32.msk $0xffff, v1  }
0x41e: {  	v29 =	vand.u32 $0x7F, v9;
	v10 =	vor.u32 s22, v10;
	[tilespmem:v7+s9+$0x0] =	vst.idx.add.f32.msk $0xffff, v1  }
0x41f: {  	v8 =	vor.u32 s29, v29;
	v31 =	vld [tilespmem:s2+$0x430]  }
0x420: {  	v11 =	vmul.u32 $0x27, v11;
	v33 =	vld [tilespmem:s23+$0x430]  }
0x421: {  	v36 =	vmul.u32 $0x27, v15;
	v12 =	vld.idx.msk [tilespmem:v21+s3+$0x0], $0xffff  }
0x422: {  	v22 =	vld [tilespmem:s17+$0x440];
	v34 =	vadd.s32 $0xD, v11;
	v13 =	vmul.u32 $0x27, v13  }
0x423: {  	[tilespmem:v10+s9+$0x0] =	vst.idx.add.f32.msk $0xffff, v1;
	v35 =	vand.u32 $0x7F, v34;
	v10 =	vadd.s32 $0xD, v36  }
0x424: {  	[tilespmem:v8+s9+$0x0] =	vst.idx.add.f32.msk $0xffff, v1;
	v8 =	vor.u32 s1, v35;
	v10 =	vand.u32 $0x7F, v10;
	v40 =	vadd.s32 $0xD, v13  }
0x425: {  	v37 =	vld [tilespmem:s0+$0x430];
	v39 =	vor.u32 s14, v10;
	v10 =	vand.u32 $0x7F, v40  }
0x426: {  	v30 =	vmul.u32 $0x27, v12;
	v38 =	vld [tilespmem:s24+$0x450];
	v41 =	vor.u32 s30, v10  }
0x427: {  	v12 =	vld.idx.msk [tilespmem:v31+s3+$0x0], $0xffff  }
0x428: {  	v32 =	vadd.s32 $0xD, v30;
	v9 =	vld.idx.msk [tilespmem:v33+s3+$0x0], $0xffff  }
0x429: {  	v7 =	vand.u32 $0x7F, v32;
	[tilespmem:v8+s9+$0x0] =	vst.idx.add.f32.msk $0xffff, v1  }
0x42a: {  	v7 =	vor.u32 s18, v7;
	v42 =	vld [tilespmem:s25+$0x430]  }
0x42b: {  	[tilespmem:v41+s9+$0x0] =	vst.idx.add.f32.msk $0xffff, v1  }
0x42c: {  	v12 =	vmul.u32 $0x27, v12;
	v48 =	vld [tilespmem:s31+$0x440]  }
0x42d: {  	v11 =	vld.idx.msk [tilespmem:v37+s3+$0x0], $0xffff;
	v44 =	vmul.u32 $0x27, v9  }
0x42e: {  	v14 =	vld.idx.msk [tilespmem:v22+s3+$0x0], $0xffff;
	v45 =	vadd.s32 $0xD, v12  }
0x42f: {  	[tilespmem:v7+s9+$0x0] =	vst.idx.add.f32.msk $0xffff, v1;
	v7 =	vadd.s32 $0xD, v44;
	v9 =	vand.u32 $0x7F, v45  }
0x430: {  	v3 =	vld.idx.msk [tilespmem:v3+s3+$0x0], $0xffff;
	v5 =	vmul.u32 $0x27, v5;
	v7 =	vand.u32 $0x7F, v7;
	v47 =	vor.u32 s28, v9  }
0x431: {  	v43 =	vld [tilespmem:s20+$0x440];
	v7 =	vor.u32 s21, v7  }
0x432: {  	v5 =	vadd.s32 $0xD, v5;
	v15 =	vld.idx.msk [tilespmem:v38+s3+$0x0], $0xffff;
	v11 =	vmul.u32 $0x27, v11  }
0x433: {  	v5 =	vand.u32 $0x7F, v5;
	v14 =	vmul.u32 $0x27, v14;
	v10 =	vld.idx.msk [tilespmem:v42+s3+$0x0], $0xffff  }
0x434: {  	v5 =	vor.u32 s12, v5;
	v11 =	vadd.s32 $0xD, v11;
	v9 =	vld.idx.msk [tilespmem:v48+s3+$0x0], $0xffff  }
0x435: {  	v50 =	vadd.s32 $0xD, v14;
	v49 =	vand.u32 $0x7F, v11;
	[tilespmem:v47+s9+$0x0] =	vst.idx.add.f32.msk $0xffff, v1  }
0x436: {  	v11 =	vand.u32 $0x7F, v50;
	v8 =	vor.u32 s29, v49;
	[tilespmem:v7+s9+$0x0] =	vst.idx.add.f32.msk $0xffff, v1  }
0x437: {  	v52 =	vor.u32 s16, v11;
	v51 =	vld [tilespmem:s2+$0x440]  }
0x438: {  	v10 =	vmul.u32 $0x27, v10;
	v53 =	vld [tilespmem:s23+$0x440]  }
0x439: {  	[tilespmem:v5+s9+$0x0] =	vst.idx.add.f32.msk $0xffff, v1  }
0x43a: {  	v13 =	vld.idx.msk [tilespmem:v43+s3+$0x0], $0xffff;
	v10 =	vadd.s32 $0xD, v10;
	v9 =	vmul.u32 $0x27, v9  }
0x43b: {  	[tilespmem:v8+s9+$0x0] =	vst.idx.add.f32.msk $0xffff, v1;
	v55 =	vand.u32 $0x7F, v10  }
0x43c: {  	[tilespmem:v52+s9+$0x0] =	vst.idx.add.f32.msk $0xffff, v1;
	v8 =	vor.u32 s1, v55;
	v9 =	vadd.s32 $0xD, v9  }
0x43d: {  	v54 =	vmul.u32 $0x27, v15;
	v56 =	vld [tilespmem:s0+$0x440];
	v9 =	vand.u32 $0x7F, v9  }
0x43e: {  	v59 =	vld [tilespmem:s17+$0x450];
	v60 =	vor.u32 s30, v9  }
0x43f: {  	v5 =	vadd.s32 $0xD, v54;
	v57 =	vmul.u32 $0x27, v13;
	v58 =	vld.idx.msk [tilespmem:v51+s3+$0x0], $0xffff  }
0x440: {  	v5 =	vand.u32 $0x7F, v5;
	v11 =	vld.idx.msk [tilespmem:v53+s3+$0x0], $0xffff  }
0x441: {  	v5 =	vor.u32 s22, v5;
	v7 =	vadd.s32 $0xD, v57;
	[tilespmem:v8+s9+$0x0] =	vst.idx.add.f32.msk $0xffff, v1  }
0x442: {  	v7 =	vand.u32 $0x7F, v7;
	v61 =	vld [tilespmem:s25+$0x440]  }
0x443: {  	v7 =	vor.u32 s18, v7;
	[tilespmem:v60+s9+$0x0] =	vst.idx.add.f32.msk $0xffff, v1  }
0x444: {  	v62 =	vmul.u32 $0x27, v58;
	v8 =	vld [tilespmem:s31+$0x450]  }
0x445: {  	v6 =	vld [tilespmem:s26+$0x470];
	v11 =	vmul.u32 $0x27, v11  }
0x446: {  	[tilespmem:v5+s9+$0x0] =	vst.idx.add.f32.msk $0xffff, v1;
	v5 =	vadd.s32 $0xD, v62  }
0x447: {  	v10 =	vld.idx.msk [tilespmem:v56+s3+$0x0], $0xffff;
	v18 =	vadd.s32 $0xD, v11;
	v5 =	vand.u32 $0x7F, v5  }
0x448: {  	[tilespmem:v7+s9+$0x0] =	vst.idx.add.f32.msk $0xffff, v1;
	v7 =	vand.u32 $0x7F, v18;
	v5 =	vor.u32 s28, v5  }
0x449: {  	v19 =	vld [tilespmem:s20+$0x450];
	v7 =	vor.u32 s21, v7  }
0x44a: {  	v9 =	vld.idx.msk [tilespmem:v61+s3+$0x0], $0xffff  }
0x44b: {  	v14 =	vld.idx.msk [tilespmem:v59+s3+$0x0], $0xffff  }
0x44c: {  	v10 =	vmul.u32 $0x27, v10;
	v8 =	vld.idx.msk [tilespmem:v8+s3+$0x0], $0xffff  }
0x44d: {  	[tilespmem:v5+s9+$0x0] =	vst.idx.add.f32.msk $0xffff, v1  }
0x44e: {  	v10 =	vadd.s32 $0xD, v10;
	[tilespmem:v7+s9+$0x0] =	vst.idx.add.f32.msk $0xffff, v1  }
0x44f: {  	v20 =	vand.u32 $0x7F, v10;
	v9 =	vmul.u32 $0x27, v9;
	v21 =	vld [tilespmem:s2+$0x450]  }
0x450: {  	v23 =	vmul.u32 $0x27, v14;
	v5 =	vor.u32 s29, v20;
	v7 =	vld [tilespmem:s23+$0x450]  }
0x451: {  	[tilespmem:v39+s9+$0x0] =	vst.idx.add.f32.msk $0xffff, v1;
	v9 =	vadd.s32 $0xD, v9  }
0x452: {  	v46 =	vld [tilespmem:s15+$0x460];
	v22 =	vand.u32 $0x7F, v9;
	v9 =	vadd.s32 $0xD, v23  }
0x453: {  	v11 =	vld.idx.msk [tilespmem:v19+s3+$0x0], $0xffff;
	v9 =	vand.u32 $0x7F, v9  }
0x454: {  	v63 =	vld [tilespmem:s24+$0x460];
	v8 =	vmul.u32 $0x27, v8;
	v9 =	vor.u32 s16, v9  }
0x455: {  	[tilespmem:v5+s9+$0x0] =	vst.idx.add.f32.msk $0xffff, v1;
	v5 =	vor.u32 s1, v22  }
0x456: {  	v24 =	vld [tilespmem:s0+$0x450];
	v8 =	vadd.s32 $0xD, v8  }
0x457: {  	v8 =	vand.u32 $0x7F, v8;
	v10 =	vld.idx.msk [tilespmem:v21+s3+$0x0], $0xffff  }
0x458: {  	v11 =	vmul.u32 $0x27, v11;
	v26 =	vor.u32 s30, v8;
	v7 =	vld.idx.msk [tilespmem:v7+s3+$0x0], $0xffff  }
0x459: {  	[tilespmem:v9+s9+$0x0] =	vst.idx.add.f32.msk $0xffff, v1  }
0x45a: {  	v27 =	vadd.s32 $0xD, v11;
	[tilespmem:v5+s9+$0x0] =	vst.idx.add.f32.msk $0xffff, v1  }
0x45b: {  	v8 =	vand.u32 $0x7F, v27;
	v30 =	vld [tilespmem:s17+$0x460]  }
0x45c: {  	v8 =	vor.u32 s18, v8;
	v28 =	vld [tilespmem:s25+$0x450]  }
0x45d: {  	[tilespmem:v26+s9+$0x0] =	vst.idx.add.f32.msk $0xffff, v1  }
0x45e: {  	v14 =	vld.idx.msk [tilespmem:v24+s3+$0x0], $0xffff  }
0x45f: {  	v10 =	vmul.u32 $0x27, v10;
	v32 =	vld [tilespmem:s31+$0x460]  }
0x460: {  	v13 =	vld.idx.msk [tilespmem:v63+s3+$0x0], $0xffff;
	v7 =	vmul.u32 $0x27, v7  }
0x461: {  	[tilespmem:v8+s9+$0x0] =	vst.idx.add.f32.msk $0xffff, v1;
	v29 =	vadd.s32 $0xD, v10  }
0x462: {  	v34 =	vld [tilespmem:s20+$0x460];
	v7 =	vadd.s32 $0xD, v7;
	v9 =	vand.u32 $0x7F, v29  }
0x463: {  	v12 =	vld.idx.msk [tilespmem:v46+s3+$0x0], $0xffff;
	v7 =	vand.u32 $0x7F, v7;
	v31 =	vor.u32 s28, v9  }
0x464: {  	v25 =	vld [tilespmem:s13+$0x470];
	v7 =	vor.u32 s21, v7;
	v33 =	vmul.u32 $0x27, v14  }
0x465: {  	v13 =	vmul.u32 $0x27, v13;
	v11 =	vld.idx.msk [tilespmem:v28+s3+$0x0], $0xffff  }
0x466: {  	v10 =	vld.idx.msk [tilespmem:v30+s3+$0x0], $0xffff;
	v8 =	vadd.s32 $0xD, v33  }
0x467: {  	v36 =	vadd.s32 $0xD, v13;
	v35 =	vand.u32 $0x7F, v8;
	v9 =	vld.idx.msk [tilespmem:v32+s3+$0x0], $0xffff  }
0x468: {  	v41 =	vmul.u32 $0x27, v12;
	v8 =	vand.u32 $0x7F, v36;
	[tilespmem:v31+s9+$0x0] =	vst.idx.add.f32.msk $0xffff, v1;
	v5 =	vor.u32 s29, v35  }
0x469: {  	[tilespmem:v7+s9+$0x0] =	vst.idx.add.f32.msk $0xffff, v1;
	v38 =	vor.u32 s22, v8  }
0x46a: {  	v43 =	vadd.s32 $0xD, v41;
	v45 =	vld.idx.msk [tilespmem:v34+s3+$0x0], $0xffff;
	v11 =	vmul.u32 $0x27, v11  }
0x46b: {  	v7 =	vand.u32 $0x7F, v43;
	v37 =	vld [tilespmem:s2+$0x460]  }
0x46c: {  	v39 =	vld [tilespmem:s23+$0x460];
	v7 =	vor.u32 s14, v7;
	v11 =	vadd.s32 $0xD, v11  }
0x46d: {  	v40 =	vand.u32 $0x7F, v11;
	[tilespmem:v5+s9+$0x0] =	vst.idx.add.f32.msk $0xffff, v1  }
0x46e: {  	v5 =	vor.u32 s1, v40;
	[tilespmem:v38+s9+$0x0] =	vst.idx.add.f32.msk $0xffff, v1  }
0x46f: {  	v42 =	vld [tilespmem:s0+$0x460]  }
0x470: {  	v48 =	vld [tilespmem:s24+$0x470]  }
0x471: {  	v9 =	vmul.u32 $0x27, v9;
	[tilespmem:v7+s9+$0x0] =	vst.idx.add.f32.msk $0xffff, v1  }
0x472: {  	v50 =	vld [tilespmem:s15+$0x470]  }
0x473: {  	v9 =	vadd.s32 $0xD, v9;
	[tilespmem:v5+s9+$0x0] =	vst.idx.add.f32.msk $0xffff, v1  }
0x474: {  	v49 =	vmul.u32 $0x27, v45;
	v9 =	vand.u32 $0x7F, v9;
	v47 =	vld [tilespmem:s25+$0x460]  }
0x475: {  	v9 =	vor.u32 s30, v9;
	v44 =	vld.idx.msk [tilespmem:v37+s3+$0x0], $0xffff  }
0x476: {  	v7 =	vadd.s32 $0xD, v49;
	v8 =	vld.idx.msk [tilespmem:v39+s3+$0x0], $0xffff  }
0x477: {  	v10 =	vmul.u32 $0x27, v10;
	v7 =	vand.u32 $0x7F, v7;
	v12 =	vld.idx.msk [tilespmem:v42+s3+$0x0], $0xffff  }
0x478: {  	v6 =	vld.idx.msk [tilespmem:v6+s3+$0x0], $0xffff;
	v53 =	vor.u32 s18, v7  }
0x479: {  	v15 =	vld.idx.msk [tilespmem:v25+s3+$0x0], $0xffff;
	v46 =	vadd.s32 $0xD, v10  }
0x47a: {  	v5 =	vand.u32 $0x7F, v46;
	[tilespmem:v9+s9+$0x0] =	vst.idx.add.f32.msk $0xffff, v1  }
0x47b: {  	v5 =	vor.u32 s16, v5;
	v11 =	vmul.u32 $0x27, v44;
	v52 =	vld [tilespmem:s31+$0x470]  }
0x47c: {  	v8 =	vmul.u32 $0x27, v8;
	v55 =	vmul.u32 $0x27, v12;
	v10 =	vld.idx.msk [tilespmem:v47+s3+$0x0], $0xffff  }
0x47d: {  	[tilespmem:v53+s9+$0x0] =	vst.idx.add.f32.msk $0xffff, v1;
	v11 =	vadd.s32 $0xD, v11  }
0x47e: {  	v14 =	vld.idx.msk [tilespmem:v48+s3+$0x0], $0xffff;
	v54 =	vadd.s32 $0xD, v8;
	v11 =	vand.u32 $0x7F, v11;
	v8 =	vadd.s32 $0xD, v55  }
0x47f: {  	v13 =	vld.idx.msk [tilespmem:v50+s3+$0x0], $0xffff;
	v51 =	vor.u32 s28, v11;
	v8 =	vand.u32 $0x7F, v8  }
0x480: {  	[tilespmem:v5+s9+$0x0] =	vst.idx.add.f32.msk $0xffff, v1;
	v7 =	vand.u32 $0x7F, v54;
	v8 =	vor.u32 s29, v8  }
0x481: {  	v5 =	vld [tilespmem:s20+$0x470];
	v7 =	vor.u32 s21, v7;
	v10 =	vmul.u32 $0x27, v10  }
0x482: {  	v56 =	vld [tilespmem:s17+$0x470]  }
0x483: {  	v11 =	vld.idx.msk [tilespmem:v52+s3+$0x0], $0xffff;
	v10 =	vadd.s32 $0xD, v10  }
0x484: {  	[tilespmem:v51+s9+$0x0] =	vst.idx.add.f32.msk $0xffff, v1;
	v57 =	vand.u32 $0x7F, v10  }
0x485: {  	[tilespmem:v8+s9+$0x0] =	vst.idx.add.f32.msk $0xffff, v1;
	v8 =	vor.u32 s1, v57  }
0x486: {  	[tilespmem:v7+s9+$0x0] =	vst.idx.add.f32.msk $0xffff, v1  }
0x487: {  	v9 =	vld [tilespmem:s2+$0x470]  }
0x488: {  	v7 =	vld [tilespmem:s23+$0x470]  }
0x489: {  	v58 =	vld [tilespmem:s0+$0x470]  }
0x48a: {  	v3 =	vmul.u32 $0x27, v3;
	[tilespmem:v8+s9+$0x0] =	vst.idx.add.f32.msk $0xffff, v1  }
0x48b: {  	v6 =	vmul.u32 $0x27, v6;
	v8 =	vld [tilespmem:s25+$0x470]  }
0x48c: {  	v3 =	vadd.s32 $0xD, v3  }
0x48d: {  	v3 =	vand.u32 $0x7F, v3;
	v6 =	vadd.s32 $0xD, v6;
	v15 =	vmul.u32 $0x27, v15;
	v5 =	vld.idx.msk [tilespmem:v5+s3+$0x0], $0xffff  }
0x48e: {  	v3 =	vor.u32 s11, v3;
	v6 =	vand.u32 $0x7F, v6;
	v14 =	vmul.u32 $0x27, v14;
	v12 =	vld.idx.msk [tilespmem:v56+s3+$0x0], $0xffff  }
0x48f: {  	v6 =	vor.u32 s19, v6;
	v15 =	vadd.s32 $0xD, v15;
	v13 =	vmul.u32 $0x27, v13  }
0x490: {  	v15 =	vand.u32 $0x7F, v15;
	v14 =	vadd.s32 $0xD, v14;
	v11 =	vmul.u32 $0x27, v11;
	v9 =	vld.idx.msk [tilespmem:v9+s3+$0x0], $0xffff  }
0x491: {  	v15 =	vor.u32 s12, v15;
	v14 =	vand.u32 $0x7F, v14;
	v13 =	vadd.s32 $0xD, v13;
	v7 =	vld.idx.msk [tilespmem:v7+s3+$0x0], $0xffff  }
0x492: {  	v14 =	vor.u32 s22, v14;
	v11 =	vadd.s32 $0xD, v11;
	v5 =	vmul.u32 $0x27, v5;
	v10 =	vld.idx.msk [tilespmem:v58+s3+$0x0], $0xffff  }
0x493: {  	v13 =	vand.u32 $0x7F, v13;
	v12 =	vmul.u32 $0x27, v12;
	v11 =	vand.u32 $0x7F, v11;
	v8 =	vld.idx.msk [tilespmem:v8+s3+$0x0], $0xffff  }
0x494: {  	[tilespmem:v3+s9+$0x0] =	vst.idx.add.f32.msk $0xffff, v1;
	v13 =	vor.u32 s14, v13;
	v11 =	vor.u32 s30, v11;
	v3 =	vadd.s32 $0xD, v5  }
0x495: {  	[tilespmem:v4+s9+$0x0] =	vst.idx.add.f32.msk $0xffff, v1;
	v59 =	vadd.s32 $0xD, v12;
	v3 =	vand.u32 $0x7F, v3;
	v9 =	vmul.u32 $0x27, v9  }
0x496: {  	[tilespmem:v2+s9+$0x0] =	vst.idx.add.f32.msk $0xffff, v1;
	v2 =	vand.u32 $0x7F, v59;
	v3 =	vor.u32 s18, v3;
	v61 =	vmul.u32 $0x27, v7  }
0x497: {  	[tilespmem:v6+s9+$0x0] =	vst.idx.add.f32.msk $0xffff, v1;
	v2 =	vor.u32 s16, v2;
	v60 =	vadd.s32 $0xD, v9;
	v62 =	vmul.u32 $0x27, v10  }
0x498: {  	[tilespmem:v15+s9+$0x0] =	vst.idx.add.f32.msk $0xffff, v1;
	v6 =	vadd.s32 $0xD, v61;
	v4 =	vand.u32 $0x7F, v60;
	v63 =	vmul.u32 $0x27, v8  }
0x499: {  	[tilespmem:v14+s9+$0x0] =	vst.idx.add.f32.msk $0xffff, v1;
	v6 =	vand.u32 $0x7F, v6;
	v4 =	vor.u32 s28, v4;
	v5 =	vadd.s32 $0xD, v62  }
0x49a: {  	[tilespmem:v13+s9+$0x0] =	vst.idx.add.f32.msk $0xffff, v1;
	v6 =	vor.u32 s21, v6;
	v5 =	vand.u32 $0x7F, v5;
	v7 =	vadd.s32 $0xD, v63  }
0x49b: {  	[tilespmem:v11+s9+$0x0] =	vst.idx.add.f32.msk $0xffff, v1;
	v5 =	vor.u32 s29, v5;
	v7 =	vand.u32 $0x7F, v7  }
0x49c: {  	[tilespmem:v3+s9+$0x0] =	vst.idx.add.f32.msk $0xffff, v1;
	v7 =	vor.u32 s1, v7  }
0x49d: {  	[tilespmem:v2+s9+$0x0] =	vst.idx.add.f32.msk $0xffff, v1  }
0x49e: {  	[tilespmem:v4+s9+$0x0] =	vst.idx.add.f32.msk $0xffff, v1  }
0x49f: {  	[tilespmem:v6+s9+$0x0] =	vst.idx.add.f32.msk $0xffff, v1  }
0x4a0: {  	[tilespmem:v5+s9+$0x0] =	vst.idx.add.f32.msk $0xffff, v1  }
0x4a1: {  	[tilespmem:v7+s9+$0x0] =	vst.idx.add.f32.msk $0xffff, v1  }
0x4a2: {  	s1 =	simm.s32 $0x1;
	s30 =	rddreg [dreg:$0x5]  }
0x4a3: {  	[hbm4b:s30+s3] =	stream.linear.scatter [tilespmem:s9], [sflag:$0x1], $0x4000, $0x38;
	[tilespmem:$0x14000] =	vst v63  }
0x4a4: {  	_ =	swait.ge [sflag:s1], $0x4000  }
0x4a5: {  	s10 =	sadd.s32 $0x1, s10;
	s31 =	rddreg [dreg:$0x6]  }
0x4a6: {  	p0 =	sne.s32 s10, s31  }
.Ltmp2:
0x4a7: {  	_ = 	snop;
	(pc) =	sbr.rel @p0 .LBB2_1-.Ltmp2, $3  }
0x4a8: {  	_ =	sdelay $0x1  }
0x4a9: {  	[sflag:s1] =	ssyncset.done $0x0  }
0x4aa: {  	[sflag:s1] =	ssyncadd.s32 $0xFFFFC000  }
0x4ab: {  	_ =	sfence.sel $0x180000  }
0x4ac: {  	[bflag:$0x0] =	sbarrier.arrive $0xFFFF  }
0x4ad: {  	_ =	strace $0x90000047  }
0x4ae: {  	s0 =	stileid.u32;
	[bflag:$0x2] =	sbarrier.arrive $0xFFFF  }
0x4af: {  	p0 =	sne.s32 s0, $0x0;
	s0 =	rddreg [dreg:$0x3]  }
0x4b0: {  	s0 =	sadd.s32 @!p0 $0x100000, s0  }
0x4b1: {  	[sflag:s0] =	ssyncadd.tile.s32 @!p0 $0x1;
	_ =	shalt  }
.Lfunc_end2:
_tile_overlayer_lowered:
.L_overlay_start_2:
0x4b2: {  	(tag) =	ssettag $0x2  }
0x4b3: {  	s0 =	rddreg [dreg:$0x0];
	s2 =	stileid.u32  }
0x4b4: {  	s1 =	rddreg [dreg:$0x1];
	p0 =	sne.s32 s2, $0x0  }
0x4b5: {  	s3 =	rddreg [dreg:$0x2];
	[bflag:$0x3] =	sbarrier.arrive $0xFFFF;
	s2 =	simm.s32 @!p0 $0x1C01  }
0x4b6: {  	[timem:s3], [sflag:s2] =	dma.local @!p0 [hbm:s0], s1  }
0x4b7: {  	s0 =	simm.s32 @!p0 $0x1  }
0x4b8: {  	_ =	swait.ge @!p0 [sflag:s0], s1  }
0x4b9: {  	s1 =	ssub.s32 @!p0 $0x0, s1;
	[sflag:s0] =	ssyncset.done @!p0 $0x0  }
0x4ba: {  	[sflag:s0] =	ssyncadd.s32 @!p0 s1  }
0x4bb: {  	[bflag:$0x3] =	sbarrier.arrive $0xFFFF  }
0x4bc: {  	_ =	shalt  }

</sc_bundles>
